<compile_context>
chip_gen: v7x
topology: tpu7x:2x2x1
jax: 0.10.2.dev20260603
libtpu: 0.0.44.dev20260713+nightly
codegen_flags: <defaults>
</compile_context>

<pallas_src>
import jax
import jax.numpy as jnp
from jax import lax
from jax.experimental import pallas as pl
from jax.experimental.pallas import tpu as pltpu
from jax.experimental.pallas import tpu_sc as plsc

N = 5000
L = 16
NPAD = 5008
NCHUNK = NPAD // L
MAXK = 128
KSTRIDE = 8
OUTPAD = 512
SCORE_THRESH = 0.05
F32 = jnp.float32
I32 = jnp.int32


def _lane():
    return lax.broadcasted_iota(I32, (L,), 0)


def _bcast(vec, lane_idx):
    return vec.at[jnp.full((L,), lane_idx, I32)].get(mode="promise_in_bounds")


def _row(r):
    return jnp.full((L,), r, I32)


def _nms_body(ph, oh, outh, pv, ov, kbox, outv, sem1, sem2):
    @pl.when((lax.axis_index("c") == 0) & (lax.axis_index("s") == 0))
    def _():
        cp1 = pltpu.async_copy(ph, pv, sem1)
        cp2 = pltpu.async_copy(oh, ov, sem2)

        zero = jnp.full((L,), 0.0, F32)
        for i in range(OUTPAD // L):
            outv[pl.ds(i * L, L)] = zero

        lane = _lane()
        cp1.wait()
        cp2.wait()

        def chunk_body(st):
            c, K, _go = st
            base = c * L
            idx = ov[pl.ds(base, L)]
            cs = plsc.load_gather(pv, [_row(4), idx])
            cx1 = plsc.load_gather(pv, [_row(0), idx])
            cy1 = plsc.load_gather(pv, [_row(1), idx])
            cx2 = plsc.load_gather(pv, [_row(2), idx])
            cy2 = plsc.load_gather(pv, [_row(3), idx])
            carea = (cx2 - cx1) * (cy2 - cy1)
            valid = cs > SCORE_THRESH

            def _iou_kill(bx1, by1, bx2, by2, barea):
                w = jnp.maximum(
                    jnp.minimum(cx2, bx2) - jnp.maximum(cx1, bx1), 0.0)
                h = jnp.maximum(
                    jnp.minimum(cy2, by2) - jnp.maximum(cy1, by1), 0.0)
                inter = w * h
                union = barea + carea - inter
                return inter > 0.5 * union

            def kept_body(k4, supp):
                v0 = kbox[pl.ds(k4 * (4 * KSTRIDE), L)]
                v1 = kbox[pl.ds(k4 * (4 * KSTRIDE) + L, L)]
                sa = _iou_kill(v0[0], v0[1], v0[2], v0[3], v0[4])
                sb = _iou_kill(v0[8], v0[9], v0[10], v0[11], v0[12])
                sc = _iou_kill(v1[0], v1[1], v1[2], v1[3], v1[4])
                sd = _iou_kill(v1[8], v1[9], v1[10], v1[11], v1[12])
                sb = sb & (4 * k4 + 1 < K)
                sc = sc & (4 * k4 + 2 < K)
                sd = sd & (4 * k4 + 3 < K)
                return supp | jnp.where(sa | sb | sc | sd, 1, 0)

            supp = lax.fori_loop(0, (K + 3) // 4, kept_body,
                                 jnp.full((L,), 0, I32))
            alive = jnp.where(valid & (supp == 0), 1, 0)

            kills = []
            for l in range(L - 1):
                k = _iou_kill(_bcast(cx1, l), _bcast(cy1, l),
                              _bcast(cx2, l), _bcast(cy2, l),
                              _bcast(carea, l))
                kills.append(k & (lane > l))
            surv = alive
            for l in range(L - 1):
                on = _bcast(surv, l) != 0
                surv = jnp.where(kills[l] & on, 0, surv)
            survm = surv != 0

            pos = (K + plsc.cumsum(surv) - 1) * KSTRIDE
            plsc.store_scatter(kbox, [pos], cx1, mask=survm)
            plsc.store_scatter(kbox, [pos + 1], cy1, mask=survm)
            plsc.store_scatter(kbox, [pos + 2], cx2, mask=survm)
            plsc.store_scatter(kbox, [pos + 3], cy2, mask=survm)
            plsc.store_scatter(kbox, [pos + 4], carea, mask=survm)
            plsc.store_scatter(kbox, [pos + 5], cs, mask=survm)
            Knew = K + plsc.all_reduce_population_count(survm)[0]

            go = (Knew < 100) & (c + 1 < NCHUNK) & (cs[L - 1] > SCORE_THRESH)
            return c + 1, Knew, go

        def chunk_cond(st):
            _c, _K, go = st
            return go

        _, kfin, _ = lax.while_loop(
            chunk_cond, chunk_body,
            (jnp.int32(0), jnp.int32(0), jnp.bool_(True)))

        for rc in range(7):
            off = rc * L
            rows = lane + off
            m = (rows < 100) & (rows < kfin)
            for col, field in enumerate((0, 1, 2, 3, 5)):
                vals = plsc.load_gather(kbox, [rows * KSTRIDE + field], mask=m)
                plsc.store_scatter(outv, [rows * 5 + col], vals, mask=m)
        pltpu.sync_copy(outv, outh)


@jax.jit
def _nms_sc(packed, order):
    mesh = plsc.VectorSubcoreMesh(core_axis_name="c", subcore_axis_name="s",
                                  num_cores=1)
    return pl.kernel(
        _nms_body,
        out_type=jax.ShapeDtypeStruct((OUTPAD,), F32),
        mesh=mesh,
        scratch_types=[pltpu.VMEM((5, NPAD), F32),
                       pltpu.VMEM((NPAD,), I32),
                       pltpu.VMEM((MAXK * KSTRIDE,), F32),
                       pltpu.VMEM((OUTPAD,), F32),
                       pltpu.SemaphoreType.DMA,
                       pltpu.SemaphoreType.DMA],
        compiler_params=pltpu.CompilerParams(needs_layout_passes=False),
    )(packed, order)


def kernel(boxes, scores):
    order = jnp.argsort(-scores).astype(jnp.int32)
    op = jnp.concatenate([order, jnp.arange(N, NPAD, dtype=jnp.int32)])
    packed = jnp.concatenate(
        [boxes.T, scores[None, :]], axis=0)
    packed = jnp.pad(packed, ((0, 0), (0, NPAD - N)))
    out = _nms_sc(packed, op)
    return out[:500].reshape(100, 5)

# --- scband reference (transcript-rebuilt; emitter-appended) ---
"""Pipeline reference for scband-open-set-standard-roiheads-27462020891247 (READ-ONLY COPY).

The authoritative reference and input builder live on the scoring server;
editing this copy changes nothing except your own understanding.
"""

import jax, jax.numpy as jnp
import numpy as np

SCORE_THRESH = 0.05
NMS_THRESH = 0.5
MAX_DET = 100


def setup_inputs(seed: int = 0) -> dict:
    key = jax.random.key(seed)
    k1, k2 = jax.random.split(key)
    raw = jax.random.uniform(k1, (5000, 4), dtype=jnp.float32)
    xy = raw[:, :2] * 1024.0
    wh = raw[:, 2:] * 160.0 + 1.0
    boxes = jnp.concatenate([xy, xy + wh], axis=1)
    scores = jax.random.uniform(k2, (5000,), dtype=jnp.float32)
    return {"boxes": boxes, "scores": scores}


def _pairwise_iou(b):
    area = (b[:, 2] - b[:, 0]) * (b[:, 3] - b[:, 1])
    lt = jnp.maximum(b[:, None, :2], b[None, :, :2])
    rb = jnp.minimum(b[:, None, 2:], b[None, :, 2:])
    wh = jnp.clip(rb - lt, 0.0)
    inter = wh[..., 0] * wh[..., 1]
    union = area[:, None] + area[None, :] - inter
    return inter / jnp.maximum(union, 1e-9)


def _nms_inference(boxes, scores):
    # fast_rcnn_inference-style: score threshold -> NMS -> top detections_per_img
    N = scores.shape[0]
    order = jnp.argsort(-jax.lax.stop_gradient(scores))
    b = boxes[order]
    s = scores[order]
    b_sg = jax.lax.stop_gradient(b)
    iou = _pairwise_iou(b_sg)
    valid = jax.lax.stop_gradient(s) > SCORE_THRESH
    idxs = jnp.arange(N)

    def body(i, keep):
        suppress = (iou[i] > NMS_THRESH) & (idxs > i) & keep[i]
        return keep & (~suppress)

    keep = jax.lax.fori_loop(0, N, body, valid)
    sel = jnp.where(keep, jax.lax.stop_gradient(s), -jnp.inf)
    _, topi = jax.lax.top_k(sel, MAX_DET)
    kept_mask = keep[topi].astype(s.dtype)
    out_boxes = b[topi] * kept_mask[:, None]
    out_scores = s[topi] * kept_mask
    return jnp.concatenate([out_boxes, out_scores[:, None]], axis=1)


def reference(boxes, scores):
    return _nms_inference(boxes, scores)

if __name__ == "__main__":
    import jax
    _d = setup_inputs()
    print(jax.jit(kernel)(*tuple(_d.values())))

</pallas_src>

<mosaic_0001>
#map = affine_map<(d0, d1) -> (0, 0)>
#map1 = affine_map<(d0, d1) -> (0)>
module attributes {stable_mosaic.version = 14 : i64} {
  func.func @_nms_body(%arg0: i32, %arg1: i32, %arg2: memref<5x5008xf32, #tpu.memory_space<hbm>>, %arg3: memref<5008xi32, #tpu.memory_space<hbm>>, %arg4: memref<512xf32, #tpu.memory_space<hbm>>, %arg5: memref<5x5008xf32, #tpu.memory_space<vmem>>, %arg6: memref<5008xi32, #tpu.memory_space<vmem>>, %arg7: memref<1024xf32, #tpu.memory_space<vmem>>, %arg8: memref<512xf32, #tpu.memory_space<vmem>>, %arg9: memref<!tpu.dma_semaphore, #tpu.memory_space<semaphore_mem>>, %arg10: memref<!tpu.dma_semaphore, #tpu.memory_space<semaphore_mem>>) attributes {dimension_semantics = [#tpu.dimension_semantics<core_parallel>, #tpu.dimension_semantics<subcore_parallel>], iteration_bounds = array<i64: 1, 16>, scalar_prefetch = 0 : i64, scratch_operands = 6 : i64, tpu.core_type = #tpu.core_type<sc_vector_subcore>, window_params = [{transform_indices = #map}, {transform_indices = #map1}, {transform_indices = #map1}]} {
    %eq3A = arith.constant 0 : i32
    %eq3A_0 = arith.cmpi eq, %arg0, %eq3A : i32
    %eq3A_1 = arith.constant 0 : i32
    %eq3A_2 = arith.cmpi eq, %arg1, %eq3A_1 : i32
    %and3A = arith.andi %eq3A_0, %eq3A_2 : i1
    %convert_element_type3A = arith.extui %and3A : i1 to i32
    %cond3A = arith.constant 0 : i32
    %cond3A_3 = arith.cmpi ne, %convert_element_type3A, %cond3A : i32
    scf.if %cond3A_3 {
      tpu.enqueue_dma source(%arg2 : memref<5x5008xf32, #tpu.memory_space<hbm>>) target(%arg5 : memref<5x5008xf32, #tpu.memory_space<vmem>>) target_semaphore(%arg9 : memref<!tpu.dma_semaphore, #tpu.memory_space<semaphore_mem>>)
      tpu.enqueue_dma source(%arg3 : memref<5008xi32, #tpu.memory_space<hbm>>) target(%arg6 : memref<5008xi32, #tpu.memory_space<vmem>>) target_semaphore(%arg10 : memref<!tpu.dma_semaphore, #tpu.memory_space<semaphore_mem>>)
      %broadcast_in_dim3A = arith.constant 0.000000e+00 : f32
      %broadcast_in_dim3A_4 = vector.broadcast %broadcast_in_dim3A : f32 to vector<16xf32>
      %swap3A = arith.constant 0 : index
      %swap3A_5 = tpu.vector_load %arg8[%swap3A] {strides = array<i32>} : memref<512xf32, #tpu.memory_space<vmem>>, vector<16xf32>,
      tpu.vector_store %arg8[%swap3A], %broadcast_in_dim3A_4 {strides = array<i32>} : memref<512xf32, #tpu.memory_space<vmem>>, vector<16xf32>,
      %swap3A_6 = arith.constant 16 : index
      %swap3A_7 = tpu.vector_load %arg8[%swap3A_6] {strides = array<i32>} : memref<512xf32, #tpu.memory_space<vmem>>, vector<16xf32>,
      tpu.vector_store %arg8[%swap3A_6], %broadcast_in_dim3A_4 {strides = array<i32>} : memref<512xf32, #tpu.memory_space<vmem>>, vector<16xf32>,
      %swap3A_8 = arith.constant 32 : index
      %swap3A_9 = tpu.vector_load %arg8[%swap3A_8] {strides = array<i32>} : memref<512xf32, #tpu.memory_space<vmem>>, vector<16xf32>,
      tpu.vector_store %arg8[%swap3A_8], %broadcast_in_dim3A_4 {strides = array<i32>} : memref<512xf32, #tpu.memory_space<vmem>>, vector<16xf32>,
      %swap3A_10 = arith.constant 48 : index
      %swap3A_11 = tpu.vector_load %arg8[%swap3A_10] {strides = array<i32>} : memref<512xf32, #tpu.memory_space<vmem>>, vector<16xf32>,
      tpu.vector_store %arg8[%swap3A_10], %broadcast_in_dim3A_4 {strides = array<i32>} : memref<512xf32, #tpu.memory_space<vmem>>, vector<16xf32>,
      %swap3A_12 = arith.constant 64 : index
      %swap3A_13 = tpu.vector_load %arg8[%swap3A_12] {strides = array<i32>} : memref<512xf32, #tpu.memory_space<vmem>>, vector<16xf32>,
      tpu.vector_store %arg8[%swap3A_12], %broadcast_in_dim3A_4 {strides = array<i32>} : memref<512xf32, #tpu.memory_space<vmem>>, vector<16xf32>,
      %swap3A_14 = arith.constant 80 : index
      %swap3A_15 = tpu.vector_load %arg8[%swap3A_14] {strides = array<i32>} : memref<512xf32, #tpu.memory_space<vmem>>, vector<16xf32>,
      tpu.vector_store %arg8[%swap3A_14], %broadcast_in_dim3A_4 {strides = array<i32>} : memref<512xf32, #tpu.memory_space<vmem>>, vector<16xf32>,
      %swap3A_16 = arith.constant 96 : index
      %swap3A_17 = tpu.vector_load %arg8[%swap3A_16] {strides = array<i32>} : memref<512xf32, #tpu.memory_space<vmem>>, vector<16xf32>,
      tpu.vector_store %arg8[%swap3A_16], %broadcast_in_dim3A_4 {strides = array<i32>} : memref<512xf32, #tpu.memory_space<vmem>>, vector<16xf32>,
      %swap3A_18 = arith.constant 112 : index
      %swap3A_19 = tpu.vector_load %arg8[%swap3A_18] {strides = array<i32>} : memref<512xf32, #tpu.memory_space<vmem>>, vector<16xf32>,
      tpu.vector_store %arg8[%swap3A_18], %broadcast_in_dim3A_4 {strides = array<i32>} : memref<512xf32, #tpu.memory_space<vmem>>, vector<16xf32>,
      %swap3A_20 = arith.constant 128 : index
      %swap3A_21 = tpu.vector_load %arg8[%swap3A_20] {strides = array<i32>} : memref<512xf32, #tpu.memory_space<vmem>>, vector<16xf32>,
      tpu.vector_store %arg8[%swap3A_20], %broadcast_in_dim3A_4 {strides = array<i32>} : memref<512xf32, #tpu.memory_space<vmem>>, vector<16xf32>,
      %swap3A_22 = arith.constant 144 : index
      %swap3A_23 = tpu.vector_load %arg8[%swap3A_22] {strides = array<i32>} : memref<512xf32, #tpu.memory_space<vmem>>, vector<16xf32>,
      tpu.vector_store %arg8[%swap3A_22], %broadcast_in_dim3A_4 {strides = array<i32>} : memref<512xf32, #tpu.memory_space<vmem>>, vector<16xf32>,
      %swap3A_24 = arith.constant 160 : index
      %swap3A_25 = tpu.vector_load %arg8[%swap3A_24] {strides = array<i32>} : memref<512xf32, #tpu.memory_space<vmem>>, vector<16xf32>,
      tpu.vector_store %arg8[%swap3A_24], %broadcast_in_dim3A_4 {strides = array<i32>} : memref<512xf32, #tpu.memory_space<vmem>>, vector<16xf32>,
      %swap3A_26 = arith.constant 176 : index
      %swap3A_27 = tpu.vector_load %arg8[%swap3A_26] {strides = array<i32>} : memref<512xf32, #tpu.memory_space<vmem>>, vector<16xf32>,
      tpu.vector_store %arg8[%swap3A_26], %broadcast_in_dim3A_4 {strides = array<i32>} : memref<512xf32, #tpu.memory_space<vmem>>, vector<16xf32>,
      %swap3A_28 = arith.constant 192 : index
      %swap3A_29 = tpu.vector_load %arg8[%swap3A_28] {strides = array<i32>} : memref<512xf32, #tpu.memory_space<vmem>>, vector<16xf32>,
      tpu.vector_store %arg8[%swap3A_28], %broadcast_in_dim3A_4 {strides = array<i32>} : memref<512xf32, #tpu.memory_space<vmem>>, vector<16xf32>,
      %swap3A_30 = arith.constant 208 : index
      %swap3A_31 = tpu.vector_load %arg8[%swap3A_30] {strides = array<i32>} : memref<512xf32, #tpu.memory_space<vmem>>, vector<16xf32>,
      tpu.vector_store %arg8[%swap3A_30], %broadcast_in_dim3A_4 {strides = array<i32>} : memref<512xf32, #tpu.memory_space<vmem>>, vector<16xf32>,
      %swap3A_32 = arith.constant 224 : index
      %swap3A_33 = tpu.vector_load %arg8[%swap3A_32] {strides = array<i32>} : memref<512xf32, #tpu.memory_space<vmem>>, vector<16xf32>,
      tpu.vector_store %arg8[%swap3A_32], %broadcast_in_dim3A_4 {strides = array<i32>} : memref<512xf32, #tpu.memory_space<vmem>>, vector<16xf32>,
      %swap3A_34 = arith.constant 240 : index
      %swap3A_35 = tpu.vector_load %arg8[%swap3A_34] {strides = array<i32>} : memref<512xf32, #tpu.memory_space<vmem>>, vector<16xf32>,
      tpu.vector_store %arg8[%swap3A_34], %broadcast_in_dim3A_4 {strides = array<i32>} : memref<512xf32, #tpu.memory_space<vmem>>, vector<16xf32>,
      %swap3A_36 = arith.constant 256 : index
      %swap3A_37 = tpu.vector_load %arg8[%swap3A_36] {strides = array<i32>} : memref<512xf32, #tpu.memory_space<vmem>>, vector<16xf32>,
      tpu.vector_store %arg8[%swap3A_36], %broadcast_in_dim3A_4 {strides = array<i32>} : memref<512xf32, #tpu.memory_space<vmem>>, vector<16xf32>,
      %swap3A_38 = arith.constant 272 : index
      %swap3A_39 = tpu.vector_load %arg8[%swap3A_38] {strides = array<i32>} : memref<512xf32, #tpu.memory_space<vmem>>, vector<16xf32>,
      tpu.vector_store %arg8[%swap3A_38], %broadcast_in_dim3A_4 {strides = array<i32>} : memref<512xf32, #tpu.memory_space<vmem>>, vector<16xf32>,
      %swap3A_40 = arith.constant 288 : index
      %swap3A_41 = tpu.vector_load %arg8[%swap3A_40] {strides = array<i32>} : memref<512xf32, #tpu.memory_space<vmem>>, vector<16xf32>,
      tpu.vector_store %arg8[%swap3A_40], %broadcast_in_dim3A_4 {strides = array<i32>} : memref<512xf32, #tpu.memory_space<vmem>>, vector<16xf32>,
      %swap3A_42 = arith.constant 304 : index
      %swap3A_43 = tpu.vector_load %arg8[%swap3A_42] {strides = array<i32>} : memref<512xf32, #tpu.memory_space<vmem>>, vector<16xf32>,
      tpu.vector_store %arg8[%swap3A_42], %broadcast_in_dim3A_4 {strides = array<i32>} : memref<512xf32, #tpu.memory_space<vmem>>, vector<16xf32>,
      %swap3A_44 = arith.constant 320 : index
      %swap3A_45 = tpu.vector_load %arg8[%swap3A_44] {strides = array<i32>} : memref<512xf32, #tpu.memory_space<vmem>>, vector<16xf32>,
      tpu.vector_store %arg8[%swap3A_44], %broadcast_in_dim3A_4 {strides = array<i32>} : memref<512xf32, #tpu.memory_space<vmem>>, vector<16xf32>,
      %swap3A_46 = arith.constant 336 : index
      %swap3A_47 = tpu.vector_load %arg8[%swap3A_46] {strides = array<i32>} : memref<512xf32, #tpu.memory_space<vmem>>, vector<16xf32>,
      tpu.vector_store %arg8[%swap3A_46], %broadcast_in_dim3A_4 {strides = array<i32>} : memref<512xf32, #tpu.memory_space<vmem>>, vector<16xf32>,
      %swap3A_48 = arith.constant 352 : index
      %swap3A_49 = tpu.vector_load %arg8[%swap3A_48] {strides = array<i32>} : memref<512xf32, #tpu.memory_space<vmem>>, vector<16xf32>,
      tpu.vector_store %arg8[%swap3A_48], %broadcast_in_dim3A_4 {strides = array<i32>} : memref<512xf32, #tpu.memory_space<vmem>>, vector<16xf32>,
      %swap3A_50 = arith.constant 368 : index
      %swap3A_51 = tpu.vector_load %arg8[%swap3A_50] {strides = array<i32>} : memref<512xf32, #tpu.memory_space<vmem>>, vector<16xf32>,
      tpu.vector_store %arg8[%swap3A_50], %broadcast_in_dim3A_4 {strides = array<i32>} : memref<512xf32, #tpu.memory_space<vmem>>, vector<16xf32>,
      %swap3A_52 = arith.constant 384 : index
      %swap3A_53 = tpu.vector_load %arg8[%swap3A_52] {strides = array<i32>} : memref<512xf32, #tpu.memory_space<vmem>>, vector<16xf32>,
      tpu.vector_store %arg8[%swap3A_52], %broadcast_in_dim3A_4 {strides = array<i32>} : memref<512xf32, #tpu.memory_space<vmem>>, vector<16xf32>,
      %swap3A_54 = arith.constant 400 : index
      %swap3A_55 = tpu.vector_load %arg8[%swap3A_54] {strides = array<i32>} : memref<512xf32, #tpu.memory_space<vmem>>, vector<16xf32>,
      tpu.vector_store %arg8[%swap3A_54], %broadcast_in_dim3A_4 {strides = array<i32>} : memref<512xf32, #tpu.memory_space<vmem>>, vector<16xf32>,
      %swap3A_56 = arith.constant 416 : index
      %swap3A_57 = tpu.vector_load %arg8[%swap3A_56] {strides = array<i32>} : memref<512xf32, #tpu.memory_space<vmem>>, vector<16xf32>,
      tpu.vector_store %arg8[%swap3A_56], %broadcast_in_dim3A_4 {strides = array<i32>} : memref<512xf32, #tpu.memory_space<vmem>>, vector<16xf32>,
      %swap3A_58 = arith.constant 432 : index
      %swap3A_59 = tpu.vector_load %arg8[%swap3A_58] {strides = array<i32>} : memref<512xf32, #tpu.memory_space<vmem>>, vector<16xf32>,
      tpu.vector_store %arg8[%swap3A_58], %broadcast_in_dim3A_4 {strides = array<i32>} : memref<512xf32, #tpu.memory_space<vmem>>, vector<16xf32>,
      %swap3A_60 = arith.constant 448 : index
      %swap3A_61 = tpu.vector_load %arg8[%swap3A_60] {strides = array<i32>} : memref<512xf32, #tpu.memory_space<vmem>>, vector<16xf32>,
      tpu.vector_store %arg8[%swap3A_60], %broadcast_in_dim3A_4 {strides = array<i32>} : memref<512xf32, #tpu.memory_space<vmem>>, vector<16xf32>,
      %swap3A_62 = arith.constant 464 : index
      %swap3A_63 = tpu.vector_load %arg8[%swap3A_62] {strides = array<i32>} : memref<512xf32, #tpu.memory_space<vmem>>, vector<16xf32>,
      tpu.vector_store %arg8[%swap3A_62], %broadcast_in_dim3A_4 {strides = array<i32>} : memref<512xf32, #tpu.memory_space<vmem>>, vector<16xf32>,
      %swap3A_64 = arith.constant 480 : index
      %swap3A_65 = tpu.vector_load %arg8[%swap3A_64] {strides = array<i32>} : memref<512xf32, #tpu.memory_space<vmem>>, vector<16xf32>,
      tpu.vector_store %arg8[%swap3A_64], %broadcast_in_dim3A_4 {strides = array<i32>} : memref<512xf32, #tpu.memory_space<vmem>>, vector<16xf32>,
      %swap3A_66 = arith.constant 496 : index
      %swap3A_67 = tpu.vector_load %arg8[%swap3A_66] {strides = array<i32>} : memref<512xf32, #tpu.memory_space<vmem>>, vector<16xf32>,
      tpu.vector_store %arg8[%swap3A_66], %broadcast_in_dim3A_4 {strides = array<i32>} : memref<512xf32, #tpu.memory_space<vmem>>, vector<16xf32>,
      %iota3A = tpu.iota {dimensions = array<i32: 0>} : vector<16xi32>
      tpu.wait_dma2 semaphore(%arg9 : memref<!tpu.dma_semaphore, #tpu.memory_space<semaphore_mem>>) src(%arg2 : memref<5x5008xf32, #tpu.memory_space<hbm>>) dst(%arg5 : memref<5x5008xf32, #tpu.memory_space<vmem>>)
      tpu.wait_dma2 semaphore(%arg10 : memref<!tpu.dma_semaphore, #tpu.memory_space<semaphore_mem>>) src(%arg3 : memref<5008xi32, #tpu.memory_space<hbm>>) dst(%arg6 : memref<5008xi32, #tpu.memory_space<vmem>>)
      %while3A = arith.constant 0 : i32
      %while3A_68 = arith.constant 0 : i32
      %while3A_69 = arith.constant true
      %while3A_70:3 = scf.while (%while3A_585 = %while3A, %while3A_586 = %while3A_68, %while3A_587 = %while3A_69) : (i32, i32, i1) -> (i32, i32, i1) {
        scf.condition(%while3A_587) %while3A_585, %while3A_586, %while3A_587 : i32, i32, i1
      } do {
      ^bb0(%while3A_585: i32, %while3A_586: i32, %while3A_587: i1):
        %mul3A_588 = arith.constant 16 : i32
        %mul3A_589 = arith.muli %while3A_585, %mul3A_588 : i32
        %get3A = arith.index_cast %mul3A_589 : i32 to index
        %get3A_590 = tpu.vector_load %arg6[%get3A] {strides = array<i32>} : memref<5008xi32, #tpu.memory_space<vmem>>, vector<16xi32>,
        %broadcast_in_dim3A_591 = arith.constant 4 : i32
        %broadcast_in_dim3A_592 = vector.broadcast %broadcast_in_dim3A_591 : i32 to vector<16xi32>
        %gather3A_593 = tpu.vector_load_idx %arg5[%broadcast_in_dim3A_592, %get3A_590] : memref<5x5008xf32, #tpu.memory_space<vmem>>[vector<16xi32>, vector<16xi32>], vector<16xf32>,
        %broadcast_in_dim3A_594 = arith.constant 0 : i32
        %broadcast_in_dim3A_595 = vector.broadcast %broadcast_in_dim3A_594 : i32 to vector<16xi32>
        %gather3A_596 = tpu.vector_load_idx %arg5[%broadcast_in_dim3A_595, %get3A_590] : memref<5x5008xf32, #tpu.memory_space<vmem>>[vector<16xi32>, vector<16xi32>], vector<16xf32>,
        %broadcast_in_dim3A_597 = arith.constant 1 : i32
        %broadcast_in_dim3A_598 = vector.broadcast %broadcast_in_dim3A_597 : i32 to vector<16xi32>
        %gather3A_599 = tpu.vector_load_idx %arg5[%broadcast_in_dim3A_598, %get3A_590] : memref<5x5008xf32, #tpu.memory_space<vmem>>[vector<16xi32>, vector<16xi32>], vector<16xf32>,
        %broadcast_in_dim3A_600 = arith.constant 2 : i32
        %broadcast_in_dim3A_601 = vector.broadcast %broadcast_in_dim3A_600 : i32 to vector<16xi32>
        %gather3A_602 = tpu.vector_load_idx %arg5[%broadcast_in_dim3A_601, %get3A_590] : memref<5x5008xf32, #tpu.memory_space<vmem>>[vector<16xi32>, vector<16xi32>], vector<16xf32>,
        %broadcast_in_dim3A_603 = arith.constant 3 : i32
        %broadcast_in_dim3A_604 = vector.broadcast %broadcast_in_dim3A_603 : i32 to vector<16xi32>
        %gather3A_605 = tpu.vector_load_idx %arg5[%broadcast_in_dim3A_604, %get3A_590] : memref<5x5008xf32, #tpu.memory_space<vmem>>[vector<16xi32>, vector<16xi32>], vector<16xf32>,
        %sub3A = arith.subf %gather3A_602, %gather3A_596 : vector<16xf32>
        %sub3A_606 = arith.subf %gather3A_605, %gather3A_599 : vector<16xf32>
        %mul3A_607 = arith.mulf %sub3A, %sub3A_606 : vector<16xf32>
        %gt3A = arith.constant 5.000000e-02 : f32
        %gt3A_608 = vector.broadcast %gt3A : f32 to vector<16xf32>
        %gt3A_609 = arith.cmpf ogt, %gather3A_593, %gt3A_608 : vector<16xf32>
        %add3A_610 = arith.constant 3 : i32
        %add3A_611 = arith.addi %while3A_586, %add3A_610 : i32
        %jit3A = arith.constant 4 : i32
        %div3A = arith.divsi %add3A_611, %jit3A : i32
        %sign3A = arith.constant 0 : i32
        %sign3A_612 = arith.cmpi sgt, %add3A_611, %sign3A : i32
        %sign3A_613 = arith.extui %sign3A_612 : i1 to i32
        %sign3A_614 = arith.constant 0 : i32
        %sign3A_615 = arith.cmpi slt, %add3A_611, %sign3A_614 : i32
        %sign3A_616 = arith.extui %sign3A_615 : i1 to i32
        %sign3A_617 = arith.subi %sign3A_613, %sign3A_616 : i32
        %sign3A_618 = arith.constant 0 : i32
        %sign3A_619 = arith.cmpi sgt, %jit3A, %sign3A_618 : i32
        %sign3A_620 = arith.extui %sign3A_619 : i1 to i32
        %sign3A_621 = arith.constant 0 : i32
        %sign3A_622 = arith.cmpi slt, %jit3A, %sign3A_621 : i32
        %sign3A_623 = arith.extui %sign3A_622 : i1 to i32
        %sign3A_624 = arith.subi %sign3A_620, %sign3A_623 : i32
        %ne3A = arith.cmpi ne, %sign3A_617, %sign3A_624 : i32
        %rem3A = arith.remsi %add3A_611, %jit3A : i32
        %ne3A_625 = arith.constant 0 : i32
        %ne3A_626 = arith.cmpi ne, %rem3A, %ne3A_625 : i32
        %and3A_627 = arith.andi %ne3A, %ne3A_626 : i1
        %sub3A_628 = arith.constant 1 : i32
        %sub3A_629 = arith.subi %div3A, %sub3A_628 : i32
        %select_n3A = arith.select %and3A_627, %sub3A_629, %div3A : i32
        %broadcast_in_dim3A_630 = arith.constant 0 : i32
        %broadcast_in_dim3A_631 = vector.broadcast %broadcast_in_dim3A_630 : i32 to vector<16xi32>
        %while3A_632 = arith.constant 0 : i32
        %while3A_633 = arith.subi %select_n3A, %while3A_632 : i32
        %while3A_634 = arith.addi %while3A_632, %while3A_633 : i32
        %while3A_635 = arith.constant 1 : i32
        %while3A_636 = arith.divsi %while3A_633, %while3A_635 : i32
        %while3A_637 = arith.muli %while3A_636, %while3A_635 : i32
        %while3A_638 = arith.addi %while3A_632, %while3A_637 : i32
        %while3A_639 = arith.constant 1 : i32
        %while3A_640 = scf.for %while3A_2223 = %while3A_632 to %while3A_638 step %while3A_639 iter_args(%while3A_2224 = %broadcast_in_dim3A_631) -> (vector<16xi32>)  : i32 {
          %mul3A_2225 = arith.constant 32 : i32
          %mul3A_2226 = arith.muli %while3A_2223, %mul3A_2225 : i32
          %get3A_2227 = arith.index_cast %mul3A_2226 : i32 to index
          %get3A_2228 = tpu.vector_load %arg7[%get3A_2227] {strides = array<i32>} : memref<1024xf32, #tpu.memory_space<vmem>>, vector<16xf32>,
          %mul3A_2229 = arith.constant 32 : i32
          %mul3A_2230 = arith.muli %while3A_2223, %mul3A_2229 : i32
          %add3A_2231 = arith.constant 16 : i32
          %add3A_2232 = arith.addi %mul3A_2230, %add3A_2231 : i32
          %get3A_2233 = arith.index_cast %add3A_2232 : i32 to index
          %get3A_2234 = tpu.vector_load %arg7[%get3A_2233] {strides = array<i32>} : memref<1024xf32, #tpu.memory_space<vmem>>, vector<16xf32>,
          %slice3A_2235 = vector.extract_strided_slice %get3A_2228 {offsets = [0], sizes = [1], strides = [1]} : vector<16xf32> to vector<1xf32>
          %squeeze3A_2236 = vector.extract %slice3A_2235[0] : f32 from vector<1xf32>
          %slice3A_2237 = vector.extract_strided_slice %get3A_2228 {offsets = [1], sizes = [1], strides = [1]} : vector<16xf32> to vector<1xf32>
          %squeeze3A_2238 = vector.extract %slice3A_2237[0] : f32 from vector<1xf32>
          %slice3A_2239 = vector.extract_strided_slice %get3A_2228 {offsets = [2], sizes = [1], strides = [1]} : vector<16xf32> to vector<1xf32>
          %squeeze3A_2240 = vector.extract %slice3A_2239[0] : f32 from vector<1xf32>
          %slice3A_2241 = vector.extract_strided_slice %get3A_2228 {offsets = [3], sizes = [1], strides = [1]} : vector<16xf32> to vector<1xf32>
          %squeeze3A_2242 = vector.extract %slice3A_2241[0] : f32 from vector<1xf32>
          %slice3A_2243 = vector.extract_strided_slice %get3A_2228 {offsets = [4], sizes = [1], strides = [1]} : vector<16xf32> to vector<1xf32>
          %squeeze3A_2244 = vector.extract %slice3A_2243[0] : f32 from vector<1xf32>
          %min3A_2245 = vector.broadcast %squeeze3A_2240 : f32 to vector<16xf32>
          %min3A_2246 = arith.minimumf %gather3A_602, %min3A_2245 : vector<16xf32>
          %max3A_2247 = vector.broadcast %squeeze3A_2236 : f32 to vector<16xf32>
          %max3A_2248 = arith.maximumf %gather3A_596, %max3A_2247 : vector<16xf32>
          %sub3A_2249 = arith.subf %min3A_2246, %max3A_2248 : vector<16xf32>
          %max3A_2250 = arith.constant 0.000000e+00 : f32
          %max3A_2251 = vector.broadcast %max3A_2250 : f32 to vector<16xf32>
          %max3A_2252 = arith.maximumf %sub3A_2249, %max3A_2251 : vector<16xf32>
          %min3A_2253 = vector.broadcast %squeeze3A_2242 : f32 to vector<16xf32>
          %min3A_2254 = arith.minimumf %gather3A_605, %min3A_2253 : vector<16xf32>
          %max3A_2255 = vector.broadcast %squeeze3A_2238 : f32 to vector<16xf32>
          %max3A_2256 = arith.maximumf %gather3A_599, %max3A_2255 : vector<16xf32>
          %sub3A_2257 = arith.subf %min3A_2254, %max3A_2256 : vector<16xf32>
          %max3A_2258 = arith.constant 0.000000e+00 : f32
          %max3A_2259 = vector.broadcast %max3A_2258 : f32 to vector<16xf32>
          %max3A_2260 = arith.maximumf %sub3A_2257, %max3A_2259 : vector<16xf32>
          %mul3A_2261 = arith.mulf %max3A_2252, %max3A_2260 : vector<16xf32>
          %add3A_2262 = vector.broadcast %squeeze3A_2244 : f32 to vector<16xf32>
          %add3A_2263 = arith.addf %add3A_2262, %mul3A_607 : vector<16xf32>
          %sub3A_2264 = arith.subf %add3A_2263, %mul3A_2261 : vector<16xf32>
          %mul3A_2265 = arith.constant 5.000000e-01 : f32
          %mul3A_2266 = vector.broadcast %mul3A_2265 : f32 to vector<16xf32>
          %mul3A_2267 = arith.mulf %mul3A_2266, %sub3A_2264 : vector<16xf32>
          %gt3A_2268 = arith.cmpf ogt, %mul3A_2261, %mul3A_2267 : vector<16xf32>
          %slice3A_2269 = vector.extract_strided_slice %get3A_2228 {offsets = [8], sizes = [1], strides = [1]} : vector<16xf32> to vector<1xf32>
          %squeeze3A_2270 = vector.extract %slice3A_2269[0] : f32 from vector<1xf32>
          %slice3A_2271 = vector.extract_strided_slice %get3A_2228 {offsets = [9], sizes = [1], strides = [1]} : vector<16xf32> to vector<1xf32>
          %squeeze3A_2272 = vector.extract %slice3A_2271[0] : f32 from vector<1xf32>
          %slice3A_2273 = vector.extract_strided_slice %get3A_2228 {offsets = [10], sizes = [1], strides = [1]} : vector<16xf32> to vector<1xf32>
          %squeeze3A_2274 = vector.extract %slice3A_2273[0] : f32 from vector<1xf32>
          %slice3A_2275 = vector.extract_strided_slice %get3A_2228 {offsets = [11], sizes = [1], strides = [1]} : vector<16xf32> to vector<1xf32>
          %squeeze3A_2276 = vector.extract %slice3A_2275[0] : f32 from vector<1xf32>
          %slice3A_2277 = vector.extract_strided_slice %get3A_2228 {offsets = [12], sizes = [1], strides = [1]} : vector<16xf32> to vector<1xf32>
          %squeeze3A_2278 = vector.extract %slice3A_2277[0] : f32 from vector<1xf32>
          %min3A_2279 = vector.broadcast %squeeze3A_2274 : f32 to vector<16xf32>
          %min3A_2280 = arith.minimumf %gather3A_602, %min3A_2279 : vector<16xf32>
          %max3A_2281 = vector.broadcast %squeeze3A_2270 : f32 to vector<16xf32>
          %max3A_2282 = arith.maximumf %gather3A_596, %max3A_2281 : vector<16xf32>
          %sub3A_2283 = arith.subf %min3A_2280, %max3A_2282 : vector<16xf32>
          %max3A_2284 = arith.constant 0.000000e+00 : f32
          %max3A_2285 = vector.broadcast %max3A_2284 : f32 to vector<16xf32>
          %max3A_2286 = arith.maximumf %sub3A_2283, %max3A_2285 : vector<16xf32>
          %min3A_2287 = vector.broadcast %squeeze3A_2276 : f32 to vector<16xf32>
          %min3A_2288 = arith.minimumf %gather3A_605, %min3A_2287 : vector<16xf32>
          %max3A_2289 = vector.broadcast %squeeze3A_2272 : f32 to vector<16xf32>
          %max3A_2290 = arith.maximumf %gather3A_599, %max3A_2289 : vector<16xf32>
          %sub3A_2291 = arith.subf %min3A_2288, %max3A_2290 : vector<16xf32>
          %max3A_2292 = arith.constant 0.000000e+00 : f32
          %max3A_2293 = vector.broadcast %max3A_2292 : f32 to vector<16xf32>
          %max3A_2294 = arith.maximumf %sub3A_2291, %max3A_2293 : vector<16xf32>
          %mul3A_2295 = arith.mulf %max3A_2286, %max3A_2294 : vector<16xf32>
          %add3A_2296 = vector.broadcast %squeeze3A_2278 : f32 to vector<16xf32>
          %add3A_2297 = arith.addf %add3A_2296, %mul3A_607 : vector<16xf32>
          %sub3A_2298 = arith.subf %add3A_2297, %mul3A_2295 : vector<16xf32>
          %mul3A_2299 = arith.constant 5.000000e-01 : f32
          %mul3A_2300 = vector.broadcast %mul3A_2299 : f32 to vector<16xf32>
          %mul3A_2301 = arith.mulf %mul3A_2300, %sub3A_2298 : vector<16xf32>
          %gt3A_2302 = arith.cmpf ogt, %mul3A_2295, %mul3A_2301 : vector<16xf32>
          %slice3A_2303 = vector.extract_strided_slice %get3A_2234 {offsets = [0], sizes = [1], strides = [1]} : vector<16xf32> to vector<1xf32>
          %squeeze3A_2304 = vector.extract %slice3A_2303[0] : f32 from vector<1xf32>
          %slice3A_2305 = vector.extract_strided_slice %get3A_2234 {offsets = [1], sizes = [1], strides = [1]} : vector<16xf32> to vector<1xf32>
          %squeeze3A_2306 = vector.extract %slice3A_2305[0] : f32 from vector<1xf32>
          %slice3A_2307 = vector.extract_strided_slice %get3A_2234 {offsets = [2], sizes = [1], strides = [1]} : vector<16xf32> to vector<1xf32>
          %squeeze3A_2308 = vector.extract %slice3A_2307[0] : f32 from vector<1xf32>
          %slice3A_2309 = vector.extract_strided_slice %get3A_2234 {offsets = [3], sizes = [1], strides = [1]} : vector<16xf32> to vector<1xf32>
          %squeeze3A_2310 = vector.extract %slice3A_2309[0] : f32 from vector<1xf32>
          %slice3A_2311 = vector.extract_strided_slice %get3A_2234 {offsets = [4], sizes = [1], strides = [1]} : vector<16xf32> to vector<1xf32>
          %squeeze3A_2312 = vector.extract %slice3A_2311[0] : f32 from vector<1xf32>
          %min3A_2313 = vector.broadcast %squeeze3A_2308 : f32 to vector<16xf32>
          %min3A_2314 = arith.minimumf %gather3A_602, %min3A_2313 : vector<16xf32>
          %max3A_2315 = vector.broadcast %squeeze3A_2304 : f32 to vector<16xf32>
          %max3A_2316 = arith.maximumf %gather3A_596, %max3A_2315 : vector<16xf32>
          %sub3A_2317 = arith.subf %min3A_2314, %max3A_2316 : vector<16xf32>
          %max3A_2318 = arith.constant 0.000000e+00 : f32
          %max3A_2319 = vector.broadcast %max3A_2318 : f32 to vector<16xf32>
          %max3A_2320 = arith.maximumf %sub3A_2317, %max3A_2319 : vector<16xf32>
          %min3A_2321 = vector.broadcast %squeeze3A_2310 : f32 to vector<16xf32>
          %min3A_2322 = arith.minimumf %gather3A_605, %min3A_2321 : vector<16xf32>
          %max3A_2323 = vector.broadcast %squeeze3A_2306 : f32 to vector<16xf32>
          %max3A_2324 = arith.maximumf %gather3A_599, %max3A_2323 : vector<16xf32>
          %sub3A_2325 = arith.subf %min3A_2322, %max3A_2324 : vector<16xf32>
          %max3A_2326 = arith.constant 0.000000e+00 : f32
          %max3A_2327 = vector.broadcast %max3A_2326 : f32 to vector<16xf32>
          %max3A_2328 = arith.maximumf %sub3A_2325, %max3A_2327 : vector<16xf32>
          %mul3A_2329 = arith.mulf %max3A_2320, %max3A_2328 : vector<16xf32>
          %add3A_2330 = vector.broadcast %squeeze3A_2312 : f32 to vector<16xf32>
          %add3A_2331 = arith.addf %add3A_2330, %mul3A_607 : vector<16xf32>
          %sub3A_2332 = arith.subf %add3A_2331, %mul3A_2329 : vector<16xf32>
          %mul3A_2333 = arith.constant 5.000000e-01 : f32
          %mul3A_2334 = vector.broadcast %mul3A_2333 : f32 to vector<16xf32>
          %mul3A_2335 = arith.mulf %mul3A_2334, %sub3A_2332 : vector<16xf32>
          %gt3A_2336 = arith.cmpf ogt, %mul3A_2329, %mul3A_2335 : vector<16xf32>
          %slice3A_2337 = vector.extract_strided_slice %get3A_2234 {offsets = [8], sizes = [1], strides = [1]} : vector<16xf32> to vector<1xf32>
          %squeeze3A_2338 = vector.extract %slice3A_2337[0] : f32 from vector<1xf32>
          %slice3A_2339 = vector.extract_strided_slice %get3A_2234 {offsets = [9], sizes = [1], strides = [1]} : vector<16xf32> to vector<1xf32>
          %squeeze3A_2340 = vector.extract %slice3A_2339[0] : f32 from vector<1xf32>
          %slice3A_2341 = vector.extract_strided_slice %get3A_2234 {offsets = [10], sizes = [1], strides = [1]} : vector<16xf32> to vector<1xf32>
          %squeeze3A_2342 = vector.extract %slice3A_2341[0] : f32 from vector<1xf32>
          %slice3A_2343 = vector.extract_strided_slice %get3A_2234 {offsets = [11], sizes = [1], strides = [1]} : vector<16xf32> to vector<1xf32>
          %squeeze3A_2344 = vector.extract %slice3A_2343[0] : f32 from vector<1xf32>
          %slice3A_2345 = vector.extract_strided_slice %get3A_2234 {offsets = [12], sizes = [1], strides = [1]} : vector<16xf32> to vector<1xf32>
          %squeeze3A_2346 = vector.extract %slice3A_2345[0] : f32 from vector<1xf32>
          %min3A_2347 = vector.broadcast %squeeze3A_2342 : f32 to vector<16xf32>
          %min3A_2348 = arith.minimumf %gather3A_602, %min3A_2347 : vector<16xf32>
          %max3A_2349 = vector.broadcast %squeeze3A_2338 : f32 to vector<16xf32>
          %max3A_2350 = arith.maximumf %gather3A_596, %max3A_2349 : vector<16xf32>
          %sub3A_2351 = arith.subf %min3A_2348, %max3A_2350 : vector<16xf32>
          %max3A_2352 = arith.constant 0.000000e+00 : f32
          %max3A_2353 = vector.broadcast %max3A_2352 : f32 to vector<16xf32>
          %max3A_2354 = arith.maximumf %sub3A_2351, %max3A_2353 : vector<16xf32>
          %min3A_2355 = vector.broadcast %squeeze3A_2344 : f32 to vector<16xf32>
          %min3A_2356 = arith.minimumf %gather3A_605, %min3A_2355 : vector<16xf32>
          %max3A_2357 = vector.broadcast %squeeze3A_2340 : f32 to vector<16xf32>
          %max3A_2358 = arith.maximumf %gather3A_599, %max3A_2357 : vector<16xf32>
          %sub3A_2359 = arith.subf %min3A_2356, %max3A_2358 : vector<16xf32>
          %max3A_2360 = arith.constant 0.000000e+00 : f32
          %max3A_2361 = vector.broadcast %max3A_2360 : f32 to vector<16xf32>
          %max3A_2362 = arith.maximumf %sub3A_2359, %max3A_2361 : vector<16xf32>
          %mul3A_2363 = arith.mulf %max3A_2354, %max3A_2362 : vector<16xf32>
          %add3A_2364 = vector.broadcast %squeeze3A_2346 : f32 to vector<16xf32>
          %add3A_2365 = arith.addf %add3A_2364, %mul3A_607 : vector<16xf32>
          %sub3A_2366 = arith.subf %add3A_2365, %mul3A_2363 : vector<16xf32>
          %mul3A_2367 = arith.constant 5.000000e-01 : f32
          %mul3A_2368 = vector.broadcast %mul3A_2367 : f32 to vector<16xf32>
          %mul3A_2369 = arith.mulf %mul3A_2368, %sub3A_2366 : vector<16xf32>
          %gt3A_2370 = arith.cmpf ogt, %mul3A_2363, %mul3A_2369 : vector<16xf32>
          %mul3A_2371 = arith.constant 4 : i32
          %mul3A_2372 = arith.muli %mul3A_2371, %while3A_2223 : i32
          %add3A_2373 = arith.constant 1 : i32
          %add3A_2374 = arith.addi %mul3A_2372, %add3A_2373 : i32
          %lt3A_2375 = arith.cmpi slt, %add3A_2374, %while3A_586 : i32
          %and3A_2376 = vector.broadcast %lt3A_2375 : i1 to vector<16xi1>
          %and3A_2377 = arith.andi %gt3A_2302, %and3A_2376 : vector<16xi1>
          %mul3A_2378 = arith.constant 4 : i32
          %mul3A_2379 = arith.muli %mul3A_2378, %while3A_2223 : i32
          %add3A_2380 = arith.constant 2 : i32
          %add3A_2381 = arith.addi %mul3A_2379, %add3A_2380 : i32
          %lt3A_2382 = arith.cmpi slt, %add3A_2381, %while3A_586 : i32
          %and3A_2383 = vector.broadcast %lt3A_2382 : i1 to vector<16xi1>
          %and3A_2384 = arith.andi %gt3A_2336, %and3A_2383 : vector<16xi1>
          %mul3A_2385 = arith.constant 4 : i32
          %mul3A_2386 = arith.muli %mul3A_2385, %while3A_2223 : i32
          %add3A_2387 = arith.constant 3 : i32
          %add3A_2388 = arith.addi %mul3A_2386, %add3A_2387 : i32
          %lt3A_2389 = arith.cmpi slt, %add3A_2388, %while3A_586 : i32
          %and3A_2390 = vector.broadcast %lt3A_2389 : i1 to vector<16xi1>
          %and3A_2391 = arith.andi %gt3A_2370, %and3A_2390 : vector<16xi1>
          %or3A = arith.ori %gt3A_2268, %and3A_2377 : vector<16xi1>
          %or3A_2392 = arith.ori %or3A, %and3A_2384 : vector<16xi1>
          %or3A_2393 = arith.ori %or3A_2392, %and3A_2391 : vector<16xi1>
          %jit3A_2394 = arith.constant 1 : i32
          %jit3A_2395 = arith.constant 0 : i32
          %broadcast_in_dim3A_2396 = vector.broadcast %jit3A_2394 : i32 to vector<16xi32>
          %broadcast_in_dim3A_2397 = vector.broadcast %jit3A_2395 : i32 to vector<16xi32>
          %select_n3A_2398 = arith.select %or3A_2393, %broadcast_in_dim3A_2396, %broadcast_in_dim3A_2397 : vector<16xi1>, vector<16xi32>
          %or3A_2399 = arith.ori %while3A_2224, %select_n3A_2398 : vector<16xi32>
          scf.yield %or3A_2399 : vector<16xi32>
        }
        %while3A_641 = arith.constant 1 : i32
        %while3A_642 = scf.for %while3A_2223 = %while3A_638 to %while3A_634 step %while3A_641 iter_args(%while3A_2224 = %while3A_640) -> (vector<16xi32>)  : i32 {
          %mul3A_2225 = arith.constant 32 : i32
          %mul3A_2226 = arith.muli %while3A_2223, %mul3A_2225 : i32
          %get3A_2227 = arith.index_cast %mul3A_2226 : i32 to index
          %get3A_2228 = tpu.vector_load %arg7[%get3A_2227] {strides = array<i32>} : memref<1024xf32, #tpu.memory_space<vmem>>, vector<16xf32>,
          %mul3A_2229 = arith.constant 32 : i32
          %mul3A_2230 = arith.muli %while3A_2223, %mul3A_2229 : i32
          %add3A_2231 = arith.constant 16 : i32
          %add3A_2232 = arith.addi %mul3A_2230, %add3A_2231 : i32
          %get3A_2233 = arith.index_cast %add3A_2232 : i32 to index
          %get3A_2234 = tpu.vector_load %arg7[%get3A_2233] {strides = array<i32>} : memref<1024xf32, #tpu.memory_space<vmem>>, vector<16xf32>,
          %slice3A_2235 = vector.extract_strided_slice %get3A_2228 {offsets = [0], sizes = [1], strides = [1]} : vector<16xf32> to vector<1xf32>
          %squeeze3A_2236 = vector.extract %slice3A_2235[0] : f32 from vector<1xf32>
          %slice3A_2237 = vector.extract_strided_slice %get3A_2228 {offsets = [1], sizes = [1], strides = [1]} : vector<16xf32> to vector<1xf32>
          %squeeze3A_2238 = vector.extract %slice3A_2237[0] : f32 from vector<1xf32>
          %slice3A_2239 = vector.extract_strided_slice %get3A_2228 {offsets = [2], sizes = [1], strides = [1]} : vector<16xf32> to vector<1xf32>
          %squeeze3A_2240 = vector.extract %slice3A_2239[0] : f32 from vector<1xf32>
          %slice3A_2241 = vector.extract_strided_slice %get3A_2228 {offsets = [3], sizes = [1], strides = [1]} : vector<16xf32> to vector<1xf32>
          %squeeze3A_2242 = vector.extract %slice3A_2241[0] : f32 from vector<1xf32>
          %slice3A_2243 = vector.extract_strided_slice %get3A_2228 {offsets = [4], sizes = [1], strides = [1]} : vector<16xf32> to vector<1xf32>
          %squeeze3A_2244 = vector.extract %slice3A_2243[0] : f32 from vector<1xf32>
          %min3A_2245 = vector.broadcast %squeeze3A_2240 : f32 to vector<16xf32>
          %min3A_2246 = arith.minimumf %gather3A_602, %min3A_2245 : vector<16xf32>
          %max3A_2247 = vector.broadcast %squeeze3A_2236 : f32 to vector<16xf32>
          %max3A_2248 = arith.maximumf %gather3A_596, %max3A_2247 : vector<16xf32>
          %sub3A_2249 = arith.subf %min3A_2246, %max3A_2248 : vector<16xf32>
          %max3A_2250 = arith.constant 0.000000e+00 : f32
          %max3A_2251 = vector.broadcast %max3A_2250 : f32 to vector<16xf32>
          %max3A_2252 = arith.maximumf %sub3A_2249, %max3A_2251 : vector<16xf32>
          %min3A_2253 = vector.broadcast %squeeze3A_2242 : f32 to vector<16xf32>
          %min3A_2254 = arith.minimumf %gather3A_605, %min3A_2253 : vector<16xf32>
          %max3A_2255 = vector.broadcast %squeeze3A_2238 : f32 to vector<16xf32>
          %max3A_2256 = arith.maximumf %gather3A_599, %max3A_2255 : vector<16xf32>
          %sub3A_2257 = arith.subf %min3A_2254, %max3A_2256 : vector<16xf32>
          %max3A_2258 = arith.constant 0.000000e+00 : f32
          %max3A_2259 = vector.broadcast %max3A_2258 : f32 to vector<16xf32>
          %max3A_2260 = arith.maximumf %sub3A_2257, %max3A_2259 : vector<16xf32>
          %mul3A_2261 = arith.mulf %max3A_2252, %max3A_2260 : vector<16xf32>
          %add3A_2262 = vector.broadcast %squeeze3A_2244 : f32 to vector<16xf32>
          %add3A_2263 = arith.addf %add3A_2262, %mul3A_607 : vector<16xf32>
          %sub3A_2264 = arith.subf %add3A_2263, %mul3A_2261 : vector<16xf32>
          %mul3A_2265 = arith.constant 5.000000e-01 : f32
          %mul3A_2266 = vector.broadcast %mul3A_2265 : f32 to vector<16xf32>
          %mul3A_2267 = arith.mulf %mul3A_2266, %sub3A_2264 : vector<16xf32>
          %gt3A_2268 = arith.cmpf ogt, %mul3A_2261, %mul3A_2267 : vector<16xf32>
          %slice3A_2269 = vector.extract_strided_slice %get3A_2228 {offsets = [8], sizes = [1], strides = [1]} : vector<16xf32> to vector<1xf32>
          %squeeze3A_2270 = vector.extract %slice3A_2269[0] : f32 from vector<1xf32>
          %slice3A_2271 = vector.extract_strided_slice %get3A_2228 {offsets = [9], sizes = [1], strides = [1]} : vector<16xf32> to vector<1xf32>
          %squeeze3A_2272 = vector.extract %slice3A_2271[0] : f32 from vector<1xf32>
          %slice3A_2273 = vector.extract_strided_slice %get3A_2228 {offsets = [10], sizes = [1], strides = [1]} : vector<16xf32> to vector<1xf32>
          %squeeze3A_2274 = vector.extract %slice3A_2273[0] : f32 from vector<1xf32>
          %slice3A_2275 = vector.extract_strided_slice %get3A_2228 {offsets = [11], sizes = [1], strides = [1]} : vector<16xf32> to vector<1xf32>
          %squeeze3A_2276 = vector.extract %slice3A_2275[0] : f32 from vector<1xf32>
          %slice3A_2277 = vector.extract_strided_slice %get3A_2228 {offsets = [12], sizes = [1], strides = [1]} : vector<16xf32> to vector<1xf32>
          %squeeze3A_2278 = vector.extract %slice3A_2277[0] : f32 from vector<1xf32>
          %min3A_2279 = vector.broadcast %squeeze3A_2274 : f32 to vector<16xf32>
          %min3A_2280 = arith.minimumf %gather3A_602, %min3A_2279 : vector<16xf32>
          %max3A_2281 = vector.broadcast %squeeze3A_2270 : f32 to vector<16xf32>
          %max3A_2282 = arith.maximumf %gather3A_596, %max3A_2281 : vector<16xf32>
          %sub3A_2283 = arith.subf %min3A_2280, %max3A_2282 : vector<16xf32>
          %max3A_2284 = arith.constant 0.000000e+00 : f32
          %max3A_2285 = vector.broadcast %max3A_2284 : f32 to vector<16xf32>
          %max3A_2286 = arith.maximumf %sub3A_2283, %max3A_2285 : vector<16xf32>
          %min3A_2287 = vector.broadcast %squeeze3A_2276 : f32 to vector<16xf32>
          %min3A_2288 = arith.minimumf %gather3A_605, %min3A_2287 : vector<16xf32>
          %max3A_2289 = vector.broadcast %squeeze3A_2272 : f32 to vector<16xf32>
          %max3A_2290 = arith.maximumf %gather3A_599, %max3A_2289 : vector<16xf32>
          %sub3A_2291 = arith.subf %min3A_2288, %max3A_2290 : vector<16xf32>
          %max3A_2292 = arith.constant 0.000000e+00 : f32
          %max3A_2293 = vector.broadcast %max3A_2292 : f32 to vector<16xf32>
          %max3A_2294 = arith.maximumf %sub3A_2291, %max3A_2293 : vector<16xf32>
          %mul3A_2295 = arith.mulf %max3A_2286, %max3A_2294 : vector<16xf32>
          %add3A_2296 = vector.broadcast %squeeze3A_2278 : f32 to vector<16xf32>
          %add3A_2297 = arith.addf %add3A_2296, %mul3A_607 : vector<16xf32>
          %sub3A_2298 = arith.subf %add3A_2297, %mul3A_2295 : vector<16xf32>
          %mul3A_2299 = arith.constant 5.000000e-01 : f32
          %mul3A_2300 = vector.broadcast %mul3A_2299 : f32 to vector<16xf32>
          %mul3A_2301 = arith.mulf %mul3A_2300, %sub3A_2298 : vector<16xf32>
          %gt3A_2302 = arith.cmpf ogt, %mul3A_2295, %mul3A_2301 : vector<16xf32>
          %slice3A_2303 = vector.extract_strided_slice %get3A_2234 {offsets = [0], sizes = [1], strides = [1]} : vector<16xf32> to vector<1xf32>
          %squeeze3A_2304 = vector.extract %slice3A_2303[0] : f32 from vector<1xf32>
          %slice3A_2305 = vector.extract_strided_slice %get3A_2234 {offsets = [1], sizes = [1], strides = [1]} : vector<16xf32> to vector<1xf32>
          %squeeze3A_2306 = vector.extract %slice3A_2305[0] : f32 from vector<1xf32>
          %slice3A_2307 = vector.extract_strided_slice %get3A_2234 {offsets = [2], sizes = [1], strides = [1]} : vector<16xf32> to vector<1xf32>
          %squeeze3A_2308 = vector.extract %slice3A_2307[0] : f32 from vector<1xf32>
          %slice3A_2309 = vector.extract_strided_slice %get3A_2234 {offsets = [3], sizes = [1], strides = [1]} : vector<16xf32> to vector<1xf32>
          %squeeze3A_2310 = vector.extract %slice3A_2309[0] : f32 from vector<1xf32>
          %slice3A_2311 = vector.extract_strided_slice %get3A_2234 {offsets = [4], sizes = [1], strides = [1]} : vector<16xf32> to vector<1xf32>
          %squeeze3A_2312 = vector.extract %slice3A_2311[0] : f32 from vector<1xf32>
          %min3A_2313 = vector.broadcast %squeeze3A_2308 : f32 to vector<16xf32>
          %min3A_2314 = arith.minimumf %gather3A_602, %min3A_2313 : vector<16xf32>
          %max3A_2315 = vector.broadcast %squeeze3A_2304 : f32 to vector<16xf32>
          %max3A_2316 = arith.maximumf %gather3A_596, %max3A_2315 : vector<16xf32>
          %sub3A_2317 = arith.subf %min3A_2314, %max3A_2316 : vector<16xf32>
          %max3A_2318 = arith.constant 0.000000e+00 : f32
          %max3A_2319 = vector.broadcast %max3A_2318 : f32 to vector<16xf32>
          %max3A_2320 = arith.maximumf %sub3A_2317, %max3A_2319 : vector<16xf32>
          %min3A_2321 = vector.broadcast %squeeze3A_2310 : f32 to vector<16xf32>
          %min3A_2322 = arith.minimumf %gather3A_605, %min3A_2321 : vector<16xf32>
          %max3A_2323 = vector.broadcast %squeeze3A_2306 : f32 to vector<16xf32>
          %max3A_2324 = arith.maximumf %gather3A_599, %max3A_2323 : vector<16xf32>
          %sub3A_2325 = arith.subf %min3A_2322, %max3A_2324 : vector<16xf32>
          %max3A_2326 = arith.constant 0.000000e+00 : f32
          %max3A_2327 = vector.broadcast %max3A_2326 : f32 to vector<16xf32>
          %max3A_2328 = arith.maximumf %sub3A_2325, %max3A_2327 : vector<16xf32>
          %mul3A_2329 = arith.mulf %max3A_2320, %max3A_2328 : vector<16xf32>
          %add3A_2330 = vector.broadcast %squeeze3A_2312 : f32 to vector<16xf32>
          %add3A_2331 = arith.addf %add3A_2330, %mul3A_607 : vector<16xf32>
          %sub3A_2332 = arith.subf %add3A_2331, %mul3A_2329 : vector<16xf32>
          %mul3A_2333 = arith.constant 5.000000e-01 : f32
          %mul3A_2334 = vector.broadcast %mul3A_2333 : f32 to vector<16xf32>
          %mul3A_2335 = arith.mulf %mul3A_2334, %sub3A_2332 : vector<16xf32>
          %gt3A_2336 = arith.cmpf ogt, %mul3A_2329, %mul3A_2335 : vector<16xf32>
          %slice3A_2337 = vector.extract_strided_slice %get3A_2234 {offsets = [8], sizes = [1], strides = [1]} : vector<16xf32> to vector<1xf32>
          %squeeze3A_2338 = vector.extract %slice3A_2337[0] : f32 from vector<1xf32>
          %slice3A_2339 = vector.extract_strided_slice %get3A_2234 {offsets = [9], sizes = [1], strides = [1]} : vector<16xf32> to vector<1xf32>
          %squeeze3A_2340 = vector.extract %slice3A_2339[0] : f32 from vector<1xf32>
          %slice3A_2341 = vector.extract_strided_slice %get3A_2234 {offsets = [10], sizes = [1], strides = [1]} : vector<16xf32> to vector<1xf32>
          %squeeze3A_2342 = vector.extract %slice3A_2341[0] : f32 from vector<1xf32>
          %slice3A_2343 = vector.extract_strided_slice %get3A_2234 {offsets = [11], sizes = [1], strides = [1]} : vector<16xf32> to vector<1xf32>
          %squeeze3A_2344 = vector.extract %slice3A_2343[0] : f32 from vector<1xf32>
          %slice3A_2345 = vector.extract_strided_slice %get3A_2234 {offsets = [12], sizes = [1], strides = [1]} : vector<16xf32> to vector<1xf32>
          %squeeze3A_2346 = vector.extract %slice3A_2345[0] : f32 from vector<1xf32>
          %min3A_2347 = vector.broadcast %squeeze3A_2342 : f32 to vector<16xf32>
          %min3A_2348 = arith.minimumf %gather3A_602, %min3A_2347 : vector<16xf32>
          %max3A_2349 = vector.broadcast %squeeze3A_2338 : f32 to vector<16xf32>
          %max3A_2350 = arith.maximumf %gather3A_596, %max3A_2349 : vector<16xf32>
          %sub3A_2351 = arith.subf %min3A_2348, %max3A_2350 : vector<16xf32>
          %max3A_2352 = arith.constant 0.000000e+00 : f32
          %max3A_2353 = vector.broadcast %max3A_2352 : f32 to vector<16xf32>
          %max3A_2354 = arith.maximumf %sub3A_2351, %max3A_2353 : vector<16xf32>
          %min3A_2355 = vector.broadcast %squeeze3A_2344 : f32 to vector<16xf32>
          %min3A_2356 = arith.minimumf %gather3A_605, %min3A_2355 : vector<16xf32>
          %max3A_2357 = vector.broadcast %squeeze3A_2340 : f32 to vector<16xf32>
          %max3A_2358 = arith.maximumf %gather3A_599, %max3A_2357 : vector<16xf32>
          %sub3A_2359 = arith.subf %min3A_2356, %max3A_2358 : vector<16xf32>
          %max3A_2360 = arith.constant 0.000000e+00 : f32
          %max3A_2361 = vector.broadcast %max3A_2360 : f32 to vector<16xf32>
          %max3A_2362 = arith.maximumf %sub3A_2359, %max3A_2361 : vector<16xf32>
          %mul3A_2363 = arith.mulf %max3A_2354, %max3A_2362 : vector<16xf32>
          %add3A_2364 = vector.broadcast %squeeze3A_2346 : f32 to vector<16xf32>
          %add3A_2365 = arith.addf %add3A_2364, %mul3A_607 : vector<16xf32>
          %sub3A_2366 = arith.subf %add3A_2365, %mul3A_2363 : vector<16xf32>
          %mul3A_2367 = arith.constant 5.000000e-01 : f32
          %mul3A_2368 = vector.broadcast %mul3A_2367 : f32 to vector<16xf32>
          %mul3A_2369 = arith.mulf %mul3A_2368, %sub3A_2366 : vector<16xf32>
          %gt3A_2370 = arith.cmpf ogt, %mul3A_2363, %mul3A_2369 : vector<16xf32>
          %mul3A_2371 = arith.constant 4 : i32
          %mul3A_2372 = arith.muli %mul3A_2371, %while3A_2223 : i32
          %add3A_2373 = arith.constant 1 : i32
          %add3A_2374 = arith.addi %mul3A_2372, %add3A_2373 : i32
          %lt3A_2375 = arith.cmpi slt, %add3A_2374, %while3A_586 : i32
          %and3A_2376 = vector.broadcast %lt3A_2375 : i1 to vector<16xi1>
          %and3A_2377 = arith.andi %gt3A_2302, %and3A_2376 : vector<16xi1>
          %mul3A_2378 = arith.constant 4 : i32
          %mul3A_2379 = arith.muli %mul3A_2378, %while3A_2223 : i32
          %add3A_2380 = arith.constant 2 : i32
          %add3A_2381 = arith.addi %mul3A_2379, %add3A_2380 : i32
          %lt3A_2382 = arith.cmpi slt, %add3A_2381, %while3A_586 : i32
          %and3A_2383 = vector.broadcast %lt3A_2382 : i1 to vector<16xi1>
          %and3A_2384 = arith.andi %gt3A_2336, %and3A_2383 : vector<16xi1>
          %mul3A_2385 = arith.constant 4 : i32
          %mul3A_2386 = arith.muli %mul3A_2385, %while3A_2223 : i32
          %add3A_2387 = arith.constant 3 : i32
          %add3A_2388 = arith.addi %mul3A_2386, %add3A_2387 : i32
          %lt3A_2389 = arith.cmpi slt, %add3A_2388, %while3A_586 : i32
          %and3A_2390 = vector.broadcast %lt3A_2389 : i1 to vector<16xi1>
          %and3A_2391 = arith.andi %gt3A_2370, %and3A_2390 : vector<16xi1>
          %or3A = arith.ori %gt3A_2268, %and3A_2377 : vector<16xi1>
          %or3A_2392 = arith.ori %or3A, %and3A_2384 : vector<16xi1>
          %or3A_2393 = arith.ori %or3A_2392, %and3A_2391 : vector<16xi1>
          %jit3A_2394 = arith.constant 1 : i32
          %jit3A_2395 = arith.constant 0 : i32
          %broadcast_in_dim3A_2396 = vector.broadcast %jit3A_2394 : i32 to vector<16xi32>
          %broadcast_in_dim3A_2397 = vector.broadcast %jit3A_2395 : i32 to vector<16xi32>
          %select_n3A_2398 = arith.select %or3A_2393, %broadcast_in_dim3A_2396, %broadcast_in_dim3A_2397 : vector<16xi1>, vector<16xi32>
          %or3A_2399 = arith.ori %while3A_2224, %select_n3A_2398 : vector<16xi32>
          scf.yield %or3A_2399 : vector<16xi32>
        }
        %eq3A_643 = arith.constant 0 : i32
        %eq3A_644 = vector.broadcast %eq3A_643 : i32 to vector<16xi32>
        %eq3A_645 = arith.cmpi eq, %while3A_642, %eq3A_644 : vector<16xi32>
        %and3A_646 = arith.andi %gt3A_609, %eq3A_645 : vector<16xi1>
        %jit3A_647 = arith.constant 1 : i32
        %jit3A_648 = arith.constant 0 : i32
        %broadcast_in_dim3A_649 = vector.broadcast %jit3A_647 : i32 to vector<16xi32>
        %broadcast_in_dim3A_650 = vector.broadcast %jit3A_648 : i32 to vector<16xi32>
        %select_n3A_651 = arith.select %and3A_646, %broadcast_in_dim3A_649, %broadcast_in_dim3A_650 : vector<16xi1>, vector<16xi32>
        %broadcast_in_dim3A_652 = arith.constant 0 : i32
        %broadcast_in_dim3A_653 = vector.broadcast %broadcast_in_dim3A_652 : i32 to vector<16xi32>
        %lt3A_654 = arith.constant 0 : i32
        %lt3A_655 = vector.broadcast %lt3A_654 : i32 to vector<16xi32>
        %lt3A_656 = arith.cmpi slt, %broadcast_in_dim3A_653, %lt3A_655 : vector<16xi32>
        %add3A_657 = arith.constant 16 : i32
        %add3A_658 = vector.broadcast %add3A_657 : i32 to vector<16xi32>
        %add3A_659 = arith.addi %broadcast_in_dim3A_653, %add3A_658 : vector<16xi32>
        %select_n3A_660 = arith.select %lt3A_656, %add3A_659, %broadcast_in_dim3A_653 : vector<16xi1>, vector<16xi32>
        %broadcast_in_dim3A_661 = vector.shape_cast %select_n3A_660 : vector<16xi32> to vector<16x1xi32>
        %gather3A_662 = vector.shape_cast %broadcast_in_dim3A_661 : vector<16x1xi32> to vector<16xi32>
        %gather3A_663 = tpu.dynamic_gather %gather3A_596[%gather3A_662] in [0] : vector<16xf32>, vector<16xi32> -> vector<16xf32>
        %broadcast_in_dim3A_664 = arith.constant 0 : i32
        %broadcast_in_dim3A_665 = vector.broadcast %broadcast_in_dim3A_664 : i32 to vector<16xi32>
        %lt3A_666 = arith.constant 0 : i32
        %lt3A_667 = vector.broadcast %lt3A_666 : i32 to vector<16xi32>
        %lt3A_668 = arith.cmpi slt, %broadcast_in_dim3A_665, %lt3A_667 : vector<16xi32>
        %add3A_669 = arith.constant 16 : i32
        %add3A_670 = vector.broadcast %add3A_669 : i32 to vector<16xi32>
        %add3A_671 = arith.addi %broadcast_in_dim3A_665, %add3A_670 : vector<16xi32>
        %select_n3A_672 = arith.select %lt3A_668, %add3A_671, %broadcast_in_dim3A_665 : vector<16xi1>, vector<16xi32>
        %broadcast_in_dim3A_673 = vector.shape_cast %select_n3A_672 : vector<16xi32> to vector<16x1xi32>
        %gather3A_674 = vector.shape_cast %broadcast_in_dim3A_673 : vector<16x1xi32> to vector<16xi32>
        %gather3A_675 = tpu.dynamic_gather %gather3A_599[%gather3A_674] in [0] : vector<16xf32>, vector<16xi32> -> vector<16xf32>
        %broadcast_in_dim3A_676 = arith.constant 0 : i32
        %broadcast_in_dim3A_677 = vector.broadcast %broadcast_in_dim3A_676 : i32 to vector<16xi32>
        %lt3A_678 = arith.constant 0 : i32
        %lt3A_679 = vector.broadcast %lt3A_678 : i32 to vector<16xi32>
        %lt3A_680 = arith.cmpi slt, %broadcast_in_dim3A_677, %lt3A_679 : vector<16xi32>
        %add3A_681 = arith.constant 16 : i32
        %add3A_682 = vector.broadcast %add3A_681 : i32 to vector<16xi32>
        %add3A_683 = arith.addi %broadcast_in_dim3A_677, %add3A_682 : vector<16xi32>
        %select_n3A_684 = arith.select %lt3A_680, %add3A_683, %broadcast_in_dim3A_677 : vector<16xi1>, vector<16xi32>
        %broadcast_in_dim3A_685 = vector.shape_cast %select_n3A_684 : vector<16xi32> to vector<16x1xi32>
        %gather3A_686 = vector.shape_cast %broadcast_in_dim3A_685 : vector<16x1xi32> to vector<16xi32>
        %gather3A_687 = tpu.dynamic_gather %gather3A_602[%gather3A_686] in [0] : vector<16xf32>, vector<16xi32> -> vector<16xf32>
        %broadcast_in_dim3A_688 = arith.constant 0 : i32
        %broadcast_in_dim3A_689 = vector.broadcast %broadcast_in_dim3A_688 : i32 to vector<16xi32>
        %lt3A_690 = arith.constant 0 : i32
        %lt3A_691 = vector.broadcast %lt3A_690 : i32 to vector<16xi32>
        %lt3A_692 = arith.cmpi slt, %broadcast_in_dim3A_689, %lt3A_691 : vector<16xi32>
        %add3A_693 = arith.constant 16 : i32
        %add3A_694 = vector.broadcast %add3A_693 : i32 to vector<16xi32>
        %add3A_695 = arith.addi %broadcast_in_dim3A_689, %add3A_694 : vector<16xi32>
        %select_n3A_696 = arith.select %lt3A_692, %add3A_695, %broadcast_in_dim3A_689 : vector<16xi1>, vector<16xi32>
        %broadcast_in_dim3A_697 = vector.shape_cast %select_n3A_696 : vector<16xi32> to vector<16x1xi32>
        %gather3A_698 = vector.shape_cast %broadcast_in_dim3A_697 : vector<16x1xi32> to vector<16xi32>
        %gather3A_699 = tpu.dynamic_gather %gather3A_605[%gather3A_698] in [0] : vector<16xf32>, vector<16xi32> -> vector<16xf32>
        %broadcast_in_dim3A_700 = arith.constant 0 : i32
        %broadcast_in_dim3A_701 = vector.broadcast %broadcast_in_dim3A_700 : i32 to vector<16xi32>
        %lt3A_702 = arith.constant 0 : i32
        %lt3A_703 = vector.broadcast %lt3A_702 : i32 to vector<16xi32>
        %lt3A_704 = arith.cmpi slt, %broadcast_in_dim3A_701, %lt3A_703 : vector<16xi32>
        %add3A_705 = arith.constant 16 : i32
        %add3A_706 = vector.broadcast %add3A_705 : i32 to vector<16xi32>
        %add3A_707 = arith.addi %broadcast_in_dim3A_701, %add3A_706 : vector<16xi32>
        %select_n3A_708 = arith.select %lt3A_704, %add3A_707, %broadcast_in_dim3A_701 : vector<16xi1>, vector<16xi32>
        %broadcast_in_dim3A_709 = vector.shape_cast %select_n3A_708 : vector<16xi32> to vector<16x1xi32>
        %gather3A_710 = vector.shape_cast %broadcast_in_dim3A_709 : vector<16x1xi32> to vector<16xi32>
        %gather3A_711 = tpu.dynamic_gather %mul3A_607[%gather3A_710] in [0] : vector<16xf32>, vector<16xi32> -> vector<16xf32>
        %min3A = arith.minimumf %gather3A_602, %gather3A_687 : vector<16xf32>
        %max3A = arith.maximumf %gather3A_596, %gather3A_663 : vector<16xf32>
        %sub3A_712 = arith.subf %min3A, %max3A : vector<16xf32>
        %max3A_713 = arith.constant 0.000000e+00 : f32
        %max3A_714 = vector.broadcast %max3A_713 : f32 to vector<16xf32>
        %max3A_715 = arith.maximumf %sub3A_712, %max3A_714 : vector<16xf32>
        %min3A_716 = arith.minimumf %gather3A_605, %gather3A_699 : vector<16xf32>
        %max3A_717 = arith.maximumf %gather3A_599, %gather3A_675 : vector<16xf32>
        %sub3A_718 = arith.subf %min3A_716, %max3A_717 : vector<16xf32>
        %max3A_719 = arith.constant 0.000000e+00 : f32
        %max3A_720 = vector.broadcast %max3A_719 : f32 to vector<16xf32>
        %max3A_721 = arith.maximumf %sub3A_718, %max3A_720 : vector<16xf32>
        %mul3A_722 = arith.mulf %max3A_715, %max3A_721 : vector<16xf32>
        %add3A_723 = arith.addf %gather3A_711, %mul3A_607 : vector<16xf32>
        %sub3A_724 = arith.subf %add3A_723, %mul3A_722 : vector<16xf32>
        %mul3A_725 = arith.constant 5.000000e-01 : f32
        %mul3A_726 = vector.broadcast %mul3A_725 : f32 to vector<16xf32>
        %mul3A_727 = arith.mulf %mul3A_726, %sub3A_724 : vector<16xf32>
        %gt3A_728 = arith.cmpf ogt, %mul3A_722, %mul3A_727 : vector<16xf32>
        %gt3A_729 = arith.constant 0 : i32
        %gt3A_730 = vector.broadcast %gt3A_729 : i32 to vector<16xi32>
        %gt3A_731 = arith.cmpi sgt, %iota3A, %gt3A_730 : vector<16xi32>
        %and3A_732 = arith.andi %gt3A_728, %gt3A_731 : vector<16xi1>
        %broadcast_in_dim3A_733 = arith.constant 1 : i32
        %broadcast_in_dim3A_734 = vector.broadcast %broadcast_in_dim3A_733 : i32 to vector<16xi32>
        %lt3A_735 = arith.constant 0 : i32
        %lt3A_736 = vector.broadcast %lt3A_735 : i32 to vector<16xi32>
        %lt3A_737 = arith.cmpi slt, %broadcast_in_dim3A_734, %lt3A_736 : vector<16xi32>
        %add3A_738 = arith.constant 16 : i32
        %add3A_739 = vector.broadcast %add3A_738 : i32 to vector<16xi32>
        %add3A_740 = arith.addi %broadcast_in_dim3A_734, %add3A_739 : vector<16xi32>
        %select_n3A_741 = arith.select %lt3A_737, %add3A_740, %broadcast_in_dim3A_734 : vector<16xi1>, vector<16xi32>
        %broadcast_in_dim3A_742 = vector.shape_cast %select_n3A_741 : vector<16xi32> to vector<16x1xi32>
        %gather3A_743 = vector.shape_cast %broadcast_in_dim3A_742 : vector<16x1xi32> to vector<16xi32>
        %gather3A_744 = tpu.dynamic_gather %gather3A_596[%gather3A_743] in [0] : vector<16xf32>, vector<16xi32> -> vector<16xf32>
        %broadcast_in_dim3A_745 = arith.constant 1 : i32
        %broadcast_in_dim3A_746 = vector.broadcast %broadcast_in_dim3A_745 : i32 to vector<16xi32>
        %lt3A_747 = arith.constant 0 : i32
        %lt3A_748 = vector.broadcast %lt3A_747 : i32 to vector<16xi32>
        %lt3A_749 = arith.cmpi slt, %broadcast_in_dim3A_746, %lt3A_748 : vector<16xi32>
        %add3A_750 = arith.constant 16 : i32
        %add3A_751 = vector.broadcast %add3A_750 : i32 to vector<16xi32>
        %add3A_752 = arith.addi %broadcast_in_dim3A_746, %add3A_751 : vector<16xi32>
        %select_n3A_753 = arith.select %lt3A_749, %add3A_752, %broadcast_in_dim3A_746 : vector<16xi1>, vector<16xi32>
        %broadcast_in_dim3A_754 = vector.shape_cast %select_n3A_753 : vector<16xi32> to vector<16x1xi32>
        %gather3A_755 = vector.shape_cast %broadcast_in_dim3A_754 : vector<16x1xi32> to vector<16xi32>
        %gather3A_756 = tpu.dynamic_gather %gather3A_599[%gather3A_755] in [0] : vector<16xf32>, vector<16xi32> -> vector<16xf32>
        %broadcast_in_dim3A_757 = arith.constant 1 : i32
        %broadcast_in_dim3A_758 = vector.broadcast %broadcast_in_dim3A_757 : i32 to vector<16xi32>
        %lt3A_759 = arith.constant 0 : i32
        %lt3A_760 = vector.broadcast %lt3A_759 : i32 to vector<16xi32>
        %lt3A_761 = arith.cmpi slt, %broadcast_in_dim3A_758, %lt3A_760 : vector<16xi32>
        %add3A_762 = arith.constant 16 : i32
        %add3A_763 = vector.broadcast %add3A_762 : i32 to vector<16xi32>
        %add3A_764 = arith.addi %broadcast_in_dim3A_758, %add3A_763 : vector<16xi32>
        %select_n3A_765 = arith.select %lt3A_761, %add3A_764, %broadcast_in_dim3A_758 : vector<16xi1>, vector<16xi32>
        %broadcast_in_dim3A_766 = vector.shape_cast %select_n3A_765 : vector<16xi32> to vector<16x1xi32>
        %gather3A_767 = vector.shape_cast %broadcast_in_dim3A_766 : vector<16x1xi32> to vector<16xi32>
        %gather3A_768 = tpu.dynamic_gather %gather3A_602[%gather3A_767] in [0] : vector<16xf32>, vector<16xi32> -> vector<16xf32>
        %broadcast_in_dim3A_769 = arith.constant 1 : i32
        %broadcast_in_dim3A_770 = vector.broadcast %broadcast_in_dim3A_769 : i32 to vector<16xi32>
        %lt3A_771 = arith.constant 0 : i32
        %lt3A_772 = vector.broadcast %lt3A_771 : i32 to vector<16xi32>
        %lt3A_773 = arith.cmpi slt, %broadcast_in_dim3A_770, %lt3A_772 : vector<16xi32>
        %add3A_774 = arith.constant 16 : i32
        %add3A_775 = vector.broadcast %add3A_774 : i32 to vector<16xi32>
        %add3A_776 = arith.addi %broadcast_in_dim3A_770, %add3A_775 : vector<16xi32>
        %select_n3A_777 = arith.select %lt3A_773, %add3A_776, %broadcast_in_dim3A_770 : vector<16xi1>, vector<16xi32>
        %broadcast_in_dim3A_778 = vector.shape_cast %select_n3A_777 : vector<16xi32> to vector<16x1xi32>
        %gather3A_779 = vector.shape_cast %broadcast_in_dim3A_778 : vector<16x1xi32> to vector<16xi32>
        %gather3A_780 = tpu.dynamic_gather %gather3A_605[%gather3A_779] in [0] : vector<16xf32>, vector<16xi32> -> vector<16xf32>
        %broadcast_in_dim3A_781 = arith.constant 1 : i32
        %broadcast_in_dim3A_782 = vector.broadcast %broadcast_in_dim3A_781 : i32 to vector<16xi32>
        %lt3A_783 = arith.constant 0 : i32
        %lt3A_784 = vector.broadcast %lt3A_783 : i32 to vector<16xi32>
        %lt3A_785 = arith.cmpi slt, %broadcast_in_dim3A_782, %lt3A_784 : vector<16xi32>
        %add3A_786 = arith.constant 16 : i32
        %add3A_787 = vector.broadcast %add3A_786 : i32 to vector<16xi32>
        %add3A_788 = arith.addi %broadcast_in_dim3A_782, %add3A_787 : vector<16xi32>
        %select_n3A_789 = arith.select %lt3A_785, %add3A_788, %broadcast_in_dim3A_782 : vector<16xi1>, vector<16xi32>
        %broadcast_in_dim3A_790 = vector.shape_cast %select_n3A_789 : vector<16xi32> to vector<16x1xi32>
        %gather3A_791 = vector.shape_cast %broadcast_in_dim3A_790 : vector<16x1xi32> to vector<16xi32>
        %gather3A_792 = tpu.dynamic_gather %mul3A_607[%gather3A_791] in [0] : vector<16xf32>, vector<16xi32> -> vector<16xf32>
        %min3A_793 = arith.minimumf %gather3A_602, %gather3A_768 : vector<16xf32>
        %max3A_794 = arith.maximumf %gather3A_596, %gather3A_744 : vector<16xf32>
        %sub3A_795 = arith.subf %min3A_793, %max3A_794 : vector<16xf32>
        %max3A_796 = arith.constant 0.000000e+00 : f32
        %max3A_797 = vector.broadcast %max3A_796 : f32 to vector<16xf32>
        %max3A_798 = arith.maximumf %sub3A_795, %max3A_797 : vector<16xf32>
        %min3A_799 = arith.minimumf %gather3A_605, %gather3A_780 : vector<16xf32>
        %max3A_800 = arith.maximumf %gather3A_599, %gather3A_756 : vector<16xf32>
        %sub3A_801 = arith.subf %min3A_799, %max3A_800 : vector<16xf32>
        %max3A_802 = arith.constant 0.000000e+00 : f32
        %max3A_803 = vector.broadcast %max3A_802 : f32 to vector<16xf32>
        %max3A_804 = arith.maximumf %sub3A_801, %max3A_803 : vector<16xf32>
        %mul3A_805 = arith.mulf %max3A_798, %max3A_804 : vector<16xf32>
        %add3A_806 = arith.addf %gather3A_792, %mul3A_607 : vector<16xf32>
        %sub3A_807 = arith.subf %add3A_806, %mul3A_805 : vector<16xf32>
        %mul3A_808 = arith.constant 5.000000e-01 : f32
        %mul3A_809 = vector.broadcast %mul3A_808 : f32 to vector<16xf32>
        %mul3A_810 = arith.mulf %mul3A_809, %sub3A_807 : vector<16xf32>
        %gt3A_811 = arith.cmpf ogt, %mul3A_805, %mul3A_810 : vector<16xf32>
        %gt3A_812 = arith.constant 1 : i32
        %gt3A_813 = vector.broadcast %gt3A_812 : i32 to vector<16xi32>
        %gt3A_814 = arith.cmpi sgt, %iota3A, %gt3A_813 : vector<16xi32>
        %and3A_815 = arith.andi %gt3A_811, %gt3A_814 : vector<16xi1>
        %broadcast_in_dim3A_816 = arith.constant 2 : i32
        %broadcast_in_dim3A_817 = vector.broadcast %broadcast_in_dim3A_816 : i32 to vector<16xi32>
        %lt3A_818 = arith.constant 0 : i32
        %lt3A_819 = vector.broadcast %lt3A_818 : i32 to vector<16xi32>
        %lt3A_820 = arith.cmpi slt, %broadcast_in_dim3A_817, %lt3A_819 : vector<16xi32>
        %add3A_821 = arith.constant 16 : i32
        %add3A_822 = vector.broadcast %add3A_821 : i32 to vector<16xi32>
        %add3A_823 = arith.addi %broadcast_in_dim3A_817, %add3A_822 : vector<16xi32>
        %select_n3A_824 = arith.select %lt3A_820, %add3A_823, %broadcast_in_dim3A_817 : vector<16xi1>, vector<16xi32>
        %broadcast_in_dim3A_825 = vector.shape_cast %select_n3A_824 : vector<16xi32> to vector<16x1xi32>
        %gather3A_826 = vector.shape_cast %broadcast_in_dim3A_825 : vector<16x1xi32> to vector<16xi32>
        %gather3A_827 = tpu.dynamic_gather %gather3A_596[%gather3A_826] in [0] : vector<16xf32>, vector<16xi32> -> vector<16xf32>
        %broadcast_in_dim3A_828 = arith.constant 2 : i32
        %broadcast_in_dim3A_829 = vector.broadcast %broadcast_in_dim3A_828 : i32 to vector<16xi32>
        %lt3A_830 = arith.constant 0 : i32
        %lt3A_831 = vector.broadcast %lt3A_830 : i32 to vector<16xi32>
        %lt3A_832 = arith.cmpi slt, %broadcast_in_dim3A_829, %lt3A_831 : vector<16xi32>
        %add3A_833 = arith.constant 16 : i32
        %add3A_834 = vector.broadcast %add3A_833 : i32 to vector<16xi32>
        %add3A_835 = arith.addi %broadcast_in_dim3A_829, %add3A_834 : vector<16xi32>
        %select_n3A_836 = arith.select %lt3A_832, %add3A_835, %broadcast_in_dim3A_829 : vector<16xi1>, vector<16xi32>
        %broadcast_in_dim3A_837 = vector.shape_cast %select_n3A_836 : vector<16xi32> to vector<16x1xi32>
        %gather3A_838 = vector.shape_cast %broadcast_in_dim3A_837 : vector<16x1xi32> to vector<16xi32>
        %gather3A_839 = tpu.dynamic_gather %gather3A_599[%gather3A_838] in [0] : vector<16xf32>, vector<16xi32> -> vector<16xf32>
        %broadcast_in_dim3A_840 = arith.constant 2 : i32
        %broadcast_in_dim3A_841 = vector.broadcast %broadcast_in_dim3A_840 : i32 to vector<16xi32>
        %lt3A_842 = arith.constant 0 : i32
        %lt3A_843 = vector.broadcast %lt3A_842 : i32 to vector<16xi32>
        %lt3A_844 = arith.cmpi slt, %broadcast_in_dim3A_841, %lt3A_843 : vector<16xi32>
        %add3A_845 = arith.constant 16 : i32
        %add3A_846 = vector.broadcast %add3A_845 : i32 to vector<16xi32>
        %add3A_847 = arith.addi %broadcast_in_dim3A_841, %add3A_846 : vector<16xi32>
        %select_n3A_848 = arith.select %lt3A_844, %add3A_847, %broadcast_in_dim3A_841 : vector<16xi1>, vector<16xi32>
        %broadcast_in_dim3A_849 = vector.shape_cast %select_n3A_848 : vector<16xi32> to vector<16x1xi32>
        %gather3A_850 = vector.shape_cast %broadcast_in_dim3A_849 : vector<16x1xi32> to vector<16xi32>
        %gather3A_851 = tpu.dynamic_gather %gather3A_602[%gather3A_850] in [0] : vector<16xf32>, vector<16xi32> -> vector<16xf32>
        %broadcast_in_dim3A_852 = arith.constant 2 : i32
        %broadcast_in_dim3A_853 = vector.broadcast %broadcast_in_dim3A_852 : i32 to vector<16xi32>
        %lt3A_854 = arith.constant 0 : i32
        %lt3A_855 = vector.broadcast %lt3A_854 : i32 to vector<16xi32>
        %lt3A_856 = arith.cmpi slt, %broadcast_in_dim3A_853, %lt3A_855 : vector<16xi32>
        %add3A_857 = arith.constant 16 : i32
        %add3A_858 = vector.broadcast %add3A_857 : i32 to vector<16xi32>
        %add3A_859 = arith.addi %broadcast_in_dim3A_853, %add3A_858 : vector<16xi32>
        %select_n3A_860 = arith.select %lt3A_856, %add3A_859, %broadcast_in_dim3A_853 : vector<16xi1>, vector<16xi32>
        %broadcast_in_dim3A_861 = vector.shape_cast %select_n3A_860 : vector<16xi32> to vector<16x1xi32>
        %gather3A_862 = vector.shape_cast %broadcast_in_dim3A_861 : vector<16x1xi32> to vector<16xi32>
        %gather3A_863 = tpu.dynamic_gather %gather3A_605[%gather3A_862] in [0] : vector<16xf32>, vector<16xi32> -> vector<16xf32>
        %broadcast_in_dim3A_864 = arith.constant 2 : i32
        %broadcast_in_dim3A_865 = vector.broadcast %broadcast_in_dim3A_864 : i32 to vector<16xi32>
        %lt3A_866 = arith.constant 0 : i32
        %lt3A_867 = vector.broadcast %lt3A_866 : i32 to vector<16xi32>
        %lt3A_868 = arith.cmpi slt, %broadcast_in_dim3A_865, %lt3A_867 : vector<16xi32>
        %add3A_869 = arith.constant 16 : i32
        %add3A_870 = vector.broadcast %add3A_869 : i32 to vector<16xi32>
        %add3A_871 = arith.addi %broadcast_in_dim3A_865, %add3A_870 : vector<16xi32>
        %select_n3A_872 = arith.select %lt3A_868, %add3A_871, %broadcast_in_dim3A_865 : vector<16xi1>, vector<16xi32>
        %broadcast_in_dim3A_873 = vector.shape_cast %select_n3A_872 : vector<16xi32> to vector<16x1xi32>
        %gather3A_874 = vector.shape_cast %broadcast_in_dim3A_873 : vector<16x1xi32> to vector<16xi32>
        %gather3A_875 = tpu.dynamic_gather %mul3A_607[%gather3A_874] in [0] : vector<16xf32>, vector<16xi32> -> vector<16xf32>
        %min3A_876 = arith.minimumf %gather3A_602, %gather3A_851 : vector<16xf32>
        %max3A_877 = arith.maximumf %gather3A_596, %gather3A_827 : vector<16xf32>
        %sub3A_878 = arith.subf %min3A_876, %max3A_877 : vector<16xf32>
        %max3A_879 = arith.constant 0.000000e+00 : f32
        %max3A_880 = vector.broadcast %max3A_879 : f32 to vector<16xf32>
        %max3A_881 = arith.maximumf %sub3A_878, %max3A_880 : vector<16xf32>
        %min3A_882 = arith.minimumf %gather3A_605, %gather3A_863 : vector<16xf32>
        %max3A_883 = arith.maximumf %gather3A_599, %gather3A_839 : vector<16xf32>
        %sub3A_884 = arith.subf %min3A_882, %max3A_883 : vector<16xf32>
        %max3A_885 = arith.constant 0.000000e+00 : f32
        %max3A_886 = vector.broadcast %max3A_885 : f32 to vector<16xf32>
        %max3A_887 = arith.maximumf %sub3A_884, %max3A_886 : vector<16xf32>
        %mul3A_888 = arith.mulf %max3A_881, %max3A_887 : vector<16xf32>
        %add3A_889 = arith.addf %gather3A_875, %mul3A_607 : vector<16xf32>
        %sub3A_890 = arith.subf %add3A_889, %mul3A_888 : vector<16xf32>
        %mul3A_891 = arith.constant 5.000000e-01 : f32
        %mul3A_892 = vector.broadcast %mul3A_891 : f32 to vector<16xf32>
        %mul3A_893 = arith.mulf %mul3A_892, %sub3A_890 : vector<16xf32>
        %gt3A_894 = arith.cmpf ogt, %mul3A_888, %mul3A_893 : vector<16xf32>
        %gt3A_895 = arith.constant 2 : i32
        %gt3A_896 = vector.broadcast %gt3A_895 : i32 to vector<16xi32>
        %gt3A_897 = arith.cmpi sgt, %iota3A, %gt3A_896 : vector<16xi32>
        %and3A_898 = arith.andi %gt3A_894, %gt3A_897 : vector<16xi1>
        %broadcast_in_dim3A_899 = arith.constant 3 : i32
        %broadcast_in_dim3A_900 = vector.broadcast %broadcast_in_dim3A_899 : i32 to vector<16xi32>
        %lt3A_901 = arith.constant 0 : i32
        %lt3A_902 = vector.broadcast %lt3A_901 : i32 to vector<16xi32>
        %lt3A_903 = arith.cmpi slt, %broadcast_in_dim3A_900, %lt3A_902 : vector<16xi32>
        %add3A_904 = arith.constant 16 : i32
        %add3A_905 = vector.broadcast %add3A_904 : i32 to vector<16xi32>
        %add3A_906 = arith.addi %broadcast_in_dim3A_900, %add3A_905 : vector<16xi32>
        %select_n3A_907 = arith.select %lt3A_903, %add3A_906, %broadcast_in_dim3A_900 : vector<16xi1>, vector<16xi32>
        %broadcast_in_dim3A_908 = vector.shape_cast %select_n3A_907 : vector<16xi32> to vector<16x1xi32>
        %gather3A_909 = vector.shape_cast %broadcast_in_dim3A_908 : vector<16x1xi32> to vector<16xi32>
        %gather3A_910 = tpu.dynamic_gather %gather3A_596[%gather3A_909] in [0] : vector<16xf32>, vector<16xi32> -> vector<16xf32>
        %broadcast_in_dim3A_911 = arith.constant 3 : i32
        %broadcast_in_dim3A_912 = vector.broadcast %broadcast_in_dim3A_911 : i32 to vector<16xi32>
        %lt3A_913 = arith.constant 0 : i32
        %lt3A_914 = vector.broadcast %lt3A_913 : i32 to vector<16xi32>
        %lt3A_915 = arith.cmpi slt, %broadcast_in_dim3A_912, %lt3A_914 : vector<16xi32>
        %add3A_916 = arith.constant 16 : i32
        %add3A_917 = vector.broadcast %add3A_916 : i32 to vector<16xi32>
        %add3A_918 = arith.addi %broadcast_in_dim3A_912, %add3A_917 : vector<16xi32>
        %select_n3A_919 = arith.select %lt3A_915, %add3A_918, %broadcast_in_dim3A_912 : vector<16xi1>, vector<16xi32>
        %broadcast_in_dim3A_920 = vector.shape_cast %select_n3A_919 : vector<16xi32> to vector<16x1xi32>
        %gather3A_921 = vector.shape_cast %broadcast_in_dim3A_920 : vector<16x1xi32> to vector<16xi32>
        %gather3A_922 = tpu.dynamic_gather %gather3A_599[%gather3A_921] in [0] : vector<16xf32>, vector<16xi32> -> vector<16xf32>
        %broadcast_in_dim3A_923 = arith.constant 3 : i32
        %broadcast_in_dim3A_924 = vector.broadcast %broadcast_in_dim3A_923 : i32 to vector<16xi32>
        %lt3A_925 = arith.constant 0 : i32
        %lt3A_926 = vector.broadcast %lt3A_925 : i32 to vector<16xi32>
        %lt3A_927 = arith.cmpi slt, %broadcast_in_dim3A_924, %lt3A_926 : vector<16xi32>
        %add3A_928 = arith.constant 16 : i32
        %add3A_929 = vector.broadcast %add3A_928 : i32 to vector<16xi32>
        %add3A_930 = arith.addi %broadcast_in_dim3A_924, %add3A_929 : vector<16xi32>
        %select_n3A_931 = arith.select %lt3A_927, %add3A_930, %broadcast_in_dim3A_924 : vector<16xi1>, vector<16xi32>
        %broadcast_in_dim3A_932 = vector.shape_cast %select_n3A_931 : vector<16xi32> to vector<16x1xi32>
        %gather3A_933 = vector.shape_cast %broadcast_in_dim3A_932 : vector<16x1xi32> to vector<16xi32>
        %gather3A_934 = tpu.dynamic_gather %gather3A_602[%gather3A_933] in [0] : vector<16xf32>, vector<16xi32> -> vector<16xf32>
        %broadcast_in_dim3A_935 = arith.constant 3 : i32
        %broadcast_in_dim3A_936 = vector.broadcast %broadcast_in_dim3A_935 : i32 to vector<16xi32>
        %lt3A_937 = arith.constant 0 : i32
        %lt3A_938 = vector.broadcast %lt3A_937 : i32 to vector<16xi32>
        %lt3A_939 = arith.cmpi slt, %broadcast_in_dim3A_936, %lt3A_938 : vector<16xi32>
        %add3A_940 = arith.constant 16 : i32
        %add3A_941 = vector.broadcast %add3A_940 : i32 to vector<16xi32>
        %add3A_942 = arith.addi %broadcast_in_dim3A_936, %add3A_941 : vector<16xi32>
        %select_n3A_943 = arith.select %lt3A_939, %add3A_942, %broadcast_in_dim3A_936 : vector<16xi1>, vector<16xi32>
        %broadcast_in_dim3A_944 = vector.shape_cast %select_n3A_943 : vector<16xi32> to vector<16x1xi32>
        %gather3A_945 = vector.shape_cast %broadcast_in_dim3A_944 : vector<16x1xi32> to vector<16xi32>
        %gather3A_946 = tpu.dynamic_gather %gather3A_605[%gather3A_945] in [0] : vector<16xf32>, vector<16xi32> -> vector<16xf32>
        %broadcast_in_dim3A_947 = arith.constant 3 : i32
        %broadcast_in_dim3A_948 = vector.broadcast %broadcast_in_dim3A_947 : i32 to vector<16xi32>
        %lt3A_949 = arith.constant 0 : i32
        %lt3A_950 = vector.broadcast %lt3A_949 : i32 to vector<16xi32>
        %lt3A_951 = arith.cmpi slt, %broadcast_in_dim3A_948, %lt3A_950 : vector<16xi32>
        %add3A_952 = arith.constant 16 : i32
        %add3A_953 = vector.broadcast %add3A_952 : i32 to vector<16xi32>
        %add3A_954 = arith.addi %broadcast_in_dim3A_948, %add3A_953 : vector<16xi32>
        %select_n3A_955 = arith.select %lt3A_951, %add3A_954, %broadcast_in_dim3A_948 : vector<16xi1>, vector<16xi32>
        %broadcast_in_dim3A_956 = vector.shape_cast %select_n3A_955 : vector<16xi32> to vector<16x1xi32>
        %gather3A_957 = vector.shape_cast %broadcast_in_dim3A_956 : vector<16x1xi32> to vector<16xi32>
        %gather3A_958 = tpu.dynamic_gather %mul3A_607[%gather3A_957] in [0] : vector<16xf32>, vector<16xi32> -> vector<16xf32>
        %min3A_959 = arith.minimumf %gather3A_602, %gather3A_934 : vector<16xf32>
        %max3A_960 = arith.maximumf %gather3A_596, %gather3A_910 : vector<16xf32>
        %sub3A_961 = arith.subf %min3A_959, %max3A_960 : vector<16xf32>
        %max3A_962 = arith.constant 0.000000e+00 : f32
        %max3A_963 = vector.broadcast %max3A_962 : f32 to vector<16xf32>
        %max3A_964 = arith.maximumf %sub3A_961, %max3A_963 : vector<16xf32>
        %min3A_965 = arith.minimumf %gather3A_605, %gather3A_946 : vector<16xf32>
        %max3A_966 = arith.maximumf %gather3A_599, %gather3A_922 : vector<16xf32>
        %sub3A_967 = arith.subf %min3A_965, %max3A_966 : vector<16xf32>
        %max3A_968 = arith.constant 0.000000e+00 : f32
        %max3A_969 = vector.broadcast %max3A_968 : f32 to vector<16xf32>
        %max3A_970 = arith.maximumf %sub3A_967, %max3A_969 : vector<16xf32>
        %mul3A_971 = arith.mulf %max3A_964, %max3A_970 : vector<16xf32>
        %add3A_972 = arith.addf %gather3A_958, %mul3A_607 : vector<16xf32>
        %sub3A_973 = arith.subf %add3A_972, %mul3A_971 : vector<16xf32>
        %mul3A_974 = arith.constant 5.000000e-01 : f32
        %mul3A_975 = vector.broadcast %mul3A_974 : f32 to vector<16xf32>
        %mul3A_976 = arith.mulf %mul3A_975, %sub3A_973 : vector<16xf32>
        %gt3A_977 = arith.cmpf ogt, %mul3A_971, %mul3A_976 : vector<16xf32>
        %gt3A_978 = arith.constant 3 : i32
        %gt3A_979 = vector.broadcast %gt3A_978 : i32 to vector<16xi32>
        %gt3A_980 = arith.cmpi sgt, %iota3A, %gt3A_979 : vector<16xi32>
        %and3A_981 = arith.andi %gt3A_977, %gt3A_980 : vector<16xi1>
        %broadcast_in_dim3A_982 = arith.constant 4 : i32
        %broadcast_in_dim3A_983 = vector.broadcast %broadcast_in_dim3A_982 : i32 to vector<16xi32>
        %lt3A_984 = arith.constant 0 : i32
        %lt3A_985 = vector.broadcast %lt3A_984 : i32 to vector<16xi32>
        %lt3A_986 = arith.cmpi slt, %broadcast_in_dim3A_983, %lt3A_985 : vector<16xi32>
        %add3A_987 = arith.constant 16 : i32
        %add3A_988 = vector.broadcast %add3A_987 : i32 to vector<16xi32>
        %add3A_989 = arith.addi %broadcast_in_dim3A_983, %add3A_988 : vector<16xi32>
        %select_n3A_990 = arith.select %lt3A_986, %add3A_989, %broadcast_in_dim3A_983 : vector<16xi1>, vector<16xi32>
        %broadcast_in_dim3A_991 = vector.shape_cast %select_n3A_990 : vector<16xi32> to vector<16x1xi32>
        %gather3A_992 = vector.shape_cast %broadcast_in_dim3A_991 : vector<16x1xi32> to vector<16xi32>
        %gather3A_993 = tpu.dynamic_gather %gather3A_596[%gather3A_992] in [0] : vector<16xf32>, vector<16xi32> -> vector<16xf32>
        %broadcast_in_dim3A_994 = arith.constant 4 : i32
        %broadcast_in_dim3A_995 = vector.broadcast %broadcast_in_dim3A_994 : i32 to vector<16xi32>
        %lt3A_996 = arith.constant 0 : i32
        %lt3A_997 = vector.broadcast %lt3A_996 : i32 to vector<16xi32>
        %lt3A_998 = arith.cmpi slt, %broadcast_in_dim3A_995, %lt3A_997 : vector<16xi32>
        %add3A_999 = arith.constant 16 : i32
        %add3A_1000 = vector.broadcast %add3A_999 : i32 to vector<16xi32>
        %add3A_1001 = arith.addi %broadcast_in_dim3A_995, %add3A_1000 : vector<16xi32>
        %select_n3A_1002 = arith.select %lt3A_998, %add3A_1001, %broadcast_in_dim3A_995 : vector<16xi1>, vector<16xi32>
        %broadcast_in_dim3A_1003 = vector.shape_cast %select_n3A_1002 : vector<16xi32> to vector<16x1xi32>
        %gather3A_1004 = vector.shape_cast %broadcast_in_dim3A_1003 : vector<16x1xi32> to vector<16xi32>
        %gather3A_1005 = tpu.dynamic_gather %gather3A_599[%gather3A_1004] in [0] : vector<16xf32>, vector<16xi32> -> vector<16xf32>
        %broadcast_in_dim3A_1006 = arith.constant 4 : i32
        %broadcast_in_dim3A_1007 = vector.broadcast %broadcast_in_dim3A_1006 : i32 to vector<16xi32>
        %lt3A_1008 = arith.constant 0 : i32
        %lt3A_1009 = vector.broadcast %lt3A_1008 : i32 to vector<16xi32>
        %lt3A_1010 = arith.cmpi slt, %broadcast_in_dim3A_1007, %lt3A_1009 : vector<16xi32>
        %add3A_1011 = arith.constant 16 : i32
        %add3A_1012 = vector.broadcast %add3A_1011 : i32 to vector<16xi32>
        %add3A_1013 = arith.addi %broadcast_in_dim3A_1007, %add3A_1012 : vector<16xi32>
        %select_n3A_1014 = arith.select %lt3A_1010, %add3A_1013, %broadcast_in_dim3A_1007 : vector<16xi1>, vector<16xi32>
        %broadcast_in_dim3A_1015 = vector.shape_cast %select_n3A_1014 : vector<16xi32> to vector<16x1xi32>
        %gather3A_1016 = vector.shape_cast %broadcast_in_dim3A_1015 : vector<16x1xi32> to vector<16xi32>
        %gather3A_1017 = tpu.dynamic_gather %gather3A_602[%gather3A_1016] in [0] : vector<16xf32>, vector<16xi32> -> vector<16xf32>
        %broadcast_in_dim3A_1018 = arith.constant 4 : i32
        %broadcast_in_dim3A_1019 = vector.broadcast %broadcast_in_dim3A_1018 : i32 to vector<16xi32>
        %lt3A_1020 = arith.constant 0 : i32
        %lt3A_1021 = vector.broadcast %lt3A_1020 : i32 to vector<16xi32>
        %lt3A_1022 = arith.cmpi slt, %broadcast_in_dim3A_1019, %lt3A_1021 : vector<16xi32>
        %add3A_1023 = arith.constant 16 : i32
        %add3A_1024 = vector.broadcast %add3A_1023 : i32 to vector<16xi32>
        %add3A_1025 = arith.addi %broadcast_in_dim3A_1019, %add3A_1024 : vector<16xi32>
        %select_n3A_1026 = arith.select %lt3A_1022, %add3A_1025, %broadcast_in_dim3A_1019 : vector<16xi1>, vector<16xi32>
        %broadcast_in_dim3A_1027 = vector.shape_cast %select_n3A_1026 : vector<16xi32> to vector<16x1xi32>
        %gather3A_1028 = vector.shape_cast %broadcast_in_dim3A_1027 : vector<16x1xi32> to vector<16xi32>
        %gather3A_1029 = tpu.dynamic_gather %gather3A_605[%gather3A_1028] in [0] : vector<16xf32>, vector<16xi32> -> vector<16xf32>
        %broadcast_in_dim3A_1030 = arith.constant 4 : i32
        %broadcast_in_dim3A_1031 = vector.broadcast %broadcast_in_dim3A_1030 : i32 to vector<16xi32>
        %lt3A_1032 = arith.constant 0 : i32
        %lt3A_1033 = vector.broadcast %lt3A_1032 : i32 to vector<16xi32>
        %lt3A_1034 = arith.cmpi slt, %broadcast_in_dim3A_1031, %lt3A_1033 : vector<16xi32>
        %add3A_1035 = arith.constant 16 : i32
        %add3A_1036 = vector.broadcast %add3A_1035 : i32 to vector<16xi32>
        %add3A_1037 = arith.addi %broadcast_in_dim3A_1031, %add3A_1036 : vector<16xi32>
        %select_n3A_1038 = arith.select %lt3A_1034, %add3A_1037, %broadcast_in_dim3A_1031 : vector<16xi1>, vector<16xi32>
        %broadcast_in_dim3A_1039 = vector.shape_cast %select_n3A_1038 : vector<16xi32> to vector<16x1xi32>
        %gather3A_1040 = vector.shape_cast %broadcast_in_dim3A_1039 : vector<16x1xi32> to vector<16xi32>
        %gather3A_1041 = tpu.dynamic_gather %mul3A_607[%gather3A_1040] in [0] : vector<16xf32>, vector<16xi32> -> vector<16xf32>
        %min3A_1042 = arith.minimumf %gather3A_602, %gather3A_1017 : vector<16xf32>
        %max3A_1043 = arith.maximumf %gather3A_596, %gather3A_993 : vector<16xf32>
        %sub3A_1044 = arith.subf %min3A_1042, %max3A_1043 : vector<16xf32>
        %max3A_1045 = arith.constant 0.000000e+00 : f32
        %max3A_1046 = vector.broadcast %max3A_1045 : f32 to vector<16xf32>
        %max3A_1047 = arith.maximumf %sub3A_1044, %max3A_1046 : vector<16xf32>
        %min3A_1048 = arith.minimumf %gather3A_605, %gather3A_1029 : vector<16xf32>
        %max3A_1049 = arith.maximumf %gather3A_599, %gather3A_1005 : vector<16xf32>
        %sub3A_1050 = arith.subf %min3A_1048, %max3A_1049 : vector<16xf32>
        %max3A_1051 = arith.constant 0.000000e+00 : f32
        %max3A_1052 = vector.broadcast %max3A_1051 : f32 to vector<16xf32>
        %max3A_1053 = arith.maximumf %sub3A_1050, %max3A_1052 : vector<16xf32>
        %mul3A_1054 = arith.mulf %max3A_1047, %max3A_1053 : vector<16xf32>
        %add3A_1055 = arith.addf %gather3A_1041, %mul3A_607 : vector<16xf32>
        %sub3A_1056 = arith.subf %add3A_1055, %mul3A_1054 : vector<16xf32>
        %mul3A_1057 = arith.constant 5.000000e-01 : f32
        %mul3A_1058 = vector.broadcast %mul3A_1057 : f32 to vector<16xf32>
        %mul3A_1059 = arith.mulf %mul3A_1058, %sub3A_1056 : vector<16xf32>
        %gt3A_1060 = arith.cmpf ogt, %mul3A_1054, %mul3A_1059 : vector<16xf32>
        %gt3A_1061 = arith.constant 4 : i32
        %gt3A_1062 = vector.broadcast %gt3A_1061 : i32 to vector<16xi32>
        %gt3A_1063 = arith.cmpi sgt, %iota3A, %gt3A_1062 : vector<16xi32>
        %and3A_1064 = arith.andi %gt3A_1060, %gt3A_1063 : vector<16xi1>
        %broadcast_in_dim3A_1065 = arith.constant 5 : i32
        %broadcast_in_dim3A_1066 = vector.broadcast %broadcast_in_dim3A_1065 : i32 to vector<16xi32>
        %lt3A_1067 = arith.constant 0 : i32
        %lt3A_1068 = vector.broadcast %lt3A_1067 : i32 to vector<16xi32>
        %lt3A_1069 = arith.cmpi slt, %broadcast_in_dim3A_1066, %lt3A_1068 : vector<16xi32>
        %add3A_1070 = arith.constant 16 : i32
        %add3A_1071 = vector.broadcast %add3A_1070 : i32 to vector<16xi32>
        %add3A_1072 = arith.addi %broadcast_in_dim3A_1066, %add3A_1071 : vector<16xi32>
        %select_n3A_1073 = arith.select %lt3A_1069, %add3A_1072, %broadcast_in_dim3A_1066 : vector<16xi1>, vector<16xi32>
        %broadcast_in_dim3A_1074 = vector.shape_cast %select_n3A_1073 : vector<16xi32> to vector<16x1xi32>
        %gather3A_1075 = vector.shape_cast %broadcast_in_dim3A_1074 : vector<16x1xi32> to vector<16xi32>
        %gather3A_1076 = tpu.dynamic_gather %gather3A_596[%gather3A_1075] in [0] : vector<16xf32>, vector<16xi32> -> vector<16xf32>
        %broadcast_in_dim3A_1077 = arith.constant 5 : i32
        %broadcast_in_dim3A_1078 = vector.broadcast %broadcast_in_dim3A_1077 : i32 to vector<16xi32>
        %lt3A_1079 = arith.constant 0 : i32
        %lt3A_1080 = vector.broadcast %lt3A_1079 : i32 to vector<16xi32>
        %lt3A_1081 = arith.cmpi slt, %broadcast_in_dim3A_1078, %lt3A_1080 : vector<16xi32>
        %add3A_1082 = arith.constant 16 : i32
        %add3A_1083 = vector.broadcast %add3A_1082 : i32 to vector<16xi32>
        %add3A_1084 = arith.addi %broadcast_in_dim3A_1078, %add3A_1083 : vector<16xi32>
        %select_n3A_1085 = arith.select %lt3A_1081, %add3A_1084, %broadcast_in_dim3A_1078 : vector<16xi1>, vector<16xi32>
        %broadcast_in_dim3A_1086 = vector.shape_cast %select_n3A_1085 : vector<16xi32> to vector<16x1xi32>
        %gather3A_1087 = vector.shape_cast %broadcast_in_dim3A_1086 : vector<16x1xi32> to vector<16xi32>
        %gather3A_1088 = tpu.dynamic_gather %gather3A_599[%gather3A_1087] in [0] : vector<16xf32>, vector<16xi32> -> vector<16xf32>
        %broadcast_in_dim3A_1089 = arith.constant 5 : i32
        %broadcast_in_dim3A_1090 = vector.broadcast %broadcast_in_dim3A_1089 : i32 to vector<16xi32>
        %lt3A_1091 = arith.constant 0 : i32
        %lt3A_1092 = vector.broadcast %lt3A_1091 : i32 to vector<16xi32>
        %lt3A_1093 = arith.cmpi slt, %broadcast_in_dim3A_1090, %lt3A_1092 : vector<16xi32>
        %add3A_1094 = arith.constant 16 : i32
        %add3A_1095 = vector.broadcast %add3A_1094 : i32 to vector<16xi32>
        %add3A_1096 = arith.addi %broadcast_in_dim3A_1090, %add3A_1095 : vector<16xi32>
        %select_n3A_1097 = arith.select %lt3A_1093, %add3A_1096, %broadcast_in_dim3A_1090 : vector<16xi1>, vector<16xi32>
        %broadcast_in_dim3A_1098 = vector.shape_cast %select_n3A_1097 : vector<16xi32> to vector<16x1xi32>
        %gather3A_1099 = vector.shape_cast %broadcast_in_dim3A_1098 : vector<16x1xi32> to vector<16xi32>
        %gather3A_1100 = tpu.dynamic_gather %gather3A_602[%gather3A_1099] in [0] : vector<16xf32>, vector<16xi32> -> vector<16xf32>
        %broadcast_in_dim3A_1101 = arith.constant 5 : i32
        %broadcast_in_dim3A_1102 = vector.broadcast %broadcast_in_dim3A_1101 : i32 to vector<16xi32>
        %lt3A_1103 = arith.constant 0 : i32
        %lt3A_1104 = vector.broadcast %lt3A_1103 : i32 to vector<16xi32>
        %lt3A_1105 = arith.cmpi slt, %broadcast_in_dim3A_1102, %lt3A_1104 : vector<16xi32>
        %add3A_1106 = arith.constant 16 : i32
        %add3A_1107 = vector.broadcast %add3A_1106 : i32 to vector<16xi32>
        %add3A_1108 = arith.addi %broadcast_in_dim3A_1102, %add3A_1107 : vector<16xi32>
        %select_n3A_1109 = arith.select %lt3A_1105, %add3A_1108, %broadcast_in_dim3A_1102 : vector<16xi1>, vector<16xi32>
        %broadcast_in_dim3A_1110 = vector.shape_cast %select_n3A_1109 : vector<16xi32> to vector<16x1xi32>
        %gather3A_1111 = vector.shape_cast %broadcast_in_dim3A_1110 : vector<16x1xi32> to vector<16xi32>
        %gather3A_1112 = tpu.dynamic_gather %gather3A_605[%gather3A_1111] in [0] : vector<16xf32>, vector<16xi32> -> vector<16xf32>
        %broadcast_in_dim3A_1113 = arith.constant 5 : i32
        %broadcast_in_dim3A_1114 = vector.broadcast %broadcast_in_dim3A_1113 : i32 to vector<16xi32>
        %lt3A_1115 = arith.constant 0 : i32
        %lt3A_1116 = vector.broadcast %lt3A_1115 : i32 to vector<16xi32>
        %lt3A_1117 = arith.cmpi slt, %broadcast_in_dim3A_1114, %lt3A_1116 : vector<16xi32>
        %add3A_1118 = arith.constant 16 : i32
        %add3A_1119 = vector.broadcast %add3A_1118 : i32 to vector<16xi32>
        %add3A_1120 = arith.addi %broadcast_in_dim3A_1114, %add3A_1119 : vector<16xi32>
        %select_n3A_1121 = arith.select %lt3A_1117, %add3A_1120, %broadcast_in_dim3A_1114 : vector<16xi1>, vector<16xi32>
        %broadcast_in_dim3A_1122 = vector.shape_cast %select_n3A_1121 : vector<16xi32> to vector<16x1xi32>
        %gather3A_1123 = vector.shape_cast %broadcast_in_dim3A_1122 : vector<16x1xi32> to vector<16xi32>
        %gather3A_1124 = tpu.dynamic_gather %mul3A_607[%gather3A_1123] in [0] : vector<16xf32>, vector<16xi32> -> vector<16xf32>
        %min3A_1125 = arith.minimumf %gather3A_602, %gather3A_1100 : vector<16xf32>
        %max3A_1126 = arith.maximumf %gather3A_596, %gather3A_1076 : vector<16xf32>
        %sub3A_1127 = arith.subf %min3A_1125, %max3A_1126 : vector<16xf32>
        %max3A_1128 = arith.constant 0.000000e+00 : f32
        %max3A_1129 = vector.broadcast %max3A_1128 : f32 to vector<16xf32>
        %max3A_1130 = arith.maximumf %sub3A_1127, %max3A_1129 : vector<16xf32>
        %min3A_1131 = arith.minimumf %gather3A_605, %gather3A_1112 : vector<16xf32>
        %max3A_1132 = arith.maximumf %gather3A_599, %gather3A_1088 : vector<16xf32>
        %sub3A_1133 = arith.subf %min3A_1131, %max3A_1132 : vector<16xf32>
        %max3A_1134 = arith.constant 0.000000e+00 : f32
        %max3A_1135 = vector.broadcast %max3A_1134 : f32 to vector<16xf32>
        %max3A_1136 = arith.maximumf %sub3A_1133, %max3A_1135 : vector<16xf32>
        %mul3A_1137 = arith.mulf %max3A_1130, %max3A_1136 : vector<16xf32>
        %add3A_1138 = arith.addf %gather3A_1124, %mul3A_607 : vector<16xf32>
        %sub3A_1139 = arith.subf %add3A_1138, %mul3A_1137 : vector<16xf32>
        %mul3A_1140 = arith.constant 5.000000e-01 : f32
        %mul3A_1141 = vector.broadcast %mul3A_1140 : f32 to vector<16xf32>
        %mul3A_1142 = arith.mulf %mul3A_1141, %sub3A_1139 : vector<16xf32>
        %gt3A_1143 = arith.cmpf ogt, %mul3A_1137, %mul3A_1142 : vector<16xf32>
        %gt3A_1144 = arith.constant 5 : i32
        %gt3A_1145 = vector.broadcast %gt3A_1144 : i32 to vector<16xi32>
        %gt3A_1146 = arith.cmpi sgt, %iota3A, %gt3A_1145 : vector<16xi32>
        %and3A_1147 = arith.andi %gt3A_1143, %gt3A_1146 : vector<16xi1>
        %broadcast_in_dim3A_1148 = arith.constant 6 : i32
        %broadcast_in_dim3A_1149 = vector.broadcast %broadcast_in_dim3A_1148 : i32 to vector<16xi32>
        %lt3A_1150 = arith.constant 0 : i32
        %lt3A_1151 = vector.broadcast %lt3A_1150 : i32 to vector<16xi32>
        %lt3A_1152 = arith.cmpi slt, %broadcast_in_dim3A_1149, %lt3A_1151 : vector<16xi32>
        %add3A_1153 = arith.constant 16 : i32
        %add3A_1154 = vector.broadcast %add3A_1153 : i32 to vector<16xi32>
        %add3A_1155 = arith.addi %broadcast_in_dim3A_1149, %add3A_1154 : vector<16xi32>
        %select_n3A_1156 = arith.select %lt3A_1152, %add3A_1155, %broadcast_in_dim3A_1149 : vector<16xi1>, vector<16xi32>
        %broadcast_in_dim3A_1157 = vector.shape_cast %select_n3A_1156 : vector<16xi32> to vector<16x1xi32>
        %gather3A_1158 = vector.shape_cast %broadcast_in_dim3A_1157 : vector<16x1xi32> to vector<16xi32>
        %gather3A_1159 = tpu.dynamic_gather %gather3A_596[%gather3A_1158] in [0] : vector<16xf32>, vector<16xi32> -> vector<16xf32>
        %broadcast_in_dim3A_1160 = arith.constant 6 : i32
        %broadcast_in_dim3A_1161 = vector.broadcast %broadcast_in_dim3A_1160 : i32 to vector<16xi32>
        %lt3A_1162 = arith.constant 0 : i32
        %lt3A_1163 = vector.broadcast %lt3A_1162 : i32 to vector<16xi32>
        %lt3A_1164 = arith.cmpi slt, %broadcast_in_dim3A_1161, %lt3A_1163 : vector<16xi32>
        %add3A_1165 = arith.constant 16 : i32
        %add3A_1166 = vector.broadcast %add3A_1165 : i32 to vector<16xi32>
        %add3A_1167 = arith.addi %broadcast_in_dim3A_1161, %add3A_1166 : vector<16xi32>
        %select_n3A_1168 = arith.select %lt3A_1164, %add3A_1167, %broadcast_in_dim3A_1161 : vector<16xi1>, vector<16xi32>
        %broadcast_in_dim3A_1169 = vector.shape_cast %select_n3A_1168 : vector<16xi32> to vector<16x1xi32>
        %gather3A_1170 = vector.shape_cast %broadcast_in_dim3A_1169 : vector<16x1xi32> to vector<16xi32>
        %gather3A_1171 = tpu.dynamic_gather %gather3A_599[%gather3A_1170] in [0] : vector<16xf32>, vector<16xi32> -> vector<16xf32>
        %broadcast_in_dim3A_1172 = arith.constant 6 : i32
        %broadcast_in_dim3A_1173 = vector.broadcast %broadcast_in_dim3A_1172 : i32 to vector<16xi32>
        %lt3A_1174 = arith.constant 0 : i32
        %lt3A_1175 = vector.broadcast %lt3A_1174 : i32 to vector<16xi32>
        %lt3A_1176 = arith.cmpi slt, %broadcast_in_dim3A_1173, %lt3A_1175 : vector<16xi32>
        %add3A_1177 = arith.constant 16 : i32
        %add3A_1178 = vector.broadcast %add3A_1177 : i32 to vector<16xi32>
        %add3A_1179 = arith.addi %broadcast_in_dim3A_1173, %add3A_1178 : vector<16xi32>
        %select_n3A_1180 = arith.select %lt3A_1176, %add3A_1179, %broadcast_in_dim3A_1173 : vector<16xi1>, vector<16xi32>
        %broadcast_in_dim3A_1181 = vector.shape_cast %select_n3A_1180 : vector<16xi32> to vector<16x1xi32>
        %gather3A_1182 = vector.shape_cast %broadcast_in_dim3A_1181 : vector<16x1xi32> to vector<16xi32>
        %gather3A_1183 = tpu.dynamic_gather %gather3A_602[%gather3A_1182] in [0] : vector<16xf32>, vector<16xi32> -> vector<16xf32>
        %broadcast_in_dim3A_1184 = arith.constant 6 : i32
        %broadcast_in_dim3A_1185 = vector.broadcast %broadcast_in_dim3A_1184 : i32 to vector<16xi32>
        %lt3A_1186 = arith.constant 0 : i32
        %lt3A_1187 = vector.broadcast %lt3A_1186 : i32 to vector<16xi32>
        %lt3A_1188 = arith.cmpi slt, %broadcast_in_dim3A_1185, %lt3A_1187 : vector<16xi32>
        %add3A_1189 = arith.constant 16 : i32
        %add3A_1190 = vector.broadcast %add3A_1189 : i32 to vector<16xi32>
        %add3A_1191 = arith.addi %broadcast_in_dim3A_1185, %add3A_1190 : vector<16xi32>
        %select_n3A_1192 = arith.select %lt3A_1188, %add3A_1191, %broadcast_in_dim3A_1185 : vector<16xi1>, vector<16xi32>
        %broadcast_in_dim3A_1193 = vector.shape_cast %select_n3A_1192 : vector<16xi32> to vector<16x1xi32>
        %gather3A_1194 = vector.shape_cast %broadcast_in_dim3A_1193 : vector<16x1xi32> to vector<16xi32>
        %gather3A_1195 = tpu.dynamic_gather %gather3A_605[%gather3A_1194] in [0] : vector<16xf32>, vector<16xi32> -> vector<16xf32>
        %broadcast_in_dim3A_1196 = arith.constant 6 : i32
        %broadcast_in_dim3A_1197 = vector.broadcast %broadcast_in_dim3A_1196 : i32 to vector<16xi32>
        %lt3A_1198 = arith.constant 0 : i32
        %lt3A_1199 = vector.broadcast %lt3A_1198 : i32 to vector<16xi32>
        %lt3A_1200 = arith.cmpi slt, %broadcast_in_dim3A_1197, %lt3A_1199 : vector<16xi32>
        %add3A_1201 = arith.constant 16 : i32
        %add3A_1202 = vector.broadcast %add3A_1201 : i32 to vector<16xi32>
        %add3A_1203 = arith.addi %broadcast_in_dim3A_1197, %add3A_1202 : vector<16xi32>
        %select_n3A_1204 = arith.select %lt3A_1200, %add3A_1203, %broadcast_in_dim3A_1197 : vector<16xi1>, vector<16xi32>
        %broadcast_in_dim3A_1205 = vector.shape_cast %select_n3A_1204 : vector<16xi32> to vector<16x1xi32>
        %gather3A_1206 = vector.shape_cast %broadcast_in_dim3A_1205 : vector<16x1xi32> to vector<16xi32>
        %gather3A_1207 = tpu.dynamic_gather %mul3A_607[%gather3A_1206] in [0] : vector<16xf32>, vector<16xi32> -> vector<16xf32>
        %min3A_1208 = arith.minimumf %gather3A_602, %gather3A_1183 : vector<16xf32>
        %max3A_1209 = arith.maximumf %gather3A_596, %gather3A_1159 : vector<16xf32>
        %sub3A_1210 = arith.subf %min3A_1208, %max3A_1209 : vector<16xf32>
        %max3A_1211 = arith.constant 0.000000e+00 : f32
        %max3A_1212 = vector.broadcast %max3A_1211 : f32 to vector<16xf32>
        %max3A_1213 = arith.maximumf %sub3A_1210, %max3A_1212 : vector<16xf32>
        %min3A_1214 = arith.minimumf %gather3A_605, %gather3A_1195 : vector<16xf32>
        %max3A_1215 = arith.maximumf %gather3A_599, %gather3A_1171 : vector<16xf32>
        %sub3A_1216 = arith.subf %min3A_1214, %max3A_1215 : vector<16xf32>
        %max3A_1217 = arith.constant 0.000000e+00 : f32
        %max3A_1218 = vector.broadcast %max3A_1217 : f32 to vector<16xf32>
        %max3A_1219 = arith.maximumf %sub3A_1216, %max3A_1218 : vector<16xf32>
        %mul3A_1220 = arith.mulf %max3A_1213, %max3A_1219 : vector<16xf32>
        %add3A_1221 = arith.addf %gather3A_1207, %mul3A_607 : vector<16xf32>
        %sub3A_1222 = arith.subf %add3A_1221, %mul3A_1220 : vector<16xf32>
        %mul3A_1223 = arith.constant 5.000000e-01 : f32
        %mul3A_1224 = vector.broadcast %mul3A_1223 : f32 to vector<16xf32>
        %mul3A_1225 = arith.mulf %mul3A_1224, %sub3A_1222 : vector<16xf32>
        %gt3A_1226 = arith.cmpf ogt, %mul3A_1220, %mul3A_1225 : vector<16xf32>
        %gt3A_1227 = arith.constant 6 : i32
        %gt3A_1228 = vector.broadcast %gt3A_1227 : i32 to vector<16xi32>
        %gt3A_1229 = arith.cmpi sgt, %iota3A, %gt3A_1228 : vector<16xi32>
        %and3A_1230 = arith.andi %gt3A_1226, %gt3A_1229 : vector<16xi1>
        %broadcast_in_dim3A_1231 = arith.constant 7 : i32
        %broadcast_in_dim3A_1232 = vector.broadcast %broadcast_in_dim3A_1231 : i32 to vector<16xi32>
        %lt3A_1233 = arith.constant 0 : i32
        %lt3A_1234 = vector.broadcast %lt3A_1233 : i32 to vector<16xi32>
        %lt3A_1235 = arith.cmpi slt, %broadcast_in_dim3A_1232, %lt3A_1234 : vector<16xi32>
        %add3A_1236 = arith.constant 16 : i32
        %add3A_1237 = vector.broadcast %add3A_1236 : i32 to vector<16xi32>
        %add3A_1238 = arith.addi %broadcast_in_dim3A_1232, %add3A_1237 : vector<16xi32>
        %select_n3A_1239 = arith.select %lt3A_1235, %add3A_1238, %broadcast_in_dim3A_1232 : vector<16xi1>, vector<16xi32>
        %broadcast_in_dim3A_1240 = vector.shape_cast %select_n3A_1239 : vector<16xi32> to vector<16x1xi32>
        %gather3A_1241 = vector.shape_cast %broadcast_in_dim3A_1240 : vector<16x1xi32> to vector<16xi32>
        %gather3A_1242 = tpu.dynamic_gather %gather3A_596[%gather3A_1241] in [0] : vector<16xf32>, vector<16xi32> -> vector<16xf32>
        %broadcast_in_dim3A_1243 = arith.constant 7 : i32
        %broadcast_in_dim3A_1244 = vector.broadcast %broadcast_in_dim3A_1243 : i32 to vector<16xi32>
        %lt3A_1245 = arith.constant 0 : i32
        %lt3A_1246 = vector.broadcast %lt3A_1245 : i32 to vector<16xi32>
        %lt3A_1247 = arith.cmpi slt, %broadcast_in_dim3A_1244, %lt3A_1246 : vector<16xi32>
        %add3A_1248 = arith.constant 16 : i32
        %add3A_1249 = vector.broadcast %add3A_1248 : i32 to vector<16xi32>
        %add3A_1250 = arith.addi %broadcast_in_dim3A_1244, %add3A_1249 : vector<16xi32>
        %select_n3A_1251 = arith.select %lt3A_1247, %add3A_1250, %broadcast_in_dim3A_1244 : vector<16xi1>, vector<16xi32>
        %broadcast_in_dim3A_1252 = vector.shape_cast %select_n3A_1251 : vector<16xi32> to vector<16x1xi32>
        %gather3A_1253 = vector.shape_cast %broadcast_in_dim3A_1252 : vector<16x1xi32> to vector<16xi32>
        %gather3A_1254 = tpu.dynamic_gather %gather3A_599[%gather3A_1253] in [0] : vector<16xf32>, vector<16xi32> -> vector<16xf32>
        %broadcast_in_dim3A_1255 = arith.constant 7 : i32
        %broadcast_in_dim3A_1256 = vector.broadcast %broadcast_in_dim3A_1255 : i32 to vector<16xi32>
        %lt3A_1257 = arith.constant 0 : i32
        %lt3A_1258 = vector.broadcast %lt3A_1257 : i32 to vector<16xi32>
        %lt3A_1259 = arith.cmpi slt, %broadcast_in_dim3A_1256, %lt3A_1258 : vector<16xi32>
        %add3A_1260 = arith.constant 16 : i32
        %add3A_1261 = vector.broadcast %add3A_1260 : i32 to vector<16xi32>
        %add3A_1262 = arith.addi %broadcast_in_dim3A_1256, %add3A_1261 : vector<16xi32>
        %select_n3A_1263 = arith.select %lt3A_1259, %add3A_1262, %broadcast_in_dim3A_1256 : vector<16xi1>, vector<16xi32>
        %broadcast_in_dim3A_1264 = vector.shape_cast %select_n3A_1263 : vector<16xi32> to vector<16x1xi32>
        %gather3A_1265 = vector.shape_cast %broadcast_in_dim3A_1264 : vector<16x1xi32> to vector<16xi32>
        %gather3A_1266 = tpu.dynamic_gather %gather3A_602[%gather3A_1265] in [0] : vector<16xf32>, vector<16xi32> -> vector<16xf32>
        %broadcast_in_dim3A_1267 = arith.constant 7 : i32
        %broadcast_in_dim3A_1268 = vector.broadcast %broadcast_in_dim3A_1267 : i32 to vector<16xi32>
        %lt3A_1269 = arith.constant 0 : i32
        %lt3A_1270 = vector.broadcast %lt3A_1269 : i32 to vector<16xi32>
        %lt3A_1271 = arith.cmpi slt, %broadcast_in_dim3A_1268, %lt3A_1270 : vector<16xi32>
        %add3A_1272 = arith.constant 16 : i32
        %add3A_1273 = vector.broadcast %add3A_1272 : i32 to vector<16xi32>
        %add3A_1274 = arith.addi %broadcast_in_dim3A_1268, %add3A_1273 : vector<16xi32>
        %select_n3A_1275 = arith.select %lt3A_1271, %add3A_1274, %broadcast_in_dim3A_1268 : vector<16xi1>, vector<16xi32>
        %broadcast_in_dim3A_1276 = vector.shape_cast %select_n3A_1275 : vector<16xi32> to vector<16x1xi32>
        %gather3A_1277 = vector.shape_cast %broadcast_in_dim3A_1276 : vector<16x1xi32> to vector<16xi32>
        %gather3A_1278 = tpu.dynamic_gather %gather3A_605[%gather3A_1277] in [0] : vector<16xf32>, vector<16xi32> -> vector<16xf32>
        %broadcast_in_dim3A_1279 = arith.constant 7 : i32
        %broadcast_in_dim3A_1280 = vector.broadcast %broadcast_in_dim3A_1279 : i32 to vector<16xi32>
        %lt3A_1281 = arith.constant 0 : i32
        %lt3A_1282 = vector.broadcast %lt3A_1281 : i32 to vector<16xi32>
        %lt3A_1283 = arith.cmpi slt, %broadcast_in_dim3A_1280, %lt3A_1282 : vector<16xi32>
        %add3A_1284 = arith.constant 16 : i32
        %add3A_1285 = vector.broadcast %add3A_1284 : i32 to vector<16xi32>
        %add3A_1286 = arith.addi %broadcast_in_dim3A_1280, %add3A_1285 : vector<16xi32>
        %select_n3A_1287 = arith.select %lt3A_1283, %add3A_1286, %broadcast_in_dim3A_1280 : vector<16xi1>, vector<16xi32>
        %broadcast_in_dim3A_1288 = vector.shape_cast %select_n3A_1287 : vector<16xi32> to vector<16x1xi32>
        %gather3A_1289 = vector.shape_cast %broadcast_in_dim3A_1288 : vector<16x1xi32> to vector<16xi32>
        %gather3A_1290 = tpu.dynamic_gather %mul3A_607[%gather3A_1289] in [0] : vector<16xf32>, vector<16xi32> -> vector<16xf32>
        %min3A_1291 = arith.minimumf %gather3A_602, %gather3A_1266 : vector<16xf32>
        %max3A_1292 = arith.maximumf %gather3A_596, %gather3A_1242 : vector<16xf32>
        %sub3A_1293 = arith.subf %min3A_1291, %max3A_1292 : vector<16xf32>
        %max3A_1294 = arith.constant 0.000000e+00 : f32
        %max3A_1295 = vector.broadcast %max3A_1294 : f32 to vector<16xf32>
        %max3A_1296 = arith.maximumf %sub3A_1293, %max3A_1295 : vector<16xf32>
        %min3A_1297 = arith.minimumf %gather3A_605, %gather3A_1278 : vector<16xf32>
        %max3A_1298 = arith.maximumf %gather3A_599, %gather3A_1254 : vector<16xf32>
        %sub3A_1299 = arith.subf %min3A_1297, %max3A_1298 : vector<16xf32>
        %max3A_1300 = arith.constant 0.000000e+00 : f32
        %max3A_1301 = vector.broadcast %max3A_1300 : f32 to vector<16xf32>
        %max3A_1302 = arith.maximumf %sub3A_1299, %max3A_1301 : vector<16xf32>
        %mul3A_1303 = arith.mulf %max3A_1296, %max3A_1302 : vector<16xf32>
        %add3A_1304 = arith.addf %gather3A_1290, %mul3A_607 : vector<16xf32>
        %sub3A_1305 = arith.subf %add3A_1304, %mul3A_1303 : vector<16xf32>
        %mul3A_1306 = arith.constant 5.000000e-01 : f32
        %mul3A_1307 = vector.broadcast %mul3A_1306 : f32 to vector<16xf32>
        %mul3A_1308 = arith.mulf %mul3A_1307, %sub3A_1305 : vector<16xf32>
        %gt3A_1309 = arith.cmpf ogt, %mul3A_1303, %mul3A_1308 : vector<16xf32>
        %gt3A_1310 = arith.constant 7 : i32
        %gt3A_1311 = vector.broadcast %gt3A_1310 : i32 to vector<16xi32>
        %gt3A_1312 = arith.cmpi sgt, %iota3A, %gt3A_1311 : vector<16xi32>
        %and3A_1313 = arith.andi %gt3A_1309, %gt3A_1312 : vector<16xi1>
        %broadcast_in_dim3A_1314 = arith.constant 8 : i32
        %broadcast_in_dim3A_1315 = vector.broadcast %broadcast_in_dim3A_1314 : i32 to vector<16xi32>
        %lt3A_1316 = arith.constant 0 : i32
        %lt3A_1317 = vector.broadcast %lt3A_1316 : i32 to vector<16xi32>
        %lt3A_1318 = arith.cmpi slt, %broadcast_in_dim3A_1315, %lt3A_1317 : vector<16xi32>
        %add3A_1319 = arith.constant 16 : i32
        %add3A_1320 = vector.broadcast %add3A_1319 : i32 to vector<16xi32>
        %add3A_1321 = arith.addi %broadcast_in_dim3A_1315, %add3A_1320 : vector<16xi32>
        %select_n3A_1322 = arith.select %lt3A_1318, %add3A_1321, %broadcast_in_dim3A_1315 : vector<16xi1>, vector<16xi32>
        %broadcast_in_dim3A_1323 = vector.shape_cast %select_n3A_1322 : vector<16xi32> to vector<16x1xi32>
        %gather3A_1324 = vector.shape_cast %broadcast_in_dim3A_1323 : vector<16x1xi32> to vector<16xi32>
        %gather3A_1325 = tpu.dynamic_gather %gather3A_596[%gather3A_1324] in [0] : vector<16xf32>, vector<16xi32> -> vector<16xf32>
        %broadcast_in_dim3A_1326 = arith.constant 8 : i32
        %broadcast_in_dim3A_1327 = vector.broadcast %broadcast_in_dim3A_1326 : i32 to vector<16xi32>
        %lt3A_1328 = arith.constant 0 : i32
        %lt3A_1329 = vector.broadcast %lt3A_1328 : i32 to vector<16xi32>
        %lt3A_1330 = arith.cmpi slt, %broadcast_in_dim3A_1327, %lt3A_1329 : vector<16xi32>
        %add3A_1331 = arith.constant 16 : i32
        %add3A_1332 = vector.broadcast %add3A_1331 : i32 to vector<16xi32>
        %add3A_1333 = arith.addi %broadcast_in_dim3A_1327, %add3A_1332 : vector<16xi32>
        %select_n3A_1334 = arith.select %lt3A_1330, %add3A_1333, %broadcast_in_dim3A_1327 : vector<16xi1>, vector<16xi32>
        %broadcast_in_dim3A_1335 = vector.shape_cast %select_n3A_1334 : vector<16xi32> to vector<16x1xi32>
        %gather3A_1336 = vector.shape_cast %broadcast_in_dim3A_1335 : vector<16x1xi32> to vector<16xi32>
        %gather3A_1337 = tpu.dynamic_gather %gather3A_599[%gather3A_1336] in [0] : vector<16xf32>, vector<16xi32> -> vector<16xf32>
        %broadcast_in_dim3A_1338 = arith.constant 8 : i32
        %broadcast_in_dim3A_1339 = vector.broadcast %broadcast_in_dim3A_1338 : i32 to vector<16xi32>
        %lt3A_1340 = arith.constant 0 : i32
        %lt3A_1341 = vector.broadcast %lt3A_1340 : i32 to vector<16xi32>
        %lt3A_1342 = arith.cmpi slt, %broadcast_in_dim3A_1339, %lt3A_1341 : vector<16xi32>
        %add3A_1343 = arith.constant 16 : i32
        %add3A_1344 = vector.broadcast %add3A_1343 : i32 to vector<16xi32>
        %add3A_1345 = arith.addi %broadcast_in_dim3A_1339, %add3A_1344 : vector<16xi32>
        %select_n3A_1346 = arith.select %lt3A_1342, %add3A_1345, %broadcast_in_dim3A_1339 : vector<16xi1>, vector<16xi32>
        %broadcast_in_dim3A_1347 = vector.shape_cast %select_n3A_1346 : vector<16xi32> to vector<16x1xi32>
        %gather3A_1348 = vector.shape_cast %broadcast_in_dim3A_1347 : vector<16x1xi32> to vector<16xi32>
        %gather3A_1349 = tpu.dynamic_gather %gather3A_602[%gather3A_1348] in [0] : vector<16xf32>, vector<16xi32> -> vector<16xf32>
        %broadcast_in_dim3A_1350 = arith.constant 8 : i32
        %broadcast_in_dim3A_1351 = vector.broadcast %broadcast_in_dim3A_1350 : i32 to vector<16xi32>
        %lt3A_1352 = arith.constant 0 : i32
        %lt3A_1353 = vector.broadcast %lt3A_1352 : i32 to vector<16xi32>
        %lt3A_1354 = arith.cmpi slt, %broadcast_in_dim3A_1351, %lt3A_1353 : vector<16xi32>
        %add3A_1355 = arith.constant 16 : i32
        %add3A_1356 = vector.broadcast %add3A_1355 : i32 to vector<16xi32>
        %add3A_1357 = arith.addi %broadcast_in_dim3A_1351, %add3A_1356 : vector<16xi32>
        %select_n3A_1358 = arith.select %lt3A_1354, %add3A_1357, %broadcast_in_dim3A_1351 : vector<16xi1>, vector<16xi32>
        %broadcast_in_dim3A_1359 = vector.shape_cast %select_n3A_1358 : vector<16xi32> to vector<16x1xi32>
        %gather3A_1360 = vector.shape_cast %broadcast_in_dim3A_1359 : vector<16x1xi32> to vector<16xi32>
        %gather3A_1361 = tpu.dynamic_gather %gather3A_605[%gather3A_1360] in [0] : vector<16xf32>, vector<16xi32> -> vector<16xf32>
        %broadcast_in_dim3A_1362 = arith.constant 8 : i32
        %broadcast_in_dim3A_1363 = vector.broadcast %broadcast_in_dim3A_1362 : i32 to vector<16xi32>
        %lt3A_1364 = arith.constant 0 : i32
        %lt3A_1365 = vector.broadcast %lt3A_1364 : i32 to vector<16xi32>
        %lt3A_1366 = arith.cmpi slt, %broadcast_in_dim3A_1363, %lt3A_1365 : vector<16xi32>
        %add3A_1367 = arith.constant 16 : i32
        %add3A_1368 = vector.broadcast %add3A_1367 : i32 to vector<16xi32>
        %add3A_1369 = arith.addi %broadcast_in_dim3A_1363, %add3A_1368 : vector<16xi32>
        %select_n3A_1370 = arith.select %lt3A_1366, %add3A_1369, %broadcast_in_dim3A_1363 : vector<16xi1>, vector<16xi32>
        %broadcast_in_dim3A_1371 = vector.shape_cast %select_n3A_1370 : vector<16xi32> to vector<16x1xi32>
        %gather3A_1372 = vector.shape_cast %broadcast_in_dim3A_1371 : vector<16x1xi32> to vector<16xi32>
        %gather3A_1373 = tpu.dynamic_gather %mul3A_607[%gather3A_1372] in [0] : vector<16xf32>, vector<16xi32> -> vector<16xf32>
        %min3A_1374 = arith.minimumf %gather3A_602, %gather3A_1349 : vector<16xf32>
        %max3A_1375 = arith.maximumf %gather3A_596, %gather3A_1325 : vector<16xf32>
        %sub3A_1376 = arith.subf %min3A_1374, %max3A_1375 : vector<16xf32>
        %max3A_1377 = arith.constant 0.000000e+00 : f32
        %max3A_1378 = vector.broadcast %max3A_1377 : f32 to vector<16xf32>
        %max3A_1379 = arith.maximumf %sub3A_1376, %max3A_1378 : vector<16xf32>
        %min3A_1380 = arith.minimumf %gather3A_605, %gather3A_1361 : vector<16xf32>
        %max3A_1381 = arith.maximumf %gather3A_599, %gather3A_1337 : vector<16xf32>
        %sub3A_1382 = arith.subf %min3A_1380, %max3A_1381 : vector<16xf32>
        %max3A_1383 = arith.constant 0.000000e+00 : f32
        %max3A_1384 = vector.broadcast %max3A_1383 : f32 to vector<16xf32>
        %max3A_1385 = arith.maximumf %sub3A_1382, %max3A_1384 : vector<16xf32>
        %mul3A_1386 = arith.mulf %max3A_1379, %max3A_1385 : vector<16xf32>
        %add3A_1387 = arith.addf %gather3A_1373, %mul3A_607 : vector<16xf32>
        %sub3A_1388 = arith.subf %add3A_1387, %mul3A_1386 : vector<16xf32>
        %mul3A_1389 = arith.constant 5.000000e-01 : f32
        %mul3A_1390 = vector.broadcast %mul3A_1389 : f32 to vector<16xf32>
        %mul3A_1391 = arith.mulf %mul3A_1390, %sub3A_1388 : vector<16xf32>
        %gt3A_1392 = arith.cmpf ogt, %mul3A_1386, %mul3A_1391 : vector<16xf32>
        %gt3A_1393 = arith.constant 8 : i32
        %gt3A_1394 = vector.broadcast %gt3A_1393 : i32 to vector<16xi32>
        %gt3A_1395 = arith.cmpi sgt, %iota3A, %gt3A_1394 : vector<16xi32>
        %and3A_1396 = arith.andi %gt3A_1392, %gt3A_1395 : vector<16xi1>
        %broadcast_in_dim3A_1397 = arith.constant 9 : i32
        %broadcast_in_dim3A_1398 = vector.broadcast %broadcast_in_dim3A_1397 : i32 to vector<16xi32>
        %lt3A_1399 = arith.constant 0 : i32
        %lt3A_1400 = vector.broadcast %lt3A_1399 : i32 to vector<16xi32>
        %lt3A_1401 = arith.cmpi slt, %broadcast_in_dim3A_1398, %lt3A_1400 : vector<16xi32>
        %add3A_1402 = arith.constant 16 : i32
        %add3A_1403 = vector.broadcast %add3A_1402 : i32 to vector<16xi32>
        %add3A_1404 = arith.addi %broadcast_in_dim3A_1398, %add3A_1403 : vector<16xi32>
        %select_n3A_1405 = arith.select %lt3A_1401, %add3A_1404, %broadcast_in_dim3A_1398 : vector<16xi1>, vector<16xi32>
        %broadcast_in_dim3A_1406 = vector.shape_cast %select_n3A_1405 : vector<16xi32> to vector<16x1xi32>
        %gather3A_1407 = vector.shape_cast %broadcast_in_dim3A_1406 : vector<16x1xi32> to vector<16xi32>
        %gather3A_1408 = tpu.dynamic_gather %gather3A_596[%gather3A_1407] in [0] : vector<16xf32>, vector<16xi32> -> vector<16xf32>
        %broadcast_in_dim3A_1409 = arith.constant 9 : i32
        %broadcast_in_dim3A_1410 = vector.broadcast %broadcast_in_dim3A_1409 : i32 to vector<16xi32>
        %lt3A_1411 = arith.constant 0 : i32
        %lt3A_1412 = vector.broadcast %lt3A_1411 : i32 to vector<16xi32>
        %lt3A_1413 = arith.cmpi slt, %broadcast_in_dim3A_1410, %lt3A_1412 : vector<16xi32>
        %add3A_1414 = arith.constant 16 : i32
        %add3A_1415 = vector.broadcast %add3A_1414 : i32 to vector<16xi32>
        %add3A_1416 = arith.addi %broadcast_in_dim3A_1410, %add3A_1415 : vector<16xi32>
        %select_n3A_1417 = arith.select %lt3A_1413, %add3A_1416, %broadcast_in_dim3A_1410 : vector<16xi1>, vector<16xi32>
        %broadcast_in_dim3A_1418 = vector.shape_cast %select_n3A_1417 : vector<16xi32> to vector<16x1xi32>
        %gather3A_1419 = vector.shape_cast %broadcast_in_dim3A_1418 : vector<16x1xi32> to vector<16xi32>
        %gather3A_1420 = tpu.dynamic_gather %gather3A_599[%gather3A_1419] in [0] : vector<16xf32>, vector<16xi32> -> vector<16xf32>
        %broadcast_in_dim3A_1421 = arith.constant 9 : i32
        %broadcast_in_dim3A_1422 = vector.broadcast %broadcast_in_dim3A_1421 : i32 to vector<16xi32>
        %lt3A_1423 = arith.constant 0 : i32
        %lt3A_1424 = vector.broadcast %lt3A_1423 : i32 to vector<16xi32>
        %lt3A_1425 = arith.cmpi slt, %broadcast_in_dim3A_1422, %lt3A_1424 : vector<16xi32>
        %add3A_1426 = arith.constant 16 : i32
        %add3A_1427 = vector.broadcast %add3A_1426 : i32 to vector<16xi32>
        %add3A_1428 = arith.addi %broadcast_in_dim3A_1422, %add3A_1427 : vector<16xi32>
        %select_n3A_1429 = arith.select %lt3A_1425, %add3A_1428, %broadcast_in_dim3A_1422 : vector<16xi1>, vector<16xi32>
        %broadcast_in_dim3A_1430 = vector.shape_cast %select_n3A_1429 : vector<16xi32> to vector<16x1xi32>
        %gather3A_1431 = vector.shape_cast %broadcast_in_dim3A_1430 : vector<16x1xi32> to vector<16xi32>
        %gather3A_1432 = tpu.dynamic_gather %gather3A_602[%gather3A_1431] in [0] : vector<16xf32>, vector<16xi32> -> vector<16xf32>
        %broadcast_in_dim3A_1433 = arith.constant 9 : i32
        %broadcast_in_dim3A_1434 = vector.broadcast %broadcast_in_dim3A_1433 : i32 to vector<16xi32>
        %lt3A_1435 = arith.constant 0 : i32
        %lt3A_1436 = vector.broadcast %lt3A_1435 : i32 to vector<16xi32>
        %lt3A_1437 = arith.cmpi slt, %broadcast_in_dim3A_1434, %lt3A_1436 : vector<16xi32>
        %add3A_1438 = arith.constant 16 : i32
        %add3A_1439 = vector.broadcast %add3A_1438 : i32 to vector<16xi32>
        %add3A_1440 = arith.addi %broadcast_in_dim3A_1434, %add3A_1439 : vector<16xi32>
        %select_n3A_1441 = arith.select %lt3A_1437, %add3A_1440, %broadcast_in_dim3A_1434 : vector<16xi1>, vector<16xi32>
        %broadcast_in_dim3A_1442 = vector.shape_cast %select_n3A_1441 : vector<16xi32> to vector<16x1xi32>
        %gather3A_1443 = vector.shape_cast %broadcast_in_dim3A_1442 : vector<16x1xi32> to vector<16xi32>
        %gather3A_1444 = tpu.dynamic_gather %gather3A_605[%gather3A_1443] in [0] : vector<16xf32>, vector<16xi32> -> vector<16xf32>
        %broadcast_in_dim3A_1445 = arith.constant 9 : i32
        %broadcast_in_dim3A_1446 = vector.broadcast %broadcast_in_dim3A_1445 : i32 to vector<16xi32>
        %lt3A_1447 = arith.constant 0 : i32
        %lt3A_1448 = vector.broadcast %lt3A_1447 : i32 to vector<16xi32>
        %lt3A_1449 = arith.cmpi slt, %broadcast_in_dim3A_1446, %lt3A_1448 : vector<16xi32>
        %add3A_1450 = arith.constant 16 : i32
        %add3A_1451 = vector.broadcast %add3A_1450 : i32 to vector<16xi32>
        %add3A_1452 = arith.addi %broadcast_in_dim3A_1446, %add3A_1451 : vector<16xi32>
        %select_n3A_1453 = arith.select %lt3A_1449, %add3A_1452, %broadcast_in_dim3A_1446 : vector<16xi1>, vector<16xi32>
        %broadcast_in_dim3A_1454 = vector.shape_cast %select_n3A_1453 : vector<16xi32> to vector<16x1xi32>
        %gather3A_1455 = vector.shape_cast %broadcast_in_dim3A_1454 : vector<16x1xi32> to vector<16xi32>
        %gather3A_1456 = tpu.dynamic_gather %mul3A_607[%gather3A_1455] in [0] : vector<16xf32>, vector<16xi32> -> vector<16xf32>
        %min3A_1457 = arith.minimumf %gather3A_602, %gather3A_1432 : vector<16xf32>
        %max3A_1458 = arith.maximumf %gather3A_596, %gather3A_1408 : vector<16xf32>
        %sub3A_1459 = arith.subf %min3A_1457, %max3A_1458 : vector<16xf32>
        %max3A_1460 = arith.constant 0.000000e+00 : f32
        %max3A_1461 = vector.broadcast %max3A_1460 : f32 to vector<16xf32>
        %max3A_1462 = arith.maximumf %sub3A_1459, %max3A_1461 : vector<16xf32>
        %min3A_1463 = arith.minimumf %gather3A_605, %gather3A_1444 : vector<16xf32>
        %max3A_1464 = arith.maximumf %gather3A_599, %gather3A_1420 : vector<16xf32>
        %sub3A_1465 = arith.subf %min3A_1463, %max3A_1464 : vector<16xf32>
        %max3A_1466 = arith.constant 0.000000e+00 : f32
        %max3A_1467 = vector.broadcast %max3A_1466 : f32 to vector<16xf32>
        %max3A_1468 = arith.maximumf %sub3A_1465, %max3A_1467 : vector<16xf32>
        %mul3A_1469 = arith.mulf %max3A_1462, %max3A_1468 : vector<16xf32>
        %add3A_1470 = arith.addf %gather3A_1456, %mul3A_607 : vector<16xf32>
        %sub3A_1471 = arith.subf %add3A_1470, %mul3A_1469 : vector<16xf32>
        %mul3A_1472 = arith.constant 5.000000e-01 : f32
        %mul3A_1473 = vector.broadcast %mul3A_1472 : f32 to vector<16xf32>
        %mul3A_1474 = arith.mulf %mul3A_1473, %sub3A_1471 : vector<16xf32>
        %gt3A_1475 = arith.cmpf ogt, %mul3A_1469, %mul3A_1474 : vector<16xf32>
        %gt3A_1476 = arith.constant 9 : i32
        %gt3A_1477 = vector.broadcast %gt3A_1476 : i32 to vector<16xi32>
        %gt3A_1478 = arith.cmpi sgt, %iota3A, %gt3A_1477 : vector<16xi32>
        %and3A_1479 = arith.andi %gt3A_1475, %gt3A_1478 : vector<16xi1>
        %broadcast_in_dim3A_1480 = arith.constant 10 : i32
        %broadcast_in_dim3A_1481 = vector.broadcast %broadcast_in_dim3A_1480 : i32 to vector<16xi32>
        %lt3A_1482 = arith.constant 0 : i32
        %lt3A_1483 = vector.broadcast %lt3A_1482 : i32 to vector<16xi32>
        %lt3A_1484 = arith.cmpi slt, %broadcast_in_dim3A_1481, %lt3A_1483 : vector<16xi32>
        %add3A_1485 = arith.constant 16 : i32
        %add3A_1486 = vector.broadcast %add3A_1485 : i32 to vector<16xi32>
        %add3A_1487 = arith.addi %broadcast_in_dim3A_1481, %add3A_1486 : vector<16xi32>
        %select_n3A_1488 = arith.select %lt3A_1484, %add3A_1487, %broadcast_in_dim3A_1481 : vector<16xi1>, vector<16xi32>
        %broadcast_in_dim3A_1489 = vector.shape_cast %select_n3A_1488 : vector<16xi32> to vector<16x1xi32>
        %gather3A_1490 = vector.shape_cast %broadcast_in_dim3A_1489 : vector<16x1xi32> to vector<16xi32>
        %gather3A_1491 = tpu.dynamic_gather %gather3A_596[%gather3A_1490] in [0] : vector<16xf32>, vector<16xi32> -> vector<16xf32>
        %broadcast_in_dim3A_1492 = arith.constant 10 : i32
        %broadcast_in_dim3A_1493 = vector.broadcast %broadcast_in_dim3A_1492 : i32 to vector<16xi32>
        %lt3A_1494 = arith.constant 0 : i32
        %lt3A_1495 = vector.broadcast %lt3A_1494 : i32 to vector<16xi32>
        %lt3A_1496 = arith.cmpi slt, %broadcast_in_dim3A_1493, %lt3A_1495 : vector<16xi32>
        %add3A_1497 = arith.constant 16 : i32
        %add3A_1498 = vector.broadcast %add3A_1497 : i32 to vector<16xi32>
        %add3A_1499 = arith.addi %broadcast_in_dim3A_1493, %add3A_1498 : vector<16xi32>
        %select_n3A_1500 = arith.select %lt3A_1496, %add3A_1499, %broadcast_in_dim3A_1493 : vector<16xi1>, vector<16xi32>
        %broadcast_in_dim3A_1501 = vector.shape_cast %select_n3A_1500 : vector<16xi32> to vector<16x1xi32>
        %gather3A_1502 = vector.shape_cast %broadcast_in_dim3A_1501 : vector<16x1xi32> to vector<16xi32>
        %gather3A_1503 = tpu.dynamic_gather %gather3A_599[%gather3A_1502] in [0] : vector<16xf32>, vector<16xi32> -> vector<16xf32>
        %broadcast_in_dim3A_1504 = arith.constant 10 : i32
        %broadcast_in_dim3A_1505 = vector.broadcast %broadcast_in_dim3A_1504 : i32 to vector<16xi32>
        %lt3A_1506 = arith.constant 0 : i32
        %lt3A_1507 = vector.broadcast %lt3A_1506 : i32 to vector<16xi32>
        %lt3A_1508 = arith.cmpi slt, %broadcast_in_dim3A_1505, %lt3A_1507 : vector<16xi32>
        %add3A_1509 = arith.constant 16 : i32
        %add3A_1510 = vector.broadcast %add3A_1509 : i32 to vector<16xi32>
        %add3A_1511 = arith.addi %broadcast_in_dim3A_1505, %add3A_1510 : vector<16xi32>
        %select_n3A_1512 = arith.select %lt3A_1508, %add3A_1511, %broadcast_in_dim3A_1505 : vector<16xi1>, vector<16xi32>
        %broadcast_in_dim3A_1513 = vector.shape_cast %select_n3A_1512 : vector<16xi32> to vector<16x1xi32>
        %gather3A_1514 = vector.shape_cast %broadcast_in_dim3A_1513 : vector<16x1xi32> to vector<16xi32>
        %gather3A_1515 = tpu.dynamic_gather %gather3A_602[%gather3A_1514] in [0] : vector<16xf32>, vector<16xi32> -> vector<16xf32>
        %broadcast_in_dim3A_1516 = arith.constant 10 : i32
        %broadcast_in_dim3A_1517 = vector.broadcast %broadcast_in_dim3A_1516 : i32 to vector<16xi32>
        %lt3A_1518 = arith.constant 0 : i32
        %lt3A_1519 = vector.broadcast %lt3A_1518 : i32 to vector<16xi32>
        %lt3A_1520 = arith.cmpi slt, %broadcast_in_dim3A_1517, %lt3A_1519 : vector<16xi32>
        %add3A_1521 = arith.constant 16 : i32
        %add3A_1522 = vector.broadcast %add3A_1521 : i32 to vector<16xi32>
        %add3A_1523 = arith.addi %broadcast_in_dim3A_1517, %add3A_1522 : vector<16xi32>
        %select_n3A_1524 = arith.select %lt3A_1520, %add3A_1523, %broadcast_in_dim3A_1517 : vector<16xi1>, vector<16xi32>
        %broadcast_in_dim3A_1525 = vector.shape_cast %select_n3A_1524 : vector<16xi32> to vector<16x1xi32>
        %gather3A_1526 = vector.shape_cast %broadcast_in_dim3A_1525 : vector<16x1xi32> to vector<16xi32>
        %gather3A_1527 = tpu.dynamic_gather %gather3A_605[%gather3A_1526] in [0] : vector<16xf32>, vector<16xi32> -> vector<16xf32>
        %broadcast_in_dim3A_1528 = arith.constant 10 : i32
        %broadcast_in_dim3A_1529 = vector.broadcast %broadcast_in_dim3A_1528 : i32 to vector<16xi32>
        %lt3A_1530 = arith.constant 0 : i32
        %lt3A_1531 = vector.broadcast %lt3A_1530 : i32 to vector<16xi32>
        %lt3A_1532 = arith.cmpi slt, %broadcast_in_dim3A_1529, %lt3A_1531 : vector<16xi32>
        %add3A_1533 = arith.constant 16 : i32
        %add3A_1534 = vector.broadcast %add3A_1533 : i32 to vector<16xi32>
        %add3A_1535 = arith.addi %broadcast_in_dim3A_1529, %add3A_1534 : vector<16xi32>
        %select_n3A_1536 = arith.select %lt3A_1532, %add3A_1535, %broadcast_in_dim3A_1529 : vector<16xi1>, vector<16xi32>
        %broadcast_in_dim3A_1537 = vector.shape_cast %select_n3A_1536 : vector<16xi32> to vector<16x1xi32>
        %gather3A_1538 = vector.shape_cast %broadcast_in_dim3A_1537 : vector<16x1xi32> to vector<16xi32>
        %gather3A_1539 = tpu.dynamic_gather %mul3A_607[%gather3A_1538] in [0] : vector<16xf32>, vector<16xi32> -> vector<16xf32>
        %min3A_1540 = arith.minimumf %gather3A_602, %gather3A_1515 : vector<16xf32>
        %max3A_1541 = arith.maximumf %gather3A_596, %gather3A_1491 : vector<16xf32>
        %sub3A_1542 = arith.subf %min3A_1540, %max3A_1541 : vector<16xf32>
        %max3A_1543 = arith.constant 0.000000e+00 : f32
        %max3A_1544 = vector.broadcast %max3A_1543 : f32 to vector<16xf32>
        %max3A_1545 = arith.maximumf %sub3A_1542, %max3A_1544 : vector<16xf32>
        %min3A_1546 = arith.minimumf %gather3A_605, %gather3A_1527 : vector<16xf32>
        %max3A_1547 = arith.maximumf %gather3A_599, %gather3A_1503 : vector<16xf32>
        %sub3A_1548 = arith.subf %min3A_1546, %max3A_1547 : vector<16xf32>
        %max3A_1549 = arith.constant 0.000000e+00 : f32
        %max3A_1550 = vector.broadcast %max3A_1549 : f32 to vector<16xf32>
        %max3A_1551 = arith.maximumf %sub3A_1548, %max3A_1550 : vector<16xf32>
        %mul3A_1552 = arith.mulf %max3A_1545, %max3A_1551 : vector<16xf32>
        %add3A_1553 = arith.addf %gather3A_1539, %mul3A_607 : vector<16xf32>
        %sub3A_1554 = arith.subf %add3A_1553, %mul3A_1552 : vector<16xf32>
        %mul3A_1555 = arith.constant 5.000000e-01 : f32
        %mul3A_1556 = vector.broadcast %mul3A_1555 : f32 to vector<16xf32>
        %mul3A_1557 = arith.mulf %mul3A_1556, %sub3A_1554 : vector<16xf32>
        %gt3A_1558 = arith.cmpf ogt, %mul3A_1552, %mul3A_1557 : vector<16xf32>
        %gt3A_1559 = arith.constant 10 : i32
        %gt3A_1560 = vector.broadcast %gt3A_1559 : i32 to vector<16xi32>
        %gt3A_1561 = arith.cmpi sgt, %iota3A, %gt3A_1560 : vector<16xi32>
        %and3A_1562 = arith.andi %gt3A_1558, %gt3A_1561 : vector<16xi1>
        %broadcast_in_dim3A_1563 = arith.constant 11 : i32
        %broadcast_in_dim3A_1564 = vector.broadcast %broadcast_in_dim3A_1563 : i32 to vector<16xi32>
        %lt3A_1565 = arith.constant 0 : i32
        %lt3A_1566 = vector.broadcast %lt3A_1565 : i32 to vector<16xi32>
        %lt3A_1567 = arith.cmpi slt, %broadcast_in_dim3A_1564, %lt3A_1566 : vector<16xi32>
        %add3A_1568 = arith.constant 16 : i32
        %add3A_1569 = vector.broadcast %add3A_1568 : i32 to vector<16xi32>
        %add3A_1570 = arith.addi %broadcast_in_dim3A_1564, %add3A_1569 : vector<16xi32>
        %select_n3A_1571 = arith.select %lt3A_1567, %add3A_1570, %broadcast_in_dim3A_1564 : vector<16xi1>, vector<16xi32>
        %broadcast_in_dim3A_1572 = vector.shape_cast %select_n3A_1571 : vector<16xi32> to vector<16x1xi32>
        %gather3A_1573 = vector.shape_cast %broadcast_in_dim3A_1572 : vector<16x1xi32> to vector<16xi32>
        %gather3A_1574 = tpu.dynamic_gather %gather3A_596[%gather3A_1573] in [0] : vector<16xf32>, vector<16xi32> -> vector<16xf32>
        %broadcast_in_dim3A_1575 = arith.constant 11 : i32
        %broadcast_in_dim3A_1576 = vector.broadcast %broadcast_in_dim3A_1575 : i32 to vector<16xi32>
        %lt3A_1577 = arith.constant 0 : i32
        %lt3A_1578 = vector.broadcast %lt3A_1577 : i32 to vector<16xi32>
        %lt3A_1579 = arith.cmpi slt, %broadcast_in_dim3A_1576, %lt3A_1578 : vector<16xi32>
        %add3A_1580 = arith.constant 16 : i32
        %add3A_1581 = vector.broadcast %add3A_1580 : i32 to vector<16xi32>
        %add3A_1582 = arith.addi %broadcast_in_dim3A_1576, %add3A_1581 : vector<16xi32>
        %select_n3A_1583 = arith.select %lt3A_1579, %add3A_1582, %broadcast_in_dim3A_1576 : vector<16xi1>, vector<16xi32>
        %broadcast_in_dim3A_1584 = vector.shape_cast %select_n3A_1583 : vector<16xi32> to vector<16x1xi32>
        %gather3A_1585 = vector.shape_cast %broadcast_in_dim3A_1584 : vector<16x1xi32> to vector<16xi32>
        %gather3A_1586 = tpu.dynamic_gather %gather3A_599[%gather3A_1585] in [0] : vector<16xf32>, vector<16xi32> -> vector<16xf32>
        %broadcast_in_dim3A_1587 = arith.constant 11 : i32
        %broadcast_in_dim3A_1588 = vector.broadcast %broadcast_in_dim3A_1587 : i32 to vector<16xi32>
        %lt3A_1589 = arith.constant 0 : i32
        %lt3A_1590 = vector.broadcast %lt3A_1589 : i32 to vector<16xi32>
        %lt3A_1591 = arith.cmpi slt, %broadcast_in_dim3A_1588, %lt3A_1590 : vector<16xi32>
        %add3A_1592 = arith.constant 16 : i32
        %add3A_1593 = vector.broadcast %add3A_1592 : i32 to vector<16xi32>
        %add3A_1594 = arith.addi %broadcast_in_dim3A_1588, %add3A_1593 : vector<16xi32>
        %select_n3A_1595 = arith.select %lt3A_1591, %add3A_1594, %broadcast_in_dim3A_1588 : vector<16xi1>, vector<16xi32>
        %broadcast_in_dim3A_1596 = vector.shape_cast %select_n3A_1595 : vector<16xi32> to vector<16x1xi32>
        %gather3A_1597 = vector.shape_cast %broadcast_in_dim3A_1596 : vector<16x1xi32> to vector<16xi32>
        %gather3A_1598 = tpu.dynamic_gather %gather3A_602[%gather3A_1597] in [0] : vector<16xf32>, vector<16xi32> -> vector<16xf32>
        %broadcast_in_dim3A_1599 = arith.constant 11 : i32
        %broadcast_in_dim3A_1600 = vector.broadcast %broadcast_in_dim3A_1599 : i32 to vector<16xi32>
        %lt3A_1601 = arith.constant 0 : i32
        %lt3A_1602 = vector.broadcast %lt3A_1601 : i32 to vector<16xi32>
        %lt3A_1603 = arith.cmpi slt, %broadcast_in_dim3A_1600, %lt3A_1602 : vector<16xi32>
        %add3A_1604 = arith.constant 16 : i32
        %add3A_1605 = vector.broadcast %add3A_1604 : i32 to vector<16xi32>
        %add3A_1606 = arith.addi %broadcast_in_dim3A_1600, %add3A_1605 : vector<16xi32>
        %select_n3A_1607 = arith.select %lt3A_1603, %add3A_1606, %broadcast_in_dim3A_1600 : vector<16xi1>, vector<16xi32>
        %broadcast_in_dim3A_1608 = vector.shape_cast %select_n3A_1607 : vector<16xi32> to vector<16x1xi32>
        %gather3A_1609 = vector.shape_cast %broadcast_in_dim3A_1608 : vector<16x1xi32> to vector<16xi32>
        %gather3A_1610 = tpu.dynamic_gather %gather3A_605[%gather3A_1609] in [0] : vector<16xf32>, vector<16xi32> -> vector<16xf32>
        %broadcast_in_dim3A_1611 = arith.constant 11 : i32
        %broadcast_in_dim3A_1612 = vector.broadcast %broadcast_in_dim3A_1611 : i32 to vector<16xi32>
        %lt3A_1613 = arith.constant 0 : i32
        %lt3A_1614 = vector.broadcast %lt3A_1613 : i32 to vector<16xi32>
        %lt3A_1615 = arith.cmpi slt, %broadcast_in_dim3A_1612, %lt3A_1614 : vector<16xi32>
        %add3A_1616 = arith.constant 16 : i32
        %add3A_1617 = vector.broadcast %add3A_1616 : i32 to vector<16xi32>
        %add3A_1618 = arith.addi %broadcast_in_dim3A_1612, %add3A_1617 : vector<16xi32>
        %select_n3A_1619 = arith.select %lt3A_1615, %add3A_1618, %broadcast_in_dim3A_1612 : vector<16xi1>, vector<16xi32>
        %broadcast_in_dim3A_1620 = vector.shape_cast %select_n3A_1619 : vector<16xi32> to vector<16x1xi32>
        %gather3A_1621 = vector.shape_cast %broadcast_in_dim3A_1620 : vector<16x1xi32> to vector<16xi32>
        %gather3A_1622 = tpu.dynamic_gather %mul3A_607[%gather3A_1621] in [0] : vector<16xf32>, vector<16xi32> -> vector<16xf32>
        %min3A_1623 = arith.minimumf %gather3A_602, %gather3A_1598 : vector<16xf32>
        %max3A_1624 = arith.maximumf %gather3A_596, %gather3A_1574 : vector<16xf32>
        %sub3A_1625 = arith.subf %min3A_1623, %max3A_1624 : vector<16xf32>
        %max3A_1626 = arith.constant 0.000000e+00 : f32
        %max3A_1627 = vector.broadcast %max3A_1626 : f32 to vector<16xf32>
        %max3A_1628 = arith.maximumf %sub3A_1625, %max3A_1627 : vector<16xf32>
        %min3A_1629 = arith.minimumf %gather3A_605, %gather3A_1610 : vector<16xf32>
        %max3A_1630 = arith.maximumf %gather3A_599, %gather3A_1586 : vector<16xf32>
        %sub3A_1631 = arith.subf %min3A_1629, %max3A_1630 : vector<16xf32>
        %max3A_1632 = arith.constant 0.000000e+00 : f32
        %max3A_1633 = vector.broadcast %max3A_1632 : f32 to vector<16xf32>
        %max3A_1634 = arith.maximumf %sub3A_1631, %max3A_1633 : vector<16xf32>
        %mul3A_1635 = arith.mulf %max3A_1628, %max3A_1634 : vector<16xf32>
        %add3A_1636 = arith.addf %gather3A_1622, %mul3A_607 : vector<16xf32>
        %sub3A_1637 = arith.subf %add3A_1636, %mul3A_1635 : vector<16xf32>
        %mul3A_1638 = arith.constant 5.000000e-01 : f32
        %mul3A_1639 = vector.broadcast %mul3A_1638 : f32 to vector<16xf32>
        %mul3A_1640 = arith.mulf %mul3A_1639, %sub3A_1637 : vector<16xf32>
        %gt3A_1641 = arith.cmpf ogt, %mul3A_1635, %mul3A_1640 : vector<16xf32>
        %gt3A_1642 = arith.constant 11 : i32
        %gt3A_1643 = vector.broadcast %gt3A_1642 : i32 to vector<16xi32>
        %gt3A_1644 = arith.cmpi sgt, %iota3A, %gt3A_1643 : vector<16xi32>
        %and3A_1645 = arith.andi %gt3A_1641, %gt3A_1644 : vector<16xi1>
        %broadcast_in_dim3A_1646 = arith.constant 12 : i32
        %broadcast_in_dim3A_1647 = vector.broadcast %broadcast_in_dim3A_1646 : i32 to vector<16xi32>
        %lt3A_1648 = arith.constant 0 : i32
        %lt3A_1649 = vector.broadcast %lt3A_1648 : i32 to vector<16xi32>
        %lt3A_1650 = arith.cmpi slt, %broadcast_in_dim3A_1647, %lt3A_1649 : vector<16xi32>
        %add3A_1651 = arith.constant 16 : i32
        %add3A_1652 = vector.broadcast %add3A_1651 : i32 to vector<16xi32>
        %add3A_1653 = arith.addi %broadcast_in_dim3A_1647, %add3A_1652 : vector<16xi32>
        %select_n3A_1654 = arith.select %lt3A_1650, %add3A_1653, %broadcast_in_dim3A_1647 : vector<16xi1>, vector<16xi32>
        %broadcast_in_dim3A_1655 = vector.shape_cast %select_n3A_1654 : vector<16xi32> to vector<16x1xi32>
        %gather3A_1656 = vector.shape_cast %broadcast_in_dim3A_1655 : vector<16x1xi32> to vector<16xi32>
        %gather3A_1657 = tpu.dynamic_gather %gather3A_596[%gather3A_1656] in [0] : vector<16xf32>, vector<16xi32> -> vector<16xf32>
        %broadcast_in_dim3A_1658 = arith.constant 12 : i32
        %broadcast_in_dim3A_1659 = vector.broadcast %broadcast_in_dim3A_1658 : i32 to vector<16xi32>
        %lt3A_1660 = arith.constant 0 : i32
        %lt3A_1661 = vector.broadcast %lt3A_1660 : i32 to vector<16xi32>
        %lt3A_1662 = arith.cmpi slt, %broadcast_in_dim3A_1659, %lt3A_1661 : vector<16xi32>
        %add3A_1663 = arith.constant 16 : i32
        %add3A_1664 = vector.broadcast %add3A_1663 : i32 to vector<16xi32>
        %add3A_1665 = arith.addi %broadcast_in_dim3A_1659, %add3A_1664 : vector<16xi32>
        %select_n3A_1666 = arith.select %lt3A_1662, %add3A_1665, %broadcast_in_dim3A_1659 : vector<16xi1>, vector<16xi32>
        %broadcast_in_dim3A_1667 = vector.shape_cast %select_n3A_1666 : vector<16xi32> to vector<16x1xi32>
        %gather3A_1668 = vector.shape_cast %broadcast_in_dim3A_1667 : vector<16x1xi32> to vector<16xi32>
        %gather3A_1669 = tpu.dynamic_gather %gather3A_599[%gather3A_1668] in [0] : vector<16xf32>, vector<16xi32> -> vector<16xf32>
        %broadcast_in_dim3A_1670 = arith.constant 12 : i32
        %broadcast_in_dim3A_1671 = vector.broadcast %broadcast_in_dim3A_1670 : i32 to vector<16xi32>
        %lt3A_1672 = arith.constant 0 : i32
        %lt3A_1673 = vector.broadcast %lt3A_1672 : i32 to vector<16xi32>
        %lt3A_1674 = arith.cmpi slt, %broadcast_in_dim3A_1671, %lt3A_1673 : vector<16xi32>
        %add3A_1675 = arith.constant 16 : i32
        %add3A_1676 = vector.broadcast %add3A_1675 : i32 to vector<16xi32>
        %add3A_1677 = arith.addi %broadcast_in_dim3A_1671, %add3A_1676 : vector<16xi32>
        %select_n3A_1678 = arith.select %lt3A_1674, %add3A_1677, %broadcast_in_dim3A_1671 : vector<16xi1>, vector<16xi32>
        %broadcast_in_dim3A_1679 = vector.shape_cast %select_n3A_1678 : vector<16xi32> to vector<16x1xi32>
        %gather3A_1680 = vector.shape_cast %broadcast_in_dim3A_1679 : vector<16x1xi32> to vector<16xi32>
        %gather3A_1681 = tpu.dynamic_gather %gather3A_602[%gather3A_1680] in [0] : vector<16xf32>, vector<16xi32> -> vector<16xf32>
        %broadcast_in_dim3A_1682 = arith.constant 12 : i32
        %broadcast_in_dim3A_1683 = vector.broadcast %broadcast_in_dim3A_1682 : i32 to vector<16xi32>
        %lt3A_1684 = arith.constant 0 : i32
        %lt3A_1685 = vector.broadcast %lt3A_1684 : i32 to vector<16xi32>
        %lt3A_1686 = arith.cmpi slt, %broadcast_in_dim3A_1683, %lt3A_1685 : vector<16xi32>
        %add3A_1687 = arith.constant 16 : i32
        %add3A_1688 = vector.broadcast %add3A_1687 : i32 to vector<16xi32>
        %add3A_1689 = arith.addi %broadcast_in_dim3A_1683, %add3A_1688 : vector<16xi32>
        %select_n3A_1690 = arith.select %lt3A_1686, %add3A_1689, %broadcast_in_dim3A_1683 : vector<16xi1>, vector<16xi32>
        %broadcast_in_dim3A_1691 = vector.shape_cast %select_n3A_1690 : vector<16xi32> to vector<16x1xi32>
        %gather3A_1692 = vector.shape_cast %broadcast_in_dim3A_1691 : vector<16x1xi32> to vector<16xi32>
        %gather3A_1693 = tpu.dynamic_gather %gather3A_605[%gather3A_1692] in [0] : vector<16xf32>, vector<16xi32> -> vector<16xf32>
        %broadcast_in_dim3A_1694 = arith.constant 12 : i32
        %broadcast_in_dim3A_1695 = vector.broadcast %broadcast_in_dim3A_1694 : i32 to vector<16xi32>
        %lt3A_1696 = arith.constant 0 : i32
        %lt3A_1697 = vector.broadcast %lt3A_1696 : i32 to vector<16xi32>
        %lt3A_1698 = arith.cmpi slt, %broadcast_in_dim3A_1695, %lt3A_1697 : vector<16xi32>
        %add3A_1699 = arith.constant 16 : i32
        %add3A_1700 = vector.broadcast %add3A_1699 : i32 to vector<16xi32>
        %add3A_1701 = arith.addi %broadcast_in_dim3A_1695, %add3A_1700 : vector<16xi32>
        %select_n3A_1702 = arith.select %lt3A_1698, %add3A_1701, %broadcast_in_dim3A_1695 : vector<16xi1>, vector<16xi32>
        %broadcast_in_dim3A_1703 = vector.shape_cast %select_n3A_1702 : vector<16xi32> to vector<16x1xi32>
        %gather3A_1704 = vector.shape_cast %broadcast_in_dim3A_1703 : vector<16x1xi32> to vector<16xi32>
        %gather3A_1705 = tpu.dynamic_gather %mul3A_607[%gather3A_1704] in [0] : vector<16xf32>, vector<16xi32> -> vector<16xf32>
        %min3A_1706 = arith.minimumf %gather3A_602, %gather3A_1681 : vector<16xf32>
        %max3A_1707 = arith.maximumf %gather3A_596, %gather3A_1657 : vector<16xf32>
        %sub3A_1708 = arith.subf %min3A_1706, %max3A_1707 : vector<16xf32>
        %max3A_1709 = arith.constant 0.000000e+00 : f32
        %max3A_1710 = vector.broadcast %max3A_1709 : f32 to vector<16xf32>
        %max3A_1711 = arith.maximumf %sub3A_1708, %max3A_1710 : vector<16xf32>
        %min3A_1712 = arith.minimumf %gather3A_605, %gather3A_1693 : vector<16xf32>
        %max3A_1713 = arith.maximumf %gather3A_599, %gather3A_1669 : vector<16xf32>
        %sub3A_1714 = arith.subf %min3A_1712, %max3A_1713 : vector<16xf32>
        %max3A_1715 = arith.constant 0.000000e+00 : f32
        %max3A_1716 = vector.broadcast %max3A_1715 : f32 to vector<16xf32>
        %max3A_1717 = arith.maximumf %sub3A_1714, %max3A_1716 : vector<16xf32>
        %mul3A_1718 = arith.mulf %max3A_1711, %max3A_1717 : vector<16xf32>
        %add3A_1719 = arith.addf %gather3A_1705, %mul3A_607 : vector<16xf32>
        %sub3A_1720 = arith.subf %add3A_1719, %mul3A_1718 : vector<16xf32>
        %mul3A_1721 = arith.constant 5.000000e-01 : f32
        %mul3A_1722 = vector.broadcast %mul3A_1721 : f32 to vector<16xf32>
        %mul3A_1723 = arith.mulf %mul3A_1722, %sub3A_1720 : vector<16xf32>
        %gt3A_1724 = arith.cmpf ogt, %mul3A_1718, %mul3A_1723 : vector<16xf32>
        %gt3A_1725 = arith.constant 12 : i32
        %gt3A_1726 = vector.broadcast %gt3A_1725 : i32 to vector<16xi32>
        %gt3A_1727 = arith.cmpi sgt, %iota3A, %gt3A_1726 : vector<16xi32>
        %and3A_1728 = arith.andi %gt3A_1724, %gt3A_1727 : vector<16xi1>
        %broadcast_in_dim3A_1729 = arith.constant 13 : i32
        %broadcast_in_dim3A_1730 = vector.broadcast %broadcast_in_dim3A_1729 : i32 to vector<16xi32>
        %lt3A_1731 = arith.constant 0 : i32
        %lt3A_1732 = vector.broadcast %lt3A_1731 : i32 to vector<16xi32>
        %lt3A_1733 = arith.cmpi slt, %broadcast_in_dim3A_1730, %lt3A_1732 : vector<16xi32>
        %add3A_1734 = arith.constant 16 : i32
        %add3A_1735 = vector.broadcast %add3A_1734 : i32 to vector<16xi32>
        %add3A_1736 = arith.addi %broadcast_in_dim3A_1730, %add3A_1735 : vector<16xi32>
        %select_n3A_1737 = arith.select %lt3A_1733, %add3A_1736, %broadcast_in_dim3A_1730 : vector<16xi1>, vector<16xi32>
        %broadcast_in_dim3A_1738 = vector.shape_cast %select_n3A_1737 : vector<16xi32> to vector<16x1xi32>
        %gather3A_1739 = vector.shape_cast %broadcast_in_dim3A_1738 : vector<16x1xi32> to vector<16xi32>
        %gather3A_1740 = tpu.dynamic_gather %gather3A_596[%gather3A_1739] in [0] : vector<16xf32>, vector<16xi32> -> vector<16xf32>
        %broadcast_in_dim3A_1741 = arith.constant 13 : i32
        %broadcast_in_dim3A_1742 = vector.broadcast %broadcast_in_dim3A_1741 : i32 to vector<16xi32>
        %lt3A_1743 = arith.constant 0 : i32
        %lt3A_1744 = vector.broadcast %lt3A_1743 : i32 to vector<16xi32>
        %lt3A_1745 = arith.cmpi slt, %broadcast_in_dim3A_1742, %lt3A_1744 : vector<16xi32>
        %add3A_1746 = arith.constant 16 : i32
        %add3A_1747 = vector.broadcast %add3A_1746 : i32 to vector<16xi32>
        %add3A_1748 = arith.addi %broadcast_in_dim3A_1742, %add3A_1747 : vector<16xi32>
        %select_n3A_1749 = arith.select %lt3A_1745, %add3A_1748, %broadcast_in_dim3A_1742 : vector<16xi1>, vector<16xi32>
        %broadcast_in_dim3A_1750 = vector.shape_cast %select_n3A_1749 : vector<16xi32> to vector<16x1xi32>
        %gather3A_1751 = vector.shape_cast %broadcast_in_dim3A_1750 : vector<16x1xi32> to vector<16xi32>
        %gather3A_1752 = tpu.dynamic_gather %gather3A_599[%gather3A_1751] in [0] : vector<16xf32>, vector<16xi32> -> vector<16xf32>
        %broadcast_in_dim3A_1753 = arith.constant 13 : i32
        %broadcast_in_dim3A_1754 = vector.broadcast %broadcast_in_dim3A_1753 : i32 to vector<16xi32>
        %lt3A_1755 = arith.constant 0 : i32
        %lt3A_1756 = vector.broadcast %lt3A_1755 : i32 to vector<16xi32>
        %lt3A_1757 = arith.cmpi slt, %broadcast_in_dim3A_1754, %lt3A_1756 : vector<16xi32>
        %add3A_1758 = arith.constant 16 : i32
        %add3A_1759 = vector.broadcast %add3A_1758 : i32 to vector<16xi32>
        %add3A_1760 = arith.addi %broadcast_in_dim3A_1754, %add3A_1759 : vector<16xi32>
        %select_n3A_1761 = arith.select %lt3A_1757, %add3A_1760, %broadcast_in_dim3A_1754 : vector<16xi1>, vector<16xi32>
        %broadcast_in_dim3A_1762 = vector.shape_cast %select_n3A_1761 : vector<16xi32> to vector<16x1xi32>
        %gather3A_1763 = vector.shape_cast %broadcast_in_dim3A_1762 : vector<16x1xi32> to vector<16xi32>
        %gather3A_1764 = tpu.dynamic_gather %gather3A_602[%gather3A_1763] in [0] : vector<16xf32>, vector<16xi32> -> vector<16xf32>
        %broadcast_in_dim3A_1765 = arith.constant 13 : i32
        %broadcast_in_dim3A_1766 = vector.broadcast %broadcast_in_dim3A_1765 : i32 to vector<16xi32>
        %lt3A_1767 = arith.constant 0 : i32
        %lt3A_1768 = vector.broadcast %lt3A_1767 : i32 to vector<16xi32>
        %lt3A_1769 = arith.cmpi slt, %broadcast_in_dim3A_1766, %lt3A_1768 : vector<16xi32>
        %add3A_1770 = arith.constant 16 : i32
        %add3A_1771 = vector.broadcast %add3A_1770 : i32 to vector<16xi32>
        %add3A_1772 = arith.addi %broadcast_in_dim3A_1766, %add3A_1771 : vector<16xi32>
        %select_n3A_1773 = arith.select %lt3A_1769, %add3A_1772, %broadcast_in_dim3A_1766 : vector<16xi1>, vector<16xi32>
        %broadcast_in_dim3A_1774 = vector.shape_cast %select_n3A_1773 : vector<16xi32> to vector<16x1xi32>
        %gather3A_1775 = vector.shape_cast %broadcast_in_dim3A_1774 : vector<16x1xi32> to vector<16xi32>
        %gather3A_1776 = tpu.dynamic_gather %gather3A_605[%gather3A_1775] in [0] : vector<16xf32>, vector<16xi32> -> vector<16xf32>
        %broadcast_in_dim3A_1777 = arith.constant 13 : i32
        %broadcast_in_dim3A_1778 = vector.broadcast %broadcast_in_dim3A_1777 : i32 to vector<16xi32>
        %lt3A_1779 = arith.constant 0 : i32
        %lt3A_1780 = vector.broadcast %lt3A_1779 : i32 to vector<16xi32>
        %lt3A_1781 = arith.cmpi slt, %broadcast_in_dim3A_1778, %lt3A_1780 : vector<16xi32>
        %add3A_1782 = arith.constant 16 : i32
        %add3A_1783 = vector.broadcast %add3A_1782 : i32 to vector<16xi32>
        %add3A_1784 = arith.addi %broadcast_in_dim3A_1778, %add3A_1783 : vector<16xi32>
        %select_n3A_1785 = arith.select %lt3A_1781, %add3A_1784, %broadcast_in_dim3A_1778 : vector<16xi1>, vector<16xi32>
        %broadcast_in_dim3A_1786 = vector.shape_cast %select_n3A_1785 : vector<16xi32> to vector<16x1xi32>
        %gather3A_1787 = vector.shape_cast %broadcast_in_dim3A_1786 : vector<16x1xi32> to vector<16xi32>
        %gather3A_1788 = tpu.dynamic_gather %mul3A_607[%gather3A_1787] in [0] : vector<16xf32>, vector<16xi32> -> vector<16xf32>
        %min3A_1789 = arith.minimumf %gather3A_602, %gather3A_1764 : vector<16xf32>
        %max3A_1790 = arith.maximumf %gather3A_596, %gather3A_1740 : vector<16xf32>
        %sub3A_1791 = arith.subf %min3A_1789, %max3A_1790 : vector<16xf32>
        %max3A_1792 = arith.constant 0.000000e+00 : f32
        %max3A_1793 = vector.broadcast %max3A_1792 : f32 to vector<16xf32>
        %max3A_1794 = arith.maximumf %sub3A_1791, %max3A_1793 : vector<16xf32>
        %min3A_1795 = arith.minimumf %gather3A_605, %gather3A_1776 : vector<16xf32>
        %max3A_1796 = arith.maximumf %gather3A_599, %gather3A_1752 : vector<16xf32>
        %sub3A_1797 = arith.subf %min3A_1795, %max3A_1796 : vector<16xf32>
        %max3A_1798 = arith.constant 0.000000e+00 : f32
        %max3A_1799 = vector.broadcast %max3A_1798 : f32 to vector<16xf32>
        %max3A_1800 = arith.maximumf %sub3A_1797, %max3A_1799 : vector<16xf32>
        %mul3A_1801 = arith.mulf %max3A_1794, %max3A_1800 : vector<16xf32>
        %add3A_1802 = arith.addf %gather3A_1788, %mul3A_607 : vector<16xf32>
        %sub3A_1803 = arith.subf %add3A_1802, %mul3A_1801 : vector<16xf32>
        %mul3A_1804 = arith.constant 5.000000e-01 : f32
        %mul3A_1805 = vector.broadcast %mul3A_1804 : f32 to vector<16xf32>
        %mul3A_1806 = arith.mulf %mul3A_1805, %sub3A_1803 : vector<16xf32>
        %gt3A_1807 = arith.cmpf ogt, %mul3A_1801, %mul3A_1806 : vector<16xf32>
        %gt3A_1808 = arith.constant 13 : i32
        %gt3A_1809 = vector.broadcast %gt3A_1808 : i32 to vector<16xi32>
        %gt3A_1810 = arith.cmpi sgt, %iota3A, %gt3A_1809 : vector<16xi32>
        %and3A_1811 = arith.andi %gt3A_1807, %gt3A_1810 : vector<16xi1>
        %broadcast_in_dim3A_1812 = arith.constant 14 : i32
        %broadcast_in_dim3A_1813 = vector.broadcast %broadcast_in_dim3A_1812 : i32 to vector<16xi32>
        %lt3A_1814 = arith.constant 0 : i32
        %lt3A_1815 = vector.broadcast %lt3A_1814 : i32 to vector<16xi32>
        %lt3A_1816 = arith.cmpi slt, %broadcast_in_dim3A_1813, %lt3A_1815 : vector<16xi32>
        %add3A_1817 = arith.constant 16 : i32
        %add3A_1818 = vector.broadcast %add3A_1817 : i32 to vector<16xi32>
        %add3A_1819 = arith.addi %broadcast_in_dim3A_1813, %add3A_1818 : vector<16xi32>
        %select_n3A_1820 = arith.select %lt3A_1816, %add3A_1819, %broadcast_in_dim3A_1813 : vector<16xi1>, vector<16xi32>
        %broadcast_in_dim3A_1821 = vector.shape_cast %select_n3A_1820 : vector<16xi32> to vector<16x1xi32>
        %gather3A_1822 = vector.shape_cast %broadcast_in_dim3A_1821 : vector<16x1xi32> to vector<16xi32>
        %gather3A_1823 = tpu.dynamic_gather %gather3A_596[%gather3A_1822] in [0] : vector<16xf32>, vector<16xi32> -> vector<16xf32>
        %broadcast_in_dim3A_1824 = arith.constant 14 : i32
        %broadcast_in_dim3A_1825 = vector.broadcast %broadcast_in_dim3A_1824 : i32 to vector<16xi32>
        %lt3A_1826 = arith.constant 0 : i32
        %lt3A_1827 = vector.broadcast %lt3A_1826 : i32 to vector<16xi32>
        %lt3A_1828 = arith.cmpi slt, %broadcast_in_dim3A_1825, %lt3A_1827 : vector<16xi32>
        %add3A_1829 = arith.constant 16 : i32
        %add3A_1830 = vector.broadcast %add3A_1829 : i32 to vector<16xi32>
        %add3A_1831 = arith.addi %broadcast_in_dim3A_1825, %add3A_1830 : vector<16xi32>
        %select_n3A_1832 = arith.select %lt3A_1828, %add3A_1831, %broadcast_in_dim3A_1825 : vector<16xi1>, vector<16xi32>
        %broadcast_in_dim3A_1833 = vector.shape_cast %select_n3A_1832 : vector<16xi32> to vector<16x1xi32>
        %gather3A_1834 = vector.shape_cast %broadcast_in_dim3A_1833 : vector<16x1xi32> to vector<16xi32>
        %gather3A_1835 = tpu.dynamic_gather %gather3A_599[%gather3A_1834] in [0] : vector<16xf32>, vector<16xi32> -> vector<16xf32>
        %broadcast_in_dim3A_1836 = arith.constant 14 : i32
        %broadcast_in_dim3A_1837 = vector.broadcast %broadcast_in_dim3A_1836 : i32 to vector<16xi32>
        %lt3A_1838 = arith.constant 0 : i32
        %lt3A_1839 = vector.broadcast %lt3A_1838 : i32 to vector<16xi32>
        %lt3A_1840 = arith.cmpi slt, %broadcast_in_dim3A_1837, %lt3A_1839 : vector<16xi32>
        %add3A_1841 = arith.constant 16 : i32
        %add3A_1842 = vector.broadcast %add3A_1841 : i32 to vector<16xi32>
        %add3A_1843 = arith.addi %broadcast_in_dim3A_1837, %add3A_1842 : vector<16xi32>
        %select_n3A_1844 = arith.select %lt3A_1840, %add3A_1843, %broadcast_in_dim3A_1837 : vector<16xi1>, vector<16xi32>
        %broadcast_in_dim3A_1845 = vector.shape_cast %select_n3A_1844 : vector<16xi32> to vector<16x1xi32>
        %gather3A_1846 = vector.shape_cast %broadcast_in_dim3A_1845 : vector<16x1xi32> to vector<16xi32>
        %gather3A_1847 = tpu.dynamic_gather %gather3A_602[%gather3A_1846] in [0] : vector<16xf32>, vector<16xi32> -> vector<16xf32>
        %broadcast_in_dim3A_1848 = arith.constant 14 : i32
        %broadcast_in_dim3A_1849 = vector.broadcast %broadcast_in_dim3A_1848 : i32 to vector<16xi32>
        %lt3A_1850 = arith.constant 0 : i32
        %lt3A_1851 = vector.broadcast %lt3A_1850 : i32 to vector<16xi32>
        %lt3A_1852 = arith.cmpi slt, %broadcast_in_dim3A_1849, %lt3A_1851 : vector<16xi32>
        %add3A_1853 = arith.constant 16 : i32
        %add3A_1854 = vector.broadcast %add3A_1853 : i32 to vector<16xi32>
        %add3A_1855 = arith.addi %broadcast_in_dim3A_1849, %add3A_1854 : vector<16xi32>
        %select_n3A_1856 = arith.select %lt3A_1852, %add3A_1855, %broadcast_in_dim3A_1849 : vector<16xi1>, vector<16xi32>
        %broadcast_in_dim3A_1857 = vector.shape_cast %select_n3A_1856 : vector<16xi32> to vector<16x1xi32>
        %gather3A_1858 = vector.shape_cast %broadcast_in_dim3A_1857 : vector<16x1xi32> to vector<16xi32>
        %gather3A_1859 = tpu.dynamic_gather %gather3A_605[%gather3A_1858] in [0] : vector<16xf32>, vector<16xi32> -> vector<16xf32>
        %broadcast_in_dim3A_1860 = arith.constant 14 : i32
        %broadcast_in_dim3A_1861 = vector.broadcast %broadcast_in_dim3A_1860 : i32 to vector<16xi32>
        %lt3A_1862 = arith.constant 0 : i32
        %lt3A_1863 = vector.broadcast %lt3A_1862 : i32 to vector<16xi32>
        %lt3A_1864 = arith.cmpi slt, %broadcast_in_dim3A_1861, %lt3A_1863 : vector<16xi32>
        %add3A_1865 = arith.constant 16 : i32
        %add3A_1866 = vector.broadcast %add3A_1865 : i32 to vector<16xi32>
        %add3A_1867 = arith.addi %broadcast_in_dim3A_1861, %add3A_1866 : vector<16xi32>
        %select_n3A_1868 = arith.select %lt3A_1864, %add3A_1867, %broadcast_in_dim3A_1861 : vector<16xi1>, vector<16xi32>
        %broadcast_in_dim3A_1869 = vector.shape_cast %select_n3A_1868 : vector<16xi32> to vector<16x1xi32>
        %gather3A_1870 = vector.shape_cast %broadcast_in_dim3A_1869 : vector<16x1xi32> to vector<16xi32>
        %gather3A_1871 = tpu.dynamic_gather %mul3A_607[%gather3A_1870] in [0] : vector<16xf32>, vector<16xi32> -> vector<16xf32>
        %min3A_1872 = arith.minimumf %gather3A_602, %gather3A_1847 : vector<16xf32>
        %max3A_1873 = arith.maximumf %gather3A_596, %gather3A_1823 : vector<16xf32>
        %sub3A_1874 = arith.subf %min3A_1872, %max3A_1873 : vector<16xf32>
        %max3A_1875 = arith.constant 0.000000e+00 : f32
        %max3A_1876 = vector.broadcast %max3A_1875 : f32 to vector<16xf32>
        %max3A_1877 = arith.maximumf %sub3A_1874, %max3A_1876 : vector<16xf32>
        %min3A_1878 = arith.minimumf %gather3A_605, %gather3A_1859 : vector<16xf32>
        %max3A_1879 = arith.maximumf %gather3A_599, %gather3A_1835 : vector<16xf32>
        %sub3A_1880 = arith.subf %min3A_1878, %max3A_1879 : vector<16xf32>
        %max3A_1881 = arith.constant 0.000000e+00 : f32
        %max3A_1882 = vector.broadcast %max3A_1881 : f32 to vector<16xf32>
        %max3A_1883 = arith.maximumf %sub3A_1880, %max3A_1882 : vector<16xf32>
        %mul3A_1884 = arith.mulf %max3A_1877, %max3A_1883 : vector<16xf32>
        %add3A_1885 = arith.addf %gather3A_1871, %mul3A_607 : vector<16xf32>
        %sub3A_1886 = arith.subf %add3A_1885, %mul3A_1884 : vector<16xf32>
        %mul3A_1887 = arith.constant 5.000000e-01 : f32
        %mul3A_1888 = vector.broadcast %mul3A_1887 : f32 to vector<16xf32>
        %mul3A_1889 = arith.mulf %mul3A_1888, %sub3A_1886 : vector<16xf32>
        %gt3A_1890 = arith.cmpf ogt, %mul3A_1884, %mul3A_1889 : vector<16xf32>
        %gt3A_1891 = arith.constant 14 : i32
        %gt3A_1892 = vector.broadcast %gt3A_1891 : i32 to vector<16xi32>
        %gt3A_1893 = arith.cmpi sgt, %iota3A, %gt3A_1892 : vector<16xi32>
        %and3A_1894 = arith.andi %gt3A_1890, %gt3A_1893 : vector<16xi1>
        %broadcast_in_dim3A_1895 = arith.constant 0 : i32
        %broadcast_in_dim3A_1896 = vector.broadcast %broadcast_in_dim3A_1895 : i32 to vector<16xi32>
        %lt3A_1897 = arith.constant 0 : i32
        %lt3A_1898 = vector.broadcast %lt3A_1897 : i32 to vector<16xi32>
        %lt3A_1899 = arith.cmpi slt, %broadcast_in_dim3A_1896, %lt3A_1898 : vector<16xi32>
        %add3A_1900 = arith.constant 16 : i32
        %add3A_1901 = vector.broadcast %add3A_1900 : i32 to vector<16xi32>
        %add3A_1902 = arith.addi %broadcast_in_dim3A_1896, %add3A_1901 : vector<16xi32>
        %select_n3A_1903 = arith.select %lt3A_1899, %add3A_1902, %broadcast_in_dim3A_1896 : vector<16xi1>, vector<16xi32>
        %broadcast_in_dim3A_1904 = vector.shape_cast %select_n3A_1903 : vector<16xi32> to vector<16x1xi32>
        %gather3A_1905 = vector.shape_cast %broadcast_in_dim3A_1904 : vector<16x1xi32> to vector<16xi32>
        %gather3A_1906 = tpu.dynamic_gather %select_n3A_651[%gather3A_1905] in [0] : vector<16xi32>, vector<16xi32> -> vector<16xi32>
        %ne3A_1907 = arith.constant 0 : i32
        %ne3A_1908 = vector.broadcast %ne3A_1907 : i32 to vector<16xi32>
        %ne3A_1909 = arith.cmpi ne, %gather3A_1906, %ne3A_1908 : vector<16xi32>
        %and3A_1910 = arith.andi %and3A_732, %ne3A_1909 : vector<16xi1>
        %jit3A_1911 = arith.constant 0 : i32
        %broadcast_in_dim3A_1912 = vector.broadcast %jit3A_1911 : i32 to vector<16xi32>
        %select_n3A_1913 = arith.select %and3A_1910, %broadcast_in_dim3A_1912, %select_n3A_651 : vector<16xi1>, vector<16xi32>
        %broadcast_in_dim3A_1914 = arith.constant 1 : i32
        %broadcast_in_dim3A_1915 = vector.broadcast %broadcast_in_dim3A_1914 : i32 to vector<16xi32>
        %lt3A_1916 = arith.constant 0 : i32
        %lt3A_1917 = vector.broadcast %lt3A_1916 : i32 to vector<16xi32>
        %lt3A_1918 = arith.cmpi slt, %broadcast_in_dim3A_1915, %lt3A_1917 : vector<16xi32>
        %add3A_1919 = arith.constant 16 : i32
        %add3A_1920 = vector.broadcast %add3A_1919 : i32 to vector<16xi32>
        %add3A_1921 = arith.addi %broadcast_in_dim3A_1915, %add3A_1920 : vector<16xi32>
        %select_n3A_1922 = arith.select %lt3A_1918, %add3A_1921, %broadcast_in_dim3A_1915 : vector<16xi1>, vector<16xi32>
        %broadcast_in_dim3A_1923 = vector.shape_cast %select_n3A_1922 : vector<16xi32> to vector<16x1xi32>
        %gather3A_1924 = vector.shape_cast %broadcast_in_dim3A_1923 : vector<16x1xi32> to vector<16xi32>
        %gather3A_1925 = tpu.dynamic_gather %select_n3A_1913[%gather3A_1924] in [0] : vector<16xi32>, vector<16xi32> -> vector<16xi32>
        %ne3A_1926 = arith.constant 0 : i32
        %ne3A_1927 = vector.broadcast %ne3A_1926 : i32 to vector<16xi32>
        %ne3A_1928 = arith.cmpi ne, %gather3A_1925, %ne3A_1927 : vector<16xi32>
        %and3A_1929 = arith.andi %and3A_815, %ne3A_1928 : vector<16xi1>
        %jit3A_1930 = arith.constant 0 : i32
        %broadcast_in_dim3A_1931 = vector.broadcast %jit3A_1930 : i32 to vector<16xi32>
        %select_n3A_1932 = arith.select %and3A_1929, %broadcast_in_dim3A_1931, %select_n3A_1913 : vector<16xi1>, vector<16xi32>
        %broadcast_in_dim3A_1933 = arith.constant 2 : i32
        %broadcast_in_dim3A_1934 = vector.broadcast %broadcast_in_dim3A_1933 : i32 to vector<16xi32>
        %lt3A_1935 = arith.constant 0 : i32
        %lt3A_1936 = vector.broadcast %lt3A_1935 : i32 to vector<16xi32>
        %lt3A_1937 = arith.cmpi slt, %broadcast_in_dim3A_1934, %lt3A_1936 : vector<16xi32>
        %add3A_1938 = arith.constant 16 : i32
        %add3A_1939 = vector.broadcast %add3A_1938 : i32 to vector<16xi32>
        %add3A_1940 = arith.addi %broadcast_in_dim3A_1934, %add3A_1939 : vector<16xi32>
        %select_n3A_1941 = arith.select %lt3A_1937, %add3A_1940, %broadcast_in_dim3A_1934 : vector<16xi1>, vector<16xi32>
        %broadcast_in_dim3A_1942 = vector.shape_cast %select_n3A_1941 : vector<16xi32> to vector<16x1xi32>
        %gather3A_1943 = vector.shape_cast %broadcast_in_dim3A_1942 : vector<16x1xi32> to vector<16xi32>
        %gather3A_1944 = tpu.dynamic_gather %select_n3A_1932[%gather3A_1943] in [0] : vector<16xi32>, vector<16xi32> -> vector<16xi32>
        %ne3A_1945 = arith.constant 0 : i32
        %ne3A_1946 = vector.broadcast %ne3A_1945 : i32 to vector<16xi32>
        %ne3A_1947 = arith.cmpi ne, %gather3A_1944, %ne3A_1946 : vector<16xi32>
        %and3A_1948 = arith.andi %and3A_898, %ne3A_1947 : vector<16xi1>
        %jit3A_1949 = arith.constant 0 : i32
        %broadcast_in_dim3A_1950 = vector.broadcast %jit3A_1949 : i32 to vector<16xi32>
        %select_n3A_1951 = arith.select %and3A_1948, %broadcast_in_dim3A_1950, %select_n3A_1932 : vector<16xi1>, vector<16xi32>
        %broadcast_in_dim3A_1952 = arith.constant 3 : i32
        %broadcast_in_dim3A_1953 = vector.broadcast %broadcast_in_dim3A_1952 : i32 to vector<16xi32>
        %lt3A_1954 = arith.constant 0 : i32
        %lt3A_1955 = vector.broadcast %lt3A_1954 : i32 to vector<16xi32>
        %lt3A_1956 = arith.cmpi slt, %broadcast_in_dim3A_1953, %lt3A_1955 : vector<16xi32>
        %add3A_1957 = arith.constant 16 : i32
        %add3A_1958 = vector.broadcast %add3A_1957 : i32 to vector<16xi32>
        %add3A_1959 = arith.addi %broadcast_in_dim3A_1953, %add3A_1958 : vector<16xi32>
        %select_n3A_1960 = arith.select %lt3A_1956, %add3A_1959, %broadcast_in_dim3A_1953 : vector<16xi1>, vector<16xi32>
        %broadcast_in_dim3A_1961 = vector.shape_cast %select_n3A_1960 : vector<16xi32> to vector<16x1xi32>
        %gather3A_1962 = vector.shape_cast %broadcast_in_dim3A_1961 : vector<16x1xi32> to vector<16xi32>
        %gather3A_1963 = tpu.dynamic_gather %select_n3A_1951[%gather3A_1962] in [0] : vector<16xi32>, vector<16xi32> -> vector<16xi32>
        %ne3A_1964 = arith.constant 0 : i32
        %ne3A_1965 = vector.broadcast %ne3A_1964 : i32 to vector<16xi32>
        %ne3A_1966 = arith.cmpi ne, %gather3A_1963, %ne3A_1965 : vector<16xi32>
        %and3A_1967 = arith.andi %and3A_981, %ne3A_1966 : vector<16xi1>
        %jit3A_1968 = arith.constant 0 : i32
        %broadcast_in_dim3A_1969 = vector.broadcast %jit3A_1968 : i32 to vector<16xi32>
        %select_n3A_1970 = arith.select %and3A_1967, %broadcast_in_dim3A_1969, %select_n3A_1951 : vector<16xi1>, vector<16xi32>
        %broadcast_in_dim3A_1971 = arith.constant 4 : i32
        %broadcast_in_dim3A_1972 = vector.broadcast %broadcast_in_dim3A_1971 : i32 to vector<16xi32>
        %lt3A_1973 = arith.constant 0 : i32
        %lt3A_1974 = vector.broadcast %lt3A_1973 : i32 to vector<16xi32>
        %lt3A_1975 = arith.cmpi slt, %broadcast_in_dim3A_1972, %lt3A_1974 : vector<16xi32>
        %add3A_1976 = arith.constant 16 : i32
        %add3A_1977 = vector.broadcast %add3A_1976 : i32 to vector<16xi32>
        %add3A_1978 = arith.addi %broadcast_in_dim3A_1972, %add3A_1977 : vector<16xi32>
        %select_n3A_1979 = arith.select %lt3A_1975, %add3A_1978, %broadcast_in_dim3A_1972 : vector<16xi1>, vector<16xi32>
        %broadcast_in_dim3A_1980 = vector.shape_cast %select_n3A_1979 : vector<16xi32> to vector<16x1xi32>
        %gather3A_1981 = vector.shape_cast %broadcast_in_dim3A_1980 : vector<16x1xi32> to vector<16xi32>
        %gather3A_1982 = tpu.dynamic_gather %select_n3A_1970[%gather3A_1981] in [0] : vector<16xi32>, vector<16xi32> -> vector<16xi32>
        %ne3A_1983 = arith.constant 0 : i32
        %ne3A_1984 = vector.broadcast %ne3A_1983 : i32 to vector<16xi32>
        %ne3A_1985 = arith.cmpi ne, %gather3A_1982, %ne3A_1984 : vector<16xi32>
        %and3A_1986 = arith.andi %and3A_1064, %ne3A_1985 : vector<16xi1>
        %jit3A_1987 = arith.constant 0 : i32
        %broadcast_in_dim3A_1988 = vector.broadcast %jit3A_1987 : i32 to vector<16xi32>
        %select_n3A_1989 = arith.select %and3A_1986, %broadcast_in_dim3A_1988, %select_n3A_1970 : vector<16xi1>, vector<16xi32>
        %broadcast_in_dim3A_1990 = arith.constant 5 : i32
        %broadcast_in_dim3A_1991 = vector.broadcast %broadcast_in_dim3A_1990 : i32 to vector<16xi32>
        %lt3A_1992 = arith.constant 0 : i32
        %lt3A_1993 = vector.broadcast %lt3A_1992 : i32 to vector<16xi32>
        %lt3A_1994 = arith.cmpi slt, %broadcast_in_dim3A_1991, %lt3A_1993 : vector<16xi32>
        %add3A_1995 = arith.constant 16 : i32
        %add3A_1996 = vector.broadcast %add3A_1995 : i32 to vector<16xi32>
        %add3A_1997 = arith.addi %broadcast_in_dim3A_1991, %add3A_1996 : vector<16xi32>
        %select_n3A_1998 = arith.select %lt3A_1994, %add3A_1997, %broadcast_in_dim3A_1991 : vector<16xi1>, vector<16xi32>
        %broadcast_in_dim3A_1999 = vector.shape_cast %select_n3A_1998 : vector<16xi32> to vector<16x1xi32>
        %gather3A_2000 = vector.shape_cast %broadcast_in_dim3A_1999 : vector<16x1xi32> to vector<16xi32>
        %gather3A_2001 = tpu.dynamic_gather %select_n3A_1989[%gather3A_2000] in [0] : vector<16xi32>, vector<16xi32> -> vector<16xi32>
        %ne3A_2002 = arith.constant 0 : i32
        %ne3A_2003 = vector.broadcast %ne3A_2002 : i32 to vector<16xi32>
        %ne3A_2004 = arith.cmpi ne, %gather3A_2001, %ne3A_2003 : vector<16xi32>
        %and3A_2005 = arith.andi %and3A_1147, %ne3A_2004 : vector<16xi1>
        %jit3A_2006 = arith.constant 0 : i32
        %broadcast_in_dim3A_2007 = vector.broadcast %jit3A_2006 : i32 to vector<16xi32>
        %select_n3A_2008 = arith.select %and3A_2005, %broadcast_in_dim3A_2007, %select_n3A_1989 : vector<16xi1>, vector<16xi32>
        %broadcast_in_dim3A_2009 = arith.constant 6 : i32
        %broadcast_in_dim3A_2010 = vector.broadcast %broadcast_in_dim3A_2009 : i32 to vector<16xi32>
        %lt3A_2011 = arith.constant 0 : i32
        %lt3A_2012 = vector.broadcast %lt3A_2011 : i32 to vector<16xi32>
        %lt3A_2013 = arith.cmpi slt, %broadcast_in_dim3A_2010, %lt3A_2012 : vector<16xi32>
        %add3A_2014 = arith.constant 16 : i32
        %add3A_2015 = vector.broadcast %add3A_2014 : i32 to vector<16xi32>
        %add3A_2016 = arith.addi %broadcast_in_dim3A_2010, %add3A_2015 : vector<16xi32>
        %select_n3A_2017 = arith.select %lt3A_2013, %add3A_2016, %broadcast_in_dim3A_2010 : vector<16xi1>, vector<16xi32>
        %broadcast_in_dim3A_2018 = vector.shape_cast %select_n3A_2017 : vector<16xi32> to vector<16x1xi32>
        %gather3A_2019 = vector.shape_cast %broadcast_in_dim3A_2018 : vector<16x1xi32> to vector<16xi32>
        %gather3A_2020 = tpu.dynamic_gather %select_n3A_2008[%gather3A_2019] in [0] : vector<16xi32>, vector<16xi32> -> vector<16xi32>
        %ne3A_2021 = arith.constant 0 : i32
        %ne3A_2022 = vector.broadcast %ne3A_2021 : i32 to vector<16xi32>
        %ne3A_2023 = arith.cmpi ne, %gather3A_2020, %ne3A_2022 : vector<16xi32>
        %and3A_2024 = arith.andi %and3A_1230, %ne3A_2023 : vector<16xi1>
        %jit3A_2025 = arith.constant 0 : i32
        %broadcast_in_dim3A_2026 = vector.broadcast %jit3A_2025 : i32 to vector<16xi32>
        %select_n3A_2027 = arith.select %and3A_2024, %broadcast_in_dim3A_2026, %select_n3A_2008 : vector<16xi1>, vector<16xi32>
        %broadcast_in_dim3A_2028 = arith.constant 7 : i32
        %broadcast_in_dim3A_2029 = vector.broadcast %broadcast_in_dim3A_2028 : i32 to vector<16xi32>
        %lt3A_2030 = arith.constant 0 : i32
        %lt3A_2031 = vector.broadcast %lt3A_2030 : i32 to vector<16xi32>
        %lt3A_2032 = arith.cmpi slt, %broadcast_in_dim3A_2029, %lt3A_2031 : vector<16xi32>
        %add3A_2033 = arith.constant 16 : i32
        %add3A_2034 = vector.broadcast %add3A_2033 : i32 to vector<16xi32>
        %add3A_2035 = arith.addi %broadcast_in_dim3A_2029, %add3A_2034 : vector<16xi32>
        %select_n3A_2036 = arith.select %lt3A_2032, %add3A_2035, %broadcast_in_dim3A_2029 : vector<16xi1>, vector<16xi32>
        %broadcast_in_dim3A_2037 = vector.shape_cast %select_n3A_2036 : vector<16xi32> to vector<16x1xi32>
        %gather3A_2038 = vector.shape_cast %broadcast_in_dim3A_2037 : vector<16x1xi32> to vector<16xi32>
        %gather3A_2039 = tpu.dynamic_gather %select_n3A_2027[%gather3A_2038] in [0] : vector<16xi32>, vector<16xi32> -> vector<16xi32>
        %ne3A_2040 = arith.constant 0 : i32
        %ne3A_2041 = vector.broadcast %ne3A_2040 : i32 to vector<16xi32>
        %ne3A_2042 = arith.cmpi ne, %gather3A_2039, %ne3A_2041 : vector<16xi32>
        %and3A_2043 = arith.andi %and3A_1313, %ne3A_2042 : vector<16xi1>
        %jit3A_2044 = arith.constant 0 : i32
        %broadcast_in_dim3A_2045 = vector.broadcast %jit3A_2044 : i32 to vector<16xi32>
        %select_n3A_2046 = arith.select %and3A_2043, %broadcast_in_dim3A_2045, %select_n3A_2027 : vector<16xi1>, vector<16xi32>
        %broadcast_in_dim3A_2047 = arith.constant 8 : i32
        %broadcast_in_dim3A_2048 = vector.broadcast %broadcast_in_dim3A_2047 : i32 to vector<16xi32>
        %lt3A_2049 = arith.constant 0 : i32
        %lt3A_2050 = vector.broadcast %lt3A_2049 : i32 to vector<16xi32>
        %lt3A_2051 = arith.cmpi slt, %broadcast_in_dim3A_2048, %lt3A_2050 : vector<16xi32>
        %add3A_2052 = arith.constant 16 : i32
        %add3A_2053 = vector.broadcast %add3A_2052 : i32 to vector<16xi32>
        %add3A_2054 = arith.addi %broadcast_in_dim3A_2048, %add3A_2053 : vector<16xi32>
        %select_n3A_2055 = arith.select %lt3A_2051, %add3A_2054, %broadcast_in_dim3A_2048 : vector<16xi1>, vector<16xi32>
        %broadcast_in_dim3A_2056 = vector.shape_cast %select_n3A_2055 : vector<16xi32> to vector<16x1xi32>
        %gather3A_2057 = vector.shape_cast %broadcast_in_dim3A_2056 : vector<16x1xi32> to vector<16xi32>
        %gather3A_2058 = tpu.dynamic_gather %select_n3A_2046[%gather3A_2057] in [0] : vector<16xi32>, vector<16xi32> -> vector<16xi32>
        %ne3A_2059 = arith.constant 0 : i32
        %ne3A_2060 = vector.broadcast %ne3A_2059 : i32 to vector<16xi32>
        %ne3A_2061 = arith.cmpi ne, %gather3A_2058, %ne3A_2060 : vector<16xi32>
        %and3A_2062 = arith.andi %and3A_1396, %ne3A_2061 : vector<16xi1>
        %jit3A_2063 = arith.constant 0 : i32
        %broadcast_in_dim3A_2064 = vector.broadcast %jit3A_2063 : i32 to vector<16xi32>
        %select_n3A_2065 = arith.select %and3A_2062, %broadcast_in_dim3A_2064, %select_n3A_2046 : vector<16xi1>, vector<16xi32>
        %broadcast_in_dim3A_2066 = arith.constant 9 : i32
        %broadcast_in_dim3A_2067 = vector.broadcast %broadcast_in_dim3A_2066 : i32 to vector<16xi32>
        %lt3A_2068 = arith.constant 0 : i32
        %lt3A_2069 = vector.broadcast %lt3A_2068 : i32 to vector<16xi32>
        %lt3A_2070 = arith.cmpi slt, %broadcast_in_dim3A_2067, %lt3A_2069 : vector<16xi32>
        %add3A_2071 = arith.constant 16 : i32
        %add3A_2072 = vector.broadcast %add3A_2071 : i32 to vector<16xi32>
        %add3A_2073 = arith.addi %broadcast_in_dim3A_2067, %add3A_2072 : vector<16xi32>
        %select_n3A_2074 = arith.select %lt3A_2070, %add3A_2073, %broadcast_in_dim3A_2067 : vector<16xi1>, vector<16xi32>
        %broadcast_in_dim3A_2075 = vector.shape_cast %select_n3A_2074 : vector<16xi32> to vector<16x1xi32>
        %gather3A_2076 = vector.shape_cast %broadcast_in_dim3A_2075 : vector<16x1xi32> to vector<16xi32>
        %gather3A_2077 = tpu.dynamic_gather %select_n3A_2065[%gather3A_2076] in [0] : vector<16xi32>, vector<16xi32> -> vector<16xi32>
        %ne3A_2078 = arith.constant 0 : i32
        %ne3A_2079 = vector.broadcast %ne3A_2078 : i32 to vector<16xi32>
        %ne3A_2080 = arith.cmpi ne, %gather3A_2077, %ne3A_2079 : vector<16xi32>
        %and3A_2081 = arith.andi %and3A_1479, %ne3A_2080 : vector<16xi1>
        %jit3A_2082 = arith.constant 0 : i32
        %broadcast_in_dim3A_2083 = vector.broadcast %jit3A_2082 : i32 to vector<16xi32>
        %select_n3A_2084 = arith.select %and3A_2081, %broadcast_in_dim3A_2083, %select_n3A_2065 : vector<16xi1>, vector<16xi32>
        %broadcast_in_dim3A_2085 = arith.constant 10 : i32
        %broadcast_in_dim3A_2086 = vector.broadcast %broadcast_in_dim3A_2085 : i32 to vector<16xi32>
        %lt3A_2087 = arith.constant 0 : i32
        %lt3A_2088 = vector.broadcast %lt3A_2087 : i32 to vector<16xi32>
        %lt3A_2089 = arith.cmpi slt, %broadcast_in_dim3A_2086, %lt3A_2088 : vector<16xi32>
        %add3A_2090 = arith.constant 16 : i32
        %add3A_2091 = vector.broadcast %add3A_2090 : i32 to vector<16xi32>
        %add3A_2092 = arith.addi %broadcast_in_dim3A_2086, %add3A_2091 : vector<16xi32>
        %select_n3A_2093 = arith.select %lt3A_2089, %add3A_2092, %broadcast_in_dim3A_2086 : vector<16xi1>, vector<16xi32>
        %broadcast_in_dim3A_2094 = vector.shape_cast %select_n3A_2093 : vector<16xi32> to vector<16x1xi32>
        %gather3A_2095 = vector.shape_cast %broadcast_in_dim3A_2094 : vector<16x1xi32> to vector<16xi32>
        %gather3A_2096 = tpu.dynamic_gather %select_n3A_2084[%gather3A_2095] in [0] : vector<16xi32>, vector<16xi32> -> vector<16xi32>
        %ne3A_2097 = arith.constant 0 : i32
        %ne3A_2098 = vector.broadcast %ne3A_2097 : i32 to vector<16xi32>
        %ne3A_2099 = arith.cmpi ne, %gather3A_2096, %ne3A_2098 : vector<16xi32>
        %and3A_2100 = arith.andi %and3A_1562, %ne3A_2099 : vector<16xi1>
        %jit3A_2101 = arith.constant 0 : i32
        %broadcast_in_dim3A_2102 = vector.broadcast %jit3A_2101 : i32 to vector<16xi32>
        %select_n3A_2103 = arith.select %and3A_2100, %broadcast_in_dim3A_2102, %select_n3A_2084 : vector<16xi1>, vector<16xi32>
        %broadcast_in_dim3A_2104 = arith.constant 11 : i32
        %broadcast_in_dim3A_2105 = vector.broadcast %broadcast_in_dim3A_2104 : i32 to vector<16xi32>
        %lt3A_2106 = arith.constant 0 : i32
        %lt3A_2107 = vector.broadcast %lt3A_2106 : i32 to vector<16xi32>
        %lt3A_2108 = arith.cmpi slt, %broadcast_in_dim3A_2105, %lt3A_2107 : vector<16xi32>
        %add3A_2109 = arith.constant 16 : i32
        %add3A_2110 = vector.broadcast %add3A_2109 : i32 to vector<16xi32>
        %add3A_2111 = arith.addi %broadcast_in_dim3A_2105, %add3A_2110 : vector<16xi32>
        %select_n3A_2112 = arith.select %lt3A_2108, %add3A_2111, %broadcast_in_dim3A_2105 : vector<16xi1>, vector<16xi32>
        %broadcast_in_dim3A_2113 = vector.shape_cast %select_n3A_2112 : vector<16xi32> to vector<16x1xi32>
        %gather3A_2114 = vector.shape_cast %broadcast_in_dim3A_2113 : vector<16x1xi32> to vector<16xi32>
        %gather3A_2115 = tpu.dynamic_gather %select_n3A_2103[%gather3A_2114] in [0] : vector<16xi32>, vector<16xi32> -> vector<16xi32>
        %ne3A_2116 = arith.constant 0 : i32
        %ne3A_2117 = vector.broadcast %ne3A_2116 : i32 to vector<16xi32>
        %ne3A_2118 = arith.cmpi ne, %gather3A_2115, %ne3A_2117 : vector<16xi32>
        %and3A_2119 = arith.andi %and3A_1645, %ne3A_2118 : vector<16xi1>
        %jit3A_2120 = arith.constant 0 : i32
        %broadcast_in_dim3A_2121 = vector.broadcast %jit3A_2120 : i32 to vector<16xi32>
        %select_n3A_2122 = arith.select %and3A_2119, %broadcast_in_dim3A_2121, %select_n3A_2103 : vector<16xi1>, vector<16xi32>
        %broadcast_in_dim3A_2123 = arith.constant 12 : i32
        %broadcast_in_dim3A_2124 = vector.broadcast %broadcast_in_dim3A_2123 : i32 to vector<16xi32>
        %lt3A_2125 = arith.constant 0 : i32
        %lt3A_2126 = vector.broadcast %lt3A_2125 : i32 to vector<16xi32>
        %lt3A_2127 = arith.cmpi slt, %broadcast_in_dim3A_2124, %lt3A_2126 : vector<16xi32>
        %add3A_2128 = arith.constant 16 : i32
        %add3A_2129 = vector.broadcast %add3A_2128 : i32 to vector<16xi32>
        %add3A_2130 = arith.addi %broadcast_in_dim3A_2124, %add3A_2129 : vector<16xi32>
        %select_n3A_2131 = arith.select %lt3A_2127, %add3A_2130, %broadcast_in_dim3A_2124 : vector<16xi1>, vector<16xi32>
        %broadcast_in_dim3A_2132 = vector.shape_cast %select_n3A_2131 : vector<16xi32> to vector<16x1xi32>
        %gather3A_2133 = vector.shape_cast %broadcast_in_dim3A_2132 : vector<16x1xi32> to vector<16xi32>
        %gather3A_2134 = tpu.dynamic_gather %select_n3A_2122[%gather3A_2133] in [0] : vector<16xi32>, vector<16xi32> -> vector<16xi32>
        %ne3A_2135 = arith.constant 0 : i32
        %ne3A_2136 = vector.broadcast %ne3A_2135 : i32 to vector<16xi32>
        %ne3A_2137 = arith.cmpi ne, %gather3A_2134, %ne3A_2136 : vector<16xi32>
        %and3A_2138 = arith.andi %and3A_1728, %ne3A_2137 : vector<16xi1>
        %jit3A_2139 = arith.constant 0 : i32
        %broadcast_in_dim3A_2140 = vector.broadcast %jit3A_2139 : i32 to vector<16xi32>
        %select_n3A_2141 = arith.select %and3A_2138, %broadcast_in_dim3A_2140, %select_n3A_2122 : vector<16xi1>, vector<16xi32>
        %broadcast_in_dim3A_2142 = arith.constant 13 : i32
        %broadcast_in_dim3A_2143 = vector.broadcast %broadcast_in_dim3A_2142 : i32 to vector<16xi32>
        %lt3A_2144 = arith.constant 0 : i32
        %lt3A_2145 = vector.broadcast %lt3A_2144 : i32 to vector<16xi32>
        %lt3A_2146 = arith.cmpi slt, %broadcast_in_dim3A_2143, %lt3A_2145 : vector<16xi32>
        %add3A_2147 = arith.constant 16 : i32
        %add3A_2148 = vector.broadcast %add3A_2147 : i32 to vector<16xi32>
        %add3A_2149 = arith.addi %broadcast_in_dim3A_2143, %add3A_2148 : vector<16xi32>
        %select_n3A_2150 = arith.select %lt3A_2146, %add3A_2149, %broadcast_in_dim3A_2143 : vector<16xi1>, vector<16xi32>
        %broadcast_in_dim3A_2151 = vector.shape_cast %select_n3A_2150 : vector<16xi32> to vector<16x1xi32>
        %gather3A_2152 = vector.shape_cast %broadcast_in_dim3A_2151 : vector<16x1xi32> to vector<16xi32>
        %gather3A_2153 = tpu.dynamic_gather %select_n3A_2141[%gather3A_2152] in [0] : vector<16xi32>, vector<16xi32> -> vector<16xi32>
        %ne3A_2154 = arith.constant 0 : i32
        %ne3A_2155 = vector.broadcast %ne3A_2154 : i32 to vector<16xi32>
        %ne3A_2156 = arith.cmpi ne, %gather3A_2153, %ne3A_2155 : vector<16xi32>
        %and3A_2157 = arith.andi %and3A_1811, %ne3A_2156 : vector<16xi1>
        %jit3A_2158 = arith.constant 0 : i32
        %broadcast_in_dim3A_2159 = vector.broadcast %jit3A_2158 : i32 to vector<16xi32>
        %select_n3A_2160 = arith.select %and3A_2157, %broadcast_in_dim3A_2159, %select_n3A_2141 : vector<16xi1>, vector<16xi32>
        %broadcast_in_dim3A_2161 = arith.constant 14 : i32
        %broadcast_in_dim3A_2162 = vector.broadcast %broadcast_in_dim3A_2161 : i32 to vector<16xi32>
        %lt3A_2163 = arith.constant 0 : i32
        %lt3A_2164 = vector.broadcast %lt3A_2163 : i32 to vector<16xi32>
        %lt3A_2165 = arith.cmpi slt, %broadcast_in_dim3A_2162, %lt3A_2164 : vector<16xi32>
        %add3A_2166 = arith.constant 16 : i32
        %add3A_2167 = vector.broadcast %add3A_2166 : i32 to vector<16xi32>
        %add3A_2168 = arith.addi %broadcast_in_dim3A_2162, %add3A_2167 : vector<16xi32>
        %select_n3A_2169 = arith.select %lt3A_2165, %add3A_2168, %broadcast_in_dim3A_2162 : vector<16xi1>, vector<16xi32>
        %broadcast_in_dim3A_2170 = vector.shape_cast %select_n3A_2169 : vector<16xi32> to vector<16x1xi32>
        %gather3A_2171 = vector.shape_cast %broadcast_in_dim3A_2170 : vector<16x1xi32> to vector<16xi32>
        %gather3A_2172 = tpu.dynamic_gather %select_n3A_2160[%gather3A_2171] in [0] : vector<16xi32>, vector<16xi32> -> vector<16xi32>
        %ne3A_2173 = arith.constant 0 : i32
        %ne3A_2174 = vector.broadcast %ne3A_2173 : i32 to vector<16xi32>
        %ne3A_2175 = arith.cmpi ne, %gather3A_2172, %ne3A_2174 : vector<16xi32>
        %and3A_2176 = arith.andi %and3A_1894, %ne3A_2175 : vector<16xi1>
        %jit3A_2177 = arith.constant 0 : i32
        %broadcast_in_dim3A_2178 = vector.broadcast %jit3A_2177 : i32 to vector<16xi32>
        %select_n3A_2179 = arith.select %and3A_2176, %broadcast_in_dim3A_2178, %select_n3A_2160 : vector<16xi1>, vector<16xi32>
        %ne3A_2180 = arith.constant 0 : i32
        %ne3A_2181 = vector.broadcast %ne3A_2180 : i32 to vector<16xi32>
        %ne3A_2182 = arith.cmpi ne, %select_n3A_2179, %ne3A_2181 : vector<16xi32>
        %broadcast_in_dim3A_2183 = arith.constant true
        %broadcast_in_dim3A_2184 = vector.broadcast %broadcast_in_dim3A_2183 : i1 to vector<16xi1>
        %masked_cumsum3A = tpu.scan <sum>, %select_n3A_2179 masked %broadcast_in_dim3A_2184 : vector<16xi32>, vector<16xi1> -> vector<16xi32>
        %add3A_2185 = vector.broadcast %while3A_586 : i32 to vector<16xi32>
        %add3A_2186 = arith.addi %add3A_2185, %masked_cumsum3A : vector<16xi32>
        %sub3A_2187 = arith.constant 1 : i32
        %sub3A_2188 = vector.broadcast %sub3A_2187 : i32 to vector<16xi32>
        %sub3A_2189 = arith.subi %add3A_2186, %sub3A_2188 : vector<16xi32>
        %mul3A_2190 = arith.constant 8 : i32
        %mul3A_2191 = vector.broadcast %mul3A_2190 : i32 to vector<16xi32>
        %mul3A_2192 = arith.muli %sub3A_2189, %mul3A_2191 : vector<16xi32>
        tpu.vector_store_idx %arg7[%mul3A_2192], %gather3A_596 masked %ne3A_2182 : memref<1024xf32, #tpu.memory_space<vmem>>[vector<16xi32>], vector<16xf32>, vector<16xi1>
        %add3A_2193 = arith.constant 1 : i32
        %add3A_2194 = vector.broadcast %add3A_2193 : i32 to vector<16xi32>
        %add3A_2195 = arith.addi %mul3A_2192, %add3A_2194 : vector<16xi32>
        tpu.vector_store_idx %arg7[%add3A_2195], %gather3A_599 masked %ne3A_2182 : memref<1024xf32, #tpu.memory_space<vmem>>[vector<16xi32>], vector<16xf32>, vector<16xi1>
        %add3A_2196 = arith.constant 2 : i32
        %add3A_2197 = vector.broadcast %add3A_2196 : i32 to vector<16xi32>
        %add3A_2198 = arith.addi %mul3A_2192, %add3A_2197 : vector<16xi32>
        tpu.vector_store_idx %arg7[%add3A_2198], %gather3A_602 masked %ne3A_2182 : memref<1024xf32, #tpu.memory_space<vmem>>[vector<16xi32>], vector<16xf32>, vector<16xi1>
        %add3A_2199 = arith.constant 3 : i32
        %add3A_2200 = vector.broadcast %add3A_2199 : i32 to vector<16xi32>
        %add3A_2201 = arith.addi %mul3A_2192, %add3A_2200 : vector<16xi32>
        tpu.vector_store_idx %arg7[%add3A_2201], %gather3A_605 masked %ne3A_2182 : memref<1024xf32, #tpu.memory_space<vmem>>[vector<16xi32>], vector<16xf32>, vector<16xi1>
        %add3A_2202 = arith.constant 4 : i32
        %add3A_2203 = vector.broadcast %add3A_2202 : i32 to vector<16xi32>
        %add3A_2204 = arith.addi %mul3A_2192, %add3A_2203 : vector<16xi32>
        tpu.vector_store_idx %arg7[%add3A_2204], %mul3A_607 masked %ne3A_2182 : memref<1024xf32, #tpu.memory_space<vmem>>[vector<16xi32>], vector<16xf32>, vector<16xi1>
        %add3A_2205 = arith.constant 5 : i32
        %add3A_2206 = vector.broadcast %add3A_2205 : i32 to vector<16xi32>
        %add3A_2207 = arith.addi %mul3A_2192, %add3A_2206 : vector<16xi32>
        tpu.vector_store_idx %arg7[%add3A_2207], %gather3A_593 masked %ne3A_2182 : memref<1024xf32, #tpu.memory_space<vmem>>[vector<16xi32>], vector<16xf32>, vector<16xi1>
        %all_reduce_population_count3A = tpu.all_reduce %ne3A_2182 {dim = 0 : i64, kind = #tpu.reduction_kind<sum>} : vector<16xi1> -> vector<16xi32>
        %slice3A = vector.extract_strided_slice %all_reduce_population_count3A {offsets = [0], sizes = [1], strides = [1]} : vector<16xi32> to vector<1xi32>
        %squeeze3A = vector.extract %slice3A[0] : i32 from vector<1xi32>
        %add3A_2208 = arith.addi %while3A_586, %squeeze3A : i32
        %lt3A_2209 = arith.constant 100 : i32
        %lt3A_2210 = arith.cmpi slt, %add3A_2208, %lt3A_2209 : i32
        %add3A_2211 = arith.constant 1 : i32
        %add3A_2212 = arith.addi %while3A_585, %add3A_2211 : i32
        %lt3A_2213 = arith.constant 313 : i32
        %lt3A_2214 = arith.cmpi slt, %add3A_2212, %lt3A_2213 : i32
        %and3A_2215 = arith.andi %lt3A_2210, %lt3A_2214 : i1
        %slice3A_2216 = vector.extract_strided_slice %gather3A_593 {offsets = [15], sizes = [1], strides = [1]} : vector<16xf32> to vector<1xf32>
        %squeeze3A_2217 = vector.extract %slice3A_2216[0] : f32 from vector<1xf32>
        %gt3A_2218 = arith.constant 5.000000e-02 : f32
        %gt3A_2219 = arith.cmpf ogt, %squeeze3A_2217, %gt3A_2218 : f32
        %and3A_2220 = arith.andi %and3A_2215, %gt3A_2219 : i1
        %add3A_2221 = arith.constant 1 : i32
        %add3A_2222 = arith.addi %while3A_585, %add3A_2221 : i32
        scf.yield %add3A_2222, %add3A_2208, %and3A_2220 : i32, i32, i1
      }
      %add3A = arith.constant 0 : i32
      %add3A_71 = vector.broadcast %add3A : i32 to vector<16xi32>
      %add3A_72 = arith.addi %iota3A, %add3A_71 : vector<16xi32>
      %lt3A = arith.constant 100 : i32
      %lt3A_73 = vector.broadcast %lt3A : i32 to vector<16xi32>
      %lt3A_74 = arith.cmpi slt, %add3A_72, %lt3A_73 : vector<16xi32>
      %lt3A_75 = vector.broadcast %while3A_70#1 : i32 to vector<16xi32>
      %lt3A_76 = arith.cmpi slt, %add3A_72, %lt3A_75 : vector<16xi32>
      %and3A_77 = arith.andi %lt3A_74, %lt3A_76 : vector<16xi1>
      %mul3A = arith.constant 8 : i32
      %mul3A_78 = vector.broadcast %mul3A : i32 to vector<16xi32>
      %mul3A_79 = arith.muli %add3A_72, %mul3A_78 : vector<16xi32>
      %add3A_80 = arith.constant 0 : i32
      %add3A_81 = vector.broadcast %add3A_80 : i32 to vector<16xi32>
      %add3A_82 = arith.addi %mul3A_79, %add3A_81 : vector<16xi32>
      %gather3A = tpu.vector_load_idx %arg7[%add3A_82] masked %and3A_77 : memref<1024xf32, #tpu.memory_space<vmem>>[vector<16xi32>], vector<16xf32>, vector<16xi1>
      %mul3A_83 = arith.constant 5 : i32
      %mul3A_84 = vector.broadcast %mul3A_83 : i32 to vector<16xi32>
      %mul3A_85 = arith.muli %add3A_72, %mul3A_84 : vector<16xi32>
      %add3A_86 = arith.constant 0 : i32
      %add3A_87 = vector.broadcast %add3A_86 : i32 to vector<16xi32>
      %add3A_88 = arith.addi %mul3A_85, %add3A_87 : vector<16xi32>
      tpu.vector_store_idx %arg8[%add3A_88], %gather3A masked %and3A_77 : memref<512xf32, #tpu.memory_space<vmem>>[vector<16xi32>], vector<16xf32>, vector<16xi1>
      %mul3A_89 = arith.constant 8 : i32
      %mul3A_90 = vector.broadcast %mul3A_89 : i32 to vector<16xi32>
      %mul3A_91 = arith.muli %add3A_72, %mul3A_90 : vector<16xi32>
      %add3A_92 = arith.constant 1 : i32
      %add3A_93 = vector.broadcast %add3A_92 : i32 to vector<16xi32>
      %add3A_94 = arith.addi %mul3A_91, %add3A_93 : vector<16xi32>
      %gather3A_95 = tpu.vector_load_idx %arg7[%add3A_94] masked %and3A_77 : memref<1024xf32, #tpu.memory_space<vmem>>[vector<16xi32>], vector<16xf32>, vector<16xi1>
      %mul3A_96 = arith.constant 5 : i32
      %mul3A_97 = vector.broadcast %mul3A_96 : i32 to vector<16xi32>
      %mul3A_98 = arith.muli %add3A_72, %mul3A_97 : vector<16xi32>
      %add3A_99 = arith.constant 1 : i32
      %add3A_100 = vector.broadcast %add3A_99 : i32 to vector<16xi32>
      %add3A_101 = arith.addi %mul3A_98, %add3A_100 : vector<16xi32>
      tpu.vector_store_idx %arg8[%add3A_101], %gather3A_95 masked %and3A_77 : memref<512xf32, #tpu.memory_space<vmem>>[vector<16xi32>], vector<16xf32>, vector<16xi1>
      %mul3A_102 = arith.constant 8 : i32
      %mul3A_103 = vector.broadcast %mul3A_102 : i32 to vector<16xi32>
      %mul3A_104 = arith.muli %add3A_72, %mul3A_103 : vector<16xi32>
      %add3A_105 = arith.constant 2 : i32
      %add3A_106 = vector.broadcast %add3A_105 : i32 to vector<16xi32>
      %add3A_107 = arith.addi %mul3A_104, %add3A_106 : vector<16xi32>
      %gather3A_108 = tpu.vector_load_idx %arg7[%add3A_107] masked %and3A_77 : memref<1024xf32, #tpu.memory_space<vmem>>[vector<16xi32>], vector<16xf32>, vector<16xi1>
      %mul3A_109 = arith.constant 5 : i32
      %mul3A_110 = vector.broadcast %mul3A_109 : i32 to vector<16xi32>
      %mul3A_111 = arith.muli %add3A_72, %mul3A_110 : vector<16xi32>
      %add3A_112 = arith.constant 2 : i32
      %add3A_113 = vector.broadcast %add3A_112 : i32 to vector<16xi32>
      %add3A_114 = arith.addi %mul3A_111, %add3A_113 : vector<16xi32>
      tpu.vector_store_idx %arg8[%add3A_114], %gather3A_108 masked %and3A_77 : memref<512xf32, #tpu.memory_space<vmem>>[vector<16xi32>], vector<16xf32>, vector<16xi1>
      %mul3A_115 = arith.constant 8 : i32
      %mul3A_116 = vector.broadcast %mul3A_115 : i32 to vector<16xi32>
      %mul3A_117 = arith.muli %add3A_72, %mul3A_116 : vector<16xi32>
      %add3A_118 = arith.constant 3 : i32
      %add3A_119 = vector.broadcast %add3A_118 : i32 to vector<16xi32>
      %add3A_120 = arith.addi %mul3A_117, %add3A_119 : vector<16xi32>
      %gather3A_121 = tpu.vector_load_idx %arg7[%add3A_120] masked %and3A_77 : memref<1024xf32, #tpu.memory_space<vmem>>[vector<16xi32>], vector<16xf32>, vector<16xi1>
      %mul3A_122 = arith.constant 5 : i32
      %mul3A_123 = vector.broadcast %mul3A_122 : i32 to vector<16xi32>
      %mul3A_124 = arith.muli %add3A_72, %mul3A_123 : vector<16xi32>
      %add3A_125 = arith.constant 3 : i32
      %add3A_126 = vector.broadcast %add3A_125 : i32 to vector<16xi32>
      %add3A_127 = arith.addi %mul3A_124, %add3A_126 : vector<16xi32>
      tpu.vector_store_idx %arg8[%add3A_127], %gather3A_121 masked %and3A_77 : memref<512xf32, #tpu.memory_space<vmem>>[vector<16xi32>], vector<16xf32>, vector<16xi1>
      %mul3A_128 = arith.constant 8 : i32
      %mul3A_129 = vector.broadcast %mul3A_128 : i32 to vector<16xi32>
      %mul3A_130 = arith.muli %add3A_72, %mul3A_129 : vector<16xi32>
      %add3A_131 = arith.constant 5 : i32
      %add3A_132 = vector.broadcast %add3A_131 : i32 to vector<16xi32>
      %add3A_133 = arith.addi %mul3A_130, %add3A_132 : vector<16xi32>
      %gather3A_134 = tpu.vector_load_idx %arg7[%add3A_133] masked %and3A_77 : memref<1024xf32, #tpu.memory_space<vmem>>[vector<16xi32>], vector<16xf32>, vector<16xi1>
      %mul3A_135 = arith.constant 5 : i32
      %mul3A_136 = vector.broadcast %mul3A_135 : i32 to vector<16xi32>
      %mul3A_137 = arith.muli %add3A_72, %mul3A_136 : vector<16xi32>
      %add3A_138 = arith.constant 4 : i32
      %add3A_139 = vector.broadcast %add3A_138 : i32 to vector<16xi32>
      %add3A_140 = arith.addi %mul3A_137, %add3A_139 : vector<16xi32>
      tpu.vector_store_idx %arg8[%add3A_140], %gather3A_134 masked %and3A_77 : memref<512xf32, #tpu.memory_space<vmem>>[vector<16xi32>], vector<16xf32>, vector<16xi1>
      %add3A_141 = arith.constant 16 : i32
      %add3A_142 = vector.broadcast %add3A_141 : i32 to vector<16xi32>
      %add3A_143 = arith.addi %iota3A, %add3A_142 : vector<16xi32>
      %lt3A_144 = arith.constant 100 : i32
      %lt3A_145 = vector.broadcast %lt3A_144 : i32 to vector<16xi32>
      %lt3A_146 = arith.cmpi slt, %add3A_143, %lt3A_145 : vector<16xi32>
      %lt3A_147 = vector.broadcast %while3A_70#1 : i32 to vector<16xi32>
      %lt3A_148 = arith.cmpi slt, %add3A_143, %lt3A_147 : vector<16xi32>
      %and3A_149 = arith.andi %lt3A_146, %lt3A_148 : vector<16xi1>
      %mul3A_150 = arith.constant 8 : i32
      %mul3A_151 = vector.broadcast %mul3A_150 : i32 to vector<16xi32>
      %mul3A_152 = arith.muli %add3A_143, %mul3A_151 : vector<16xi32>
      %add3A_153 = arith.constant 0 : i32
      %add3A_154 = vector.broadcast %add3A_153 : i32 to vector<16xi32>
      %add3A_155 = arith.addi %mul3A_152, %add3A_154 : vector<16xi32>
      %gather3A_156 = tpu.vector_load_idx %arg7[%add3A_155] masked %and3A_149 : memref<1024xf32, #tpu.memory_space<vmem>>[vector<16xi32>], vector<16xf32>, vector<16xi1>
      %mul3A_157 = arith.constant 5 : i32
      %mul3A_158 = vector.broadcast %mul3A_157 : i32 to vector<16xi32>
      %mul3A_159 = arith.muli %add3A_143, %mul3A_158 : vector<16xi32>
      %add3A_160 = arith.constant 0 : i32
      %add3A_161 = vector.broadcast %add3A_160 : i32 to vector<16xi32>
      %add3A_162 = arith.addi %mul3A_159, %add3A_161 : vector<16xi32>
      tpu.vector_store_idx %arg8[%add3A_162], %gather3A_156 masked %and3A_149 : memref<512xf32, #tpu.memory_space<vmem>>[vector<16xi32>], vector<16xf32>, vector<16xi1>
      %mul3A_163 = arith.constant 8 : i32
      %mul3A_164 = vector.broadcast %mul3A_163 : i32 to vector<16xi32>
      %mul3A_165 = arith.muli %add3A_143, %mul3A_164 : vector<16xi32>
      %add3A_166 = arith.constant 1 : i32
      %add3A_167 = vector.broadcast %add3A_166 : i32 to vector<16xi32>
      %add3A_168 = arith.addi %mul3A_165, %add3A_167 : vector<16xi32>
      %gather3A_169 = tpu.vector_load_idx %arg7[%add3A_168] masked %and3A_149 : memref<1024xf32, #tpu.memory_space<vmem>>[vector<16xi32>], vector<16xf32>, vector<16xi1>
      %mul3A_170 = arith.constant 5 : i32
      %mul3A_171 = vector.broadcast %mul3A_170 : i32 to vector<16xi32>
      %mul3A_172 = arith.muli %add3A_143, %mul3A_171 : vector<16xi32>
      %add3A_173 = arith.constant 1 : i32
      %add3A_174 = vector.broadcast %add3A_173 : i32 to vector<16xi32>
      %add3A_175 = arith.addi %mul3A_172, %add3A_174 : vector<16xi32>
      tpu.vector_store_idx %arg8[%add3A_175], %gather3A_169 masked %and3A_149 : memref<512xf32, #tpu.memory_space<vmem>>[vector<16xi32>], vector<16xf32>, vector<16xi1>
      %mul3A_176 = arith.constant 8 : i32
      %mul3A_177 = vector.broadcast %mul3A_176 : i32 to vector<16xi32>
      %mul3A_178 = arith.muli %add3A_143, %mul3A_177 : vector<16xi32>
      %add3A_179 = arith.constant 2 : i32
      %add3A_180 = vector.broadcast %add3A_179 : i32 to vector<16xi32>
      %add3A_181 = arith.addi %mul3A_178, %add3A_180 : vector<16xi32>
      %gather3A_182 = tpu.vector_load_idx %arg7[%add3A_181] masked %and3A_149 : memref<1024xf32, #tpu.memory_space<vmem>>[vector<16xi32>], vector<16xf32>, vector<16xi1>
      %mul3A_183 = arith.constant 5 : i32
      %mul3A_184 = vector.broadcast %mul3A_183 : i32 to vector<16xi32>
      %mul3A_185 = arith.muli %add3A_143, %mul3A_184 : vector<16xi32>
      %add3A_186 = arith.constant 2 : i32
      %add3A_187 = vector.broadcast %add3A_186 : i32 to vector<16xi32>
      %add3A_188 = arith.addi %mul3A_185, %add3A_187 : vector<16xi32>
      tpu.vector_store_idx %arg8[%add3A_188], %gather3A_182 masked %and3A_149 : memref<512xf32, #tpu.memory_space<vmem>>[vector<16xi32>], vector<16xf32>, vector<16xi1>
      %mul3A_189 = arith.constant 8 : i32
      %mul3A_190 = vector.broadcast %mul3A_189 : i32 to vector<16xi32>
      %mul3A_191 = arith.muli %add3A_143, %mul3A_190 : vector<16xi32>
      %add3A_192 = arith.constant 3 : i32
      %add3A_193 = vector.broadcast %add3A_192 : i32 to vector<16xi32>
      %add3A_194 = arith.addi %mul3A_191, %add3A_193 : vector<16xi32>
      %gather3A_195 = tpu.vector_load_idx %arg7[%add3A_194] masked %and3A_149 : memref<1024xf32, #tpu.memory_space<vmem>>[vector<16xi32>], vector<16xf32>, vector<16xi1>
      %mul3A_196 = arith.constant 5 : i32
      %mul3A_197 = vector.broadcast %mul3A_196 : i32 to vector<16xi32>
      %mul3A_198 = arith.muli %add3A_143, %mul3A_197 : vector<16xi32>
      %add3A_199 = arith.constant 3 : i32
      %add3A_200 = vector.broadcast %add3A_199 : i32 to vector<16xi32>
      %add3A_201 = arith.addi %mul3A_198, %add3A_200 : vector<16xi32>
      tpu.vector_store_idx %arg8[%add3A_201], %gather3A_195 masked %and3A_149 : memref<512xf32, #tpu.memory_space<vmem>>[vector<16xi32>], vector<16xf32>, vector<16xi1>
      %mul3A_202 = arith.constant 8 : i32
      %mul3A_203 = vector.broadcast %mul3A_202 : i32 to vector<16xi32>
      %mul3A_204 = arith.muli %add3A_143, %mul3A_203 : vector<16xi32>
      %add3A_205 = arith.constant 5 : i32
      %add3A_206 = vector.broadcast %add3A_205 : i32 to vector<16xi32>
      %add3A_207 = arith.addi %mul3A_204, %add3A_206 : vector<16xi32>
      %gather3A_208 = tpu.vector_load_idx %arg7[%add3A_207] masked %and3A_149 : memref<1024xf32, #tpu.memory_space<vmem>>[vector<16xi32>], vector<16xf32>, vector<16xi1>
      %mul3A_209 = arith.constant 5 : i32
      %mul3A_210 = vector.broadcast %mul3A_209 : i32 to vector<16xi32>
      %mul3A_211 = arith.muli %add3A_143, %mul3A_210 : vector<16xi32>
      %add3A_212 = arith.constant 4 : i32
      %add3A_213 = vector.broadcast %add3A_212 : i32 to vector<16xi32>
      %add3A_214 = arith.addi %mul3A_211, %add3A_213 : vector<16xi32>
      tpu.vector_store_idx %arg8[%add3A_214], %gather3A_208 masked %and3A_149 : memref<512xf32, #tpu.memory_space<vmem>>[vector<16xi32>], vector<16xf32>, vector<16xi1>
      %add3A_215 = arith.constant 32 : i32
      %add3A_216 = vector.broadcast %add3A_215 : i32 to vector<16xi32>
      %add3A_217 = arith.addi %iota3A, %add3A_216 : vector<16xi32>
      %lt3A_218 = arith.constant 100 : i32
      %lt3A_219 = vector.broadcast %lt3A_218 : i32 to vector<16xi32>
      %lt3A_220 = arith.cmpi slt, %add3A_217, %lt3A_219 : vector<16xi32>
      %lt3A_221 = vector.broadcast %while3A_70#1 : i32 to vector<16xi32>
      %lt3A_222 = arith.cmpi slt, %add3A_217, %lt3A_221 : vector<16xi32>
      %and3A_223 = arith.andi %lt3A_220, %lt3A_222 : vector<16xi1>
      %mul3A_224 = arith.constant 8 : i32
      %mul3A_225 = vector.broadcast %mul3A_224 : i32 to vector<16xi32>
      %mul3A_226 = arith.muli %add3A_217, %mul3A_225 : vector<16xi32>
      %add3A_227 = arith.constant 0 : i32
      %add3A_228 = vector.broadcast %add3A_227 : i32 to vector<16xi32>
      %add3A_229 = arith.addi %mul3A_226, %add3A_228 : vector<16xi32>
      %gather3A_230 = tpu.vector_load_idx %arg7[%add3A_229] masked %and3A_223 : memref<1024xf32, #tpu.memory_space<vmem>>[vector<16xi32>], vector<16xf32>, vector<16xi1>
      %mul3A_231 = arith.constant 5 : i32
      %mul3A_232 = vector.broadcast %mul3A_231 : i32 to vector<16xi32>
      %mul3A_233 = arith.muli %add3A_217, %mul3A_232 : vector<16xi32>
      %add3A_234 = arith.constant 0 : i32
      %add3A_235 = vector.broadcast %add3A_234 : i32 to vector<16xi32>
      %add3A_236 = arith.addi %mul3A_233, %add3A_235 : vector<16xi32>
      tpu.vector_store_idx %arg8[%add3A_236], %gather3A_230 masked %and3A_223 : memref<512xf32, #tpu.memory_space<vmem>>[vector<16xi32>], vector<16xf32>, vector<16xi1>
      %mul3A_237 = arith.constant 8 : i32
      %mul3A_238 = vector.broadcast %mul3A_237 : i32 to vector<16xi32>
      %mul3A_239 = arith.muli %add3A_217, %mul3A_238 : vector<16xi32>
      %add3A_240 = arith.constant 1 : i32
      %add3A_241 = vector.broadcast %add3A_240 : i32 to vector<16xi32>
      %add3A_242 = arith.addi %mul3A_239, %add3A_241 : vector<16xi32>
      %gather3A_243 = tpu.vector_load_idx %arg7[%add3A_242] masked %and3A_223 : memref<1024xf32, #tpu.memory_space<vmem>>[vector<16xi32>], vector<16xf32>, vector<16xi1>
      %mul3A_244 = arith.constant 5 : i32
      %mul3A_245 = vector.broadcast %mul3A_244 : i32 to vector<16xi32>
      %mul3A_246 = arith.muli %add3A_217, %mul3A_245 : vector<16xi32>
      %add3A_247 = arith.constant 1 : i32
      %add3A_248 = vector.broadcast %add3A_247 : i32 to vector<16xi32>
      %add3A_249 = arith.addi %mul3A_246, %add3A_248 : vector<16xi32>
      tpu.vector_store_idx %arg8[%add3A_249], %gather3A_243 masked %and3A_223 : memref<512xf32, #tpu.memory_space<vmem>>[vector<16xi32>], vector<16xf32>, vector<16xi1>
      %mul3A_250 = arith.constant 8 : i32
      %mul3A_251 = vector.broadcast %mul3A_250 : i32 to vector<16xi32>
      %mul3A_252 = arith.muli %add3A_217, %mul3A_251 : vector<16xi32>
      %add3A_253 = arith.constant 2 : i32
      %add3A_254 = vector.broadcast %add3A_253 : i32 to vector<16xi32>
      %add3A_255 = arith.addi %mul3A_252, %add3A_254 : vector<16xi32>
      %gather3A_256 = tpu.vector_load_idx %arg7[%add3A_255] masked %and3A_223 : memref<1024xf32, #tpu.memory_space<vmem>>[vector<16xi32>], vector<16xf32>, vector<16xi1>
      %mul3A_257 = arith.constant 5 : i32
      %mul3A_258 = vector.broadcast %mul3A_257 : i32 to vector<16xi32>
      %mul3A_259 = arith.muli %add3A_217, %mul3A_258 : vector<16xi32>
      %add3A_260 = arith.constant 2 : i32
      %add3A_261 = vector.broadcast %add3A_260 : i32 to vector<16xi32>
      %add3A_262 = arith.addi %mul3A_259, %add3A_261 : vector<16xi32>
      tpu.vector_store_idx %arg8[%add3A_262], %gather3A_256 masked %and3A_223 : memref<512xf32, #tpu.memory_space<vmem>>[vector<16xi32>], vector<16xf32>, vector<16xi1>
      %mul3A_263 = arith.constant 8 : i32
      %mul3A_264 = vector.broadcast %mul3A_263 : i32 to vector<16xi32>
      %mul3A_265 = arith.muli %add3A_217, %mul3A_264 : vector<16xi32>
      %add3A_266 = arith.constant 3 : i32
      %add3A_267 = vector.broadcast %add3A_266 : i32 to vector<16xi32>
      %add3A_268 = arith.addi %mul3A_265, %add3A_267 : vector<16xi32>
      %gather3A_269 = tpu.vector_load_idx %arg7[%add3A_268] masked %and3A_223 : memref<1024xf32, #tpu.memory_space<vmem>>[vector<16xi32>], vector<16xf32>, vector<16xi1>
      %mul3A_270 = arith.constant 5 : i32
      %mul3A_271 = vector.broadcast %mul3A_270 : i32 to vector<16xi32>
      %mul3A_272 = arith.muli %add3A_217, %mul3A_271 : vector<16xi32>
      %add3A_273 = arith.constant 3 : i32
      %add3A_274 = vector.broadcast %add3A_273 : i32 to vector<16xi32>
      %add3A_275 = arith.addi %mul3A_272, %add3A_274 : vector<16xi32>
      tpu.vector_store_idx %arg8[%add3A_275], %gather3A_269 masked %and3A_223 : memref<512xf32, #tpu.memory_space<vmem>>[vector<16xi32>], vector<16xf32>, vector<16xi1>
      %mul3A_276 = arith.constant 8 : i32
      %mul3A_277 = vector.broadcast %mul3A_276 : i32 to vector<16xi32>
      %mul3A_278 = arith.muli %add3A_217, %mul3A_277 : vector<16xi32>
      %add3A_279 = arith.constant 5 : i32
      %add3A_280 = vector.broadcast %add3A_279 : i32 to vector<16xi32>
      %add3A_281 = arith.addi %mul3A_278, %add3A_280 : vector<16xi32>
      %gather3A_282 = tpu.vector_load_idx %arg7[%add3A_281] masked %and3A_223 : memref<1024xf32, #tpu.memory_space<vmem>>[vector<16xi32>], vector<16xf32>, vector<16xi1>
      %mul3A_283 = arith.constant 5 : i32
      %mul3A_284 = vector.broadcast %mul3A_283 : i32 to vector<16xi32>
      %mul3A_285 = arith.muli %add3A_217, %mul3A_284 : vector<16xi32>
      %add3A_286 = arith.constant 4 : i32
      %add3A_287 = vector.broadcast %add3A_286 : i32 to vector<16xi32>
      %add3A_288 = arith.addi %mul3A_285, %add3A_287 : vector<16xi32>
      tpu.vector_store_idx %arg8[%add3A_288], %gather3A_282 masked %and3A_223 : memref<512xf32, #tpu.memory_space<vmem>>[vector<16xi32>], vector<16xf32>, vector<16xi1>
      %add3A_289 = arith.constant 48 : i32
      %add3A_290 = vector.broadcast %add3A_289 : i32 to vector<16xi32>
      %add3A_291 = arith.addi %iota3A, %add3A_290 : vector<16xi32>
      %lt3A_292 = arith.constant 100 : i32
      %lt3A_293 = vector.broadcast %lt3A_292 : i32 to vector<16xi32>
      %lt3A_294 = arith.cmpi slt, %add3A_291, %lt3A_293 : vector<16xi32>
      %lt3A_295 = vector.broadcast %while3A_70#1 : i32 to vector<16xi32>
      %lt3A_296 = arith.cmpi slt, %add3A_291, %lt3A_295 : vector<16xi32>
      %and3A_297 = arith.andi %lt3A_294, %lt3A_296 : vector<16xi1>
      %mul3A_298 = arith.constant 8 : i32
      %mul3A_299 = vector.broadcast %mul3A_298 : i32 to vector<16xi32>
      %mul3A_300 = arith.muli %add3A_291, %mul3A_299 : vector<16xi32>
      %add3A_301 = arith.constant 0 : i32
      %add3A_302 = vector.broadcast %add3A_301 : i32 to vector<16xi32>
      %add3A_303 = arith.addi %mul3A_300, %add3A_302 : vector<16xi32>
      %gather3A_304 = tpu.vector_load_idx %arg7[%add3A_303] masked %and3A_297 : memref<1024xf32, #tpu.memory_space<vmem>>[vector<16xi32>], vector<16xf32>, vector<16xi1>
      %mul3A_305 = arith.constant 5 : i32
      %mul3A_306 = vector.broadcast %mul3A_305 : i32 to vector<16xi32>
      %mul3A_307 = arith.muli %add3A_291, %mul3A_306 : vector<16xi32>
      %add3A_308 = arith.constant 0 : i32
      %add3A_309 = vector.broadcast %add3A_308 : i32 to vector<16xi32>
      %add3A_310 = arith.addi %mul3A_307, %add3A_309 : vector<16xi32>
      tpu.vector_store_idx %arg8[%add3A_310], %gather3A_304 masked %and3A_297 : memref<512xf32, #tpu.memory_space<vmem>>[vector<16xi32>], vector<16xf32>, vector<16xi1>
      %mul3A_311 = arith.constant 8 : i32
      %mul3A_312 = vector.broadcast %mul3A_311 : i32 to vector<16xi32>
      %mul3A_313 = arith.muli %add3A_291, %mul3A_312 : vector<16xi32>
      %add3A_314 = arith.constant 1 : i32
      %add3A_315 = vector.broadcast %add3A_314 : i32 to vector<16xi32>
      %add3A_316 = arith.addi %mul3A_313, %add3A_315 : vector<16xi32>
      %gather3A_317 = tpu.vector_load_idx %arg7[%add3A_316] masked %and3A_297 : memref<1024xf32, #tpu.memory_space<vmem>>[vector<16xi32>], vector<16xf32>, vector<16xi1>
      %mul3A_318 = arith.constant 5 : i32
      %mul3A_319 = vector.broadcast %mul3A_318 : i32 to vector<16xi32>
      %mul3A_320 = arith.muli %add3A_291, %mul3A_319 : vector<16xi32>
      %add3A_321 = arith.constant 1 : i32
      %add3A_322 = vector.broadcast %add3A_321 : i32 to vector<16xi32>
      %add3A_323 = arith.addi %mul3A_320, %add3A_322 : vector<16xi32>
      tpu.vector_store_idx %arg8[%add3A_323], %gather3A_317 masked %and3A_297 : memref<512xf32, #tpu.memory_space<vmem>>[vector<16xi32>], vector<16xf32>, vector<16xi1>
      %mul3A_324 = arith.constant 8 : i32
      %mul3A_325 = vector.broadcast %mul3A_324 : i32 to vector<16xi32>
      %mul3A_326 = arith.muli %add3A_291, %mul3A_325 : vector<16xi32>
      %add3A_327 = arith.constant 2 : i32
      %add3A_328 = vector.broadcast %add3A_327 : i32 to vector<16xi32>
      %add3A_329 = arith.addi %mul3A_326, %add3A_328 : vector<16xi32>
      %gather3A_330 = tpu.vector_load_idx %arg7[%add3A_329] masked %and3A_297 : memref<1024xf32, #tpu.memory_space<vmem>>[vector<16xi32>], vector<16xf32>, vector<16xi1>
      %mul3A_331 = arith.constant 5 : i32
      %mul3A_332 = vector.broadcast %mul3A_331 : i32 to vector<16xi32>
      %mul3A_333 = arith.muli %add3A_291, %mul3A_332 : vector<16xi32>
      %add3A_334 = arith.constant 2 : i32
      %add3A_335 = vector.broadcast %add3A_334 : i32 to vector<16xi32>
      %add3A_336 = arith.addi %mul3A_333, %add3A_335 : vector<16xi32>
      tpu.vector_store_idx %arg8[%add3A_336], %gather3A_330 masked %and3A_297 : memref<512xf32, #tpu.memory_space<vmem>>[vector<16xi32>], vector<16xf32>, vector<16xi1>
      %mul3A_337 = arith.constant 8 : i32
      %mul3A_338 = vector.broadcast %mul3A_337 : i32 to vector<16xi32>
      %mul3A_339 = arith.muli %add3A_291, %mul3A_338 : vector<16xi32>
      %add3A_340 = arith.constant 3 : i32
      %add3A_341 = vector.broadcast %add3A_340 : i32 to vector<16xi32>
      %add3A_342 = arith.addi %mul3A_339, %add3A_341 : vector<16xi32>
      %gather3A_343 = tpu.vector_load_idx %arg7[%add3A_342] masked %and3A_297 : memref<1024xf32, #tpu.memory_space<vmem>>[vector<16xi32>], vector<16xf32>, vector<16xi1>
      %mul3A_344 = arith.constant 5 : i32
      %mul3A_345 = vector.broadcast %mul3A_344 : i32 to vector<16xi32>
      %mul3A_346 = arith.muli %add3A_291, %mul3A_345 : vector<16xi32>
      %add3A_347 = arith.constant 3 : i32
      %add3A_348 = vector.broadcast %add3A_347 : i32 to vector<16xi32>
      %add3A_349 = arith.addi %mul3A_346, %add3A_348 : vector<16xi32>
      tpu.vector_store_idx %arg8[%add3A_349], %gather3A_343 masked %and3A_297 : memref<512xf32, #tpu.memory_space<vmem>>[vector<16xi32>], vector<16xf32>, vector<16xi1>
      %mul3A_350 = arith.constant 8 : i32
      %mul3A_351 = vector.broadcast %mul3A_350 : i32 to vector<16xi32>
      %mul3A_352 = arith.muli %add3A_291, %mul3A_351 : vector<16xi32>
      %add3A_353 = arith.constant 5 : i32
      %add3A_354 = vector.broadcast %add3A_353 : i32 to vector<16xi32>
      %add3A_355 = arith.addi %mul3A_352, %add3A_354 : vector<16xi32>
      %gather3A_356 = tpu.vector_load_idx %arg7[%add3A_355] masked %and3A_297 : memref<1024xf32, #tpu.memory_space<vmem>>[vector<16xi32>], vector<16xf32>, vector<16xi1>
      %mul3A_357 = arith.constant 5 : i32
      %mul3A_358 = vector.broadcast %mul3A_357 : i32 to vector<16xi32>
      %mul3A_359 = arith.muli %add3A_291, %mul3A_358 : vector<16xi32>
      %add3A_360 = arith.constant 4 : i32
      %add3A_361 = vector.broadcast %add3A_360 : i32 to vector<16xi32>
      %add3A_362 = arith.addi %mul3A_359, %add3A_361 : vector<16xi32>
      tpu.vector_store_idx %arg8[%add3A_362], %gather3A_356 masked %and3A_297 : memref<512xf32, #tpu.memory_space<vmem>>[vector<16xi32>], vector<16xf32>, vector<16xi1>
      %add3A_363 = arith.constant 64 : i32
      %add3A_364 = vector.broadcast %add3A_363 : i32 to vector<16xi32>
      %add3A_365 = arith.addi %iota3A, %add3A_364 : vector<16xi32>
      %lt3A_366 = arith.constant 100 : i32
      %lt3A_367 = vector.broadcast %lt3A_366 : i32 to vector<16xi32>
      %lt3A_368 = arith.cmpi slt, %add3A_365, %lt3A_367 : vector<16xi32>
      %lt3A_369 = vector.broadcast %while3A_70#1 : i32 to vector<16xi32>
      %lt3A_370 = arith.cmpi slt, %add3A_365, %lt3A_369 : vector<16xi32>
      %and3A_371 = arith.andi %lt3A_368, %lt3A_370 : vector<16xi1>
      %mul3A_372 = arith.constant 8 : i32
      %mul3A_373 = vector.broadcast %mul3A_372 : i32 to vector<16xi32>
      %mul3A_374 = arith.muli %add3A_365, %mul3A_373 : vector<16xi32>
      %add3A_375 = arith.constant 0 : i32
      %add3A_376 = vector.broadcast %add3A_375 : i32 to vector<16xi32>
      %add3A_377 = arith.addi %mul3A_374, %add3A_376 : vector<16xi32>
      %gather3A_378 = tpu.vector_load_idx %arg7[%add3A_377] masked %and3A_371 : memref<1024xf32, #tpu.memory_space<vmem>>[vector<16xi32>], vector<16xf32>, vector<16xi1>
      %mul3A_379 = arith.constant 5 : i32
      %mul3A_380 = vector.broadcast %mul3A_379 : i32 to vector<16xi32>
      %mul3A_381 = arith.muli %add3A_365, %mul3A_380 : vector<16xi32>
      %add3A_382 = arith.constant 0 : i32
      %add3A_383 = vector.broadcast %add3A_382 : i32 to vector<16xi32>
      %add3A_384 = arith.addi %mul3A_381, %add3A_383 : vector<16xi32>
      tpu.vector_store_idx %arg8[%add3A_384], %gather3A_378 masked %and3A_371 : memref<512xf32, #tpu.memory_space<vmem>>[vector<16xi32>], vector<16xf32>, vector<16xi1>
      %mul3A_385 = arith.constant 8 : i32
      %mul3A_386 = vector.broadcast %mul3A_385 : i32 to vector<16xi32>
      %mul3A_387 = arith.muli %add3A_365, %mul3A_386 : vector<16xi32>
      %add3A_388 = arith.constant 1 : i32
      %add3A_389 = vector.broadcast %add3A_388 : i32 to vector<16xi32>
      %add3A_390 = arith.addi %mul3A_387, %add3A_389 : vector<16xi32>
      %gather3A_391 = tpu.vector_load_idx %arg7[%add3A_390] masked %and3A_371 : memref<1024xf32, #tpu.memory_space<vmem>>[vector<16xi32>], vector<16xf32>, vector<16xi1>
      %mul3A_392 = arith.constant 5 : i32
      %mul3A_393 = vector.broadcast %mul3A_392 : i32 to vector<16xi32>
      %mul3A_394 = arith.muli %add3A_365, %mul3A_393 : vector<16xi32>
      %add3A_395 = arith.constant 1 : i32
      %add3A_396 = vector.broadcast %add3A_395 : i32 to vector<16xi32>
      %add3A_397 = arith.addi %mul3A_394, %add3A_396 : vector<16xi32>
      tpu.vector_store_idx %arg8[%add3A_397], %gather3A_391 masked %and3A_371 : memref<512xf32, #tpu.memory_space<vmem>>[vector<16xi32>], vector<16xf32>, vector<16xi1>
      %mul3A_398 = arith.constant 8 : i32
      %mul3A_399 = vector.broadcast %mul3A_398 : i32 to vector<16xi32>
      %mul3A_400 = arith.muli %add3A_365, %mul3A_399 : vector<16xi32>
      %add3A_401 = arith.constant 2 : i32
      %add3A_402 = vector.broadcast %add3A_401 : i32 to vector<16xi32>
      %add3A_403 = arith.addi %mul3A_400, %add3A_402 : vector<16xi32>
      %gather3A_404 = tpu.vector_load_idx %arg7[%add3A_403] masked %and3A_371 : memref<1024xf32, #tpu.memory_space<vmem>>[vector<16xi32>], vector<16xf32>, vector<16xi1>
      %mul3A_405 = arith.constant 5 : i32
      %mul3A_406 = vector.broadcast %mul3A_405 : i32 to vector<16xi32>
      %mul3A_407 = arith.muli %add3A_365, %mul3A_406 : vector<16xi32>
      %add3A_408 = arith.constant 2 : i32
      %add3A_409 = vector.broadcast %add3A_408 : i32 to vector<16xi32>
      %add3A_410 = arith.addi %mul3A_407, %add3A_409 : vector<16xi32>
      tpu.vector_store_idx %arg8[%add3A_410], %gather3A_404 masked %and3A_371 : memref<512xf32, #tpu.memory_space<vmem>>[vector<16xi32>], vector<16xf32>, vector<16xi1>
      %mul3A_411 = arith.constant 8 : i32
      %mul3A_412 = vector.broadcast %mul3A_411 : i32 to vector<16xi32>
      %mul3A_413 = arith.muli %add3A_365, %mul3A_412 : vector<16xi32>
      %add3A_414 = arith.constant 3 : i32
      %add3A_415 = vector.broadcast %add3A_414 : i32 to vector<16xi32>
      %add3A_416 = arith.addi %mul3A_413, %add3A_415 : vector<16xi32>
      %gather3A_417 = tpu.vector_load_idx %arg7[%add3A_416] masked %and3A_371 : memref<1024xf32, #tpu.memory_space<vmem>>[vector<16xi32>], vector<16xf32>, vector<16xi1>
      %mul3A_418 = arith.constant 5 : i32
      %mul3A_419 = vector.broadcast %mul3A_418 : i32 to vector<16xi32>
      %mul3A_420 = arith.muli %add3A_365, %mul3A_419 : vector<16xi32>
      %add3A_421 = arith.constant 3 : i32
      %add3A_422 = vector.broadcast %add3A_421 : i32 to vector<16xi32>
      %add3A_423 = arith.addi %mul3A_420, %add3A_422 : vector<16xi32>
      tpu.vector_store_idx %arg8[%add3A_423], %gather3A_417 masked %and3A_371 : memref<512xf32, #tpu.memory_space<vmem>>[vector<16xi32>], vector<16xf32>, vector<16xi1>
      %mul3A_424 = arith.constant 8 : i32
      %mul3A_425 = vector.broadcast %mul3A_424 : i32 to vector<16xi32>
      %mul3A_426 = arith.muli %add3A_365, %mul3A_425 : vector<16xi32>
      %add3A_427 = arith.constant 5 : i32
      %add3A_428 = vector.broadcast %add3A_427 : i32 to vector<16xi32>
      %add3A_429 = arith.addi %mul3A_426, %add3A_428 : vector<16xi32>
      %gather3A_430 = tpu.vector_load_idx %arg7[%add3A_429] masked %and3A_371 : memref<1024xf32, #tpu.memory_space<vmem>>[vector<16xi32>], vector<16xf32>, vector<16xi1>
      %mul3A_431 = arith.constant 5 : i32
      %mul3A_432 = vector.broadcast %mul3A_431 : i32 to vector<16xi32>
      %mul3A_433 = arith.muli %add3A_365, %mul3A_432 : vector<16xi32>
      %add3A_434 = arith.constant 4 : i32
      %add3A_435 = vector.broadcast %add3A_434 : i32 to vector<16xi32>
      %add3A_436 = arith.addi %mul3A_433, %add3A_435 : vector<16xi32>
      tpu.vector_store_idx %arg8[%add3A_436], %gather3A_430 masked %and3A_371 : memref<512xf32, #tpu.memory_space<vmem>>[vector<16xi32>], vector<16xf32>, vector<16xi1>
      %add3A_437 = arith.constant 80 : i32
      %add3A_438 = vector.broadcast %add3A_437 : i32 to vector<16xi32>
      %add3A_439 = arith.addi %iota3A, %add3A_438 : vector<16xi32>
      %lt3A_440 = arith.constant 100 : i32
      %lt3A_441 = vector.broadcast %lt3A_440 : i32 to vector<16xi32>
      %lt3A_442 = arith.cmpi slt, %add3A_439, %lt3A_441 : vector<16xi32>
      %lt3A_443 = vector.broadcast %while3A_70#1 : i32 to vector<16xi32>
      %lt3A_444 = arith.cmpi slt, %add3A_439, %lt3A_443 : vector<16xi32>
      %and3A_445 = arith.andi %lt3A_442, %lt3A_444 : vector<16xi1>
      %mul3A_446 = arith.constant 8 : i32
      %mul3A_447 = vector.broadcast %mul3A_446 : i32 to vector<16xi32>
      %mul3A_448 = arith.muli %add3A_439, %mul3A_447 : vector<16xi32>
      %add3A_449 = arith.constant 0 : i32
      %add3A_450 = vector.broadcast %add3A_449 : i32 to vector<16xi32>
      %add3A_451 = arith.addi %mul3A_448, %add3A_450 : vector<16xi32>
      %gather3A_452 = tpu.vector_load_idx %arg7[%add3A_451] masked %and3A_445 : memref<1024xf32, #tpu.memory_space<vmem>>[vector<16xi32>], vector<16xf32>, vector<16xi1>
      %mul3A_453 = arith.constant 5 : i32
      %mul3A_454 = vector.broadcast %mul3A_453 : i32 to vector<16xi32>
      %mul3A_455 = arith.muli %add3A_439, %mul3A_454 : vector<16xi32>
      %add3A_456 = arith.constant 0 : i32
      %add3A_457 = vector.broadcast %add3A_456 : i32 to vector<16xi32>
      %add3A_458 = arith.addi %mul3A_455, %add3A_457 : vector<16xi32>
      tpu.vector_store_idx %arg8[%add3A_458], %gather3A_452 masked %and3A_445 : memref<512xf32, #tpu.memory_space<vmem>>[vector<16xi32>], vector<16xf32>, vector<16xi1>
      %mul3A_459 = arith.constant 8 : i32
      %mul3A_460 = vector.broadcast %mul3A_459 : i32 to vector<16xi32>
      %mul3A_461 = arith.muli %add3A_439, %mul3A_460 : vector<16xi32>
      %add3A_462 = arith.constant 1 : i32
      %add3A_463 = vector.broadcast %add3A_462 : i32 to vector<16xi32>
      %add3A_464 = arith.addi %mul3A_461, %add3A_463 : vector<16xi32>
      %gather3A_465 = tpu.vector_load_idx %arg7[%add3A_464] masked %and3A_445 : memref<1024xf32, #tpu.memory_space<vmem>>[vector<16xi32>], vector<16xf32>, vector<16xi1>
      %mul3A_466 = arith.constant 5 : i32
      %mul3A_467 = vector.broadcast %mul3A_466 : i32 to vector<16xi32>
      %mul3A_468 = arith.muli %add3A_439, %mul3A_467 : vector<16xi32>
      %add3A_469 = arith.constant 1 : i32
      %add3A_470 = vector.broadcast %add3A_469 : i32 to vector<16xi32>
      %add3A_471 = arith.addi %mul3A_468, %add3A_470 : vector<16xi32>
      tpu.vector_store_idx %arg8[%add3A_471], %gather3A_465 masked %and3A_445 : memref<512xf32, #tpu.memory_space<vmem>>[vector<16xi32>], vector<16xf32>, vector<16xi1>
      %mul3A_472 = arith.constant 8 : i32
      %mul3A_473 = vector.broadcast %mul3A_472 : i32 to vector<16xi32>
      %mul3A_474 = arith.muli %add3A_439, %mul3A_473 : vector<16xi32>
      %add3A_475 = arith.constant 2 : i32
      %add3A_476 = vector.broadcast %add3A_475 : i32 to vector<16xi32>
      %add3A_477 = arith.addi %mul3A_474, %add3A_476 : vector<16xi32>
      %gather3A_478 = tpu.vector_load_idx %arg7[%add3A_477] masked %and3A_445 : memref<1024xf32, #tpu.memory_space<vmem>>[vector<16xi32>], vector<16xf32>, vector<16xi1>
      %mul3A_479 = arith.constant 5 : i32
      %mul3A_480 = vector.broadcast %mul3A_479 : i32 to vector<16xi32>
      %mul3A_481 = arith.muli %add3A_439, %mul3A_480 : vector<16xi32>
      %add3A_482 = arith.constant 2 : i32
      %add3A_483 = vector.broadcast %add3A_482 : i32 to vector<16xi32>
      %add3A_484 = arith.addi %mul3A_481, %add3A_483 : vector<16xi32>
      tpu.vector_store_idx %arg8[%add3A_484], %gather3A_478 masked %and3A_445 : memref<512xf32, #tpu.memory_space<vmem>>[vector<16xi32>], vector<16xf32>, vector<16xi1>
      %mul3A_485 = arith.constant 8 : i32
      %mul3A_486 = vector.broadcast %mul3A_485 : i32 to vector<16xi32>
      %mul3A_487 = arith.muli %add3A_439, %mul3A_486 : vector<16xi32>
      %add3A_488 = arith.constant 3 : i32
      %add3A_489 = vector.broadcast %add3A_488 : i32 to vector<16xi32>
      %add3A_490 = arith.addi %mul3A_487, %add3A_489 : vector<16xi32>
      %gather3A_491 = tpu.vector_load_idx %arg7[%add3A_490] masked %and3A_445 : memref<1024xf32, #tpu.memory_space<vmem>>[vector<16xi32>], vector<16xf32>, vector<16xi1>
      %mul3A_492 = arith.constant 5 : i32
      %mul3A_493 = vector.broadcast %mul3A_492 : i32 to vector<16xi32>
      %mul3A_494 = arith.muli %add3A_439, %mul3A_493 : vector<16xi32>
      %add3A_495 = arith.constant 3 : i32
      %add3A_496 = vector.broadcast %add3A_495 : i32 to vector<16xi32>
      %add3A_497 = arith.addi %mul3A_494, %add3A_496 : vector<16xi32>
      tpu.vector_store_idx %arg8[%add3A_497], %gather3A_491 masked %and3A_445 : memref<512xf32, #tpu.memory_space<vmem>>[vector<16xi32>], vector<16xf32>, vector<16xi1>
      %mul3A_498 = arith.constant 8 : i32
      %mul3A_499 = vector.broadcast %mul3A_498 : i32 to vector<16xi32>
      %mul3A_500 = arith.muli %add3A_439, %mul3A_499 : vector<16xi32>
      %add3A_501 = arith.constant 5 : i32
      %add3A_502 = vector.broadcast %add3A_501 : i32 to vector<16xi32>
      %add3A_503 = arith.addi %mul3A_500, %add3A_502 : vector<16xi32>
      %gather3A_504 = tpu.vector_load_idx %arg7[%add3A_503] masked %and3A_445 : memref<1024xf32, #tpu.memory_space<vmem>>[vector<16xi32>], vector<16xf32>, vector<16xi1>
      %mul3A_505 = arith.constant 5 : i32
      %mul3A_506 = vector.broadcast %mul3A_505 : i32 to vector<16xi32>
      %mul3A_507 = arith.muli %add3A_439, %mul3A_506 : vector<16xi32>
      %add3A_508 = arith.constant 4 : i32
      %add3A_509 = vector.broadcast %add3A_508 : i32 to vector<16xi32>
      %add3A_510 = arith.addi %mul3A_507, %add3A_509 : vector<16xi32>
      tpu.vector_store_idx %arg8[%add3A_510], %gather3A_504 masked %and3A_445 : memref<512xf32, #tpu.memory_space<vmem>>[vector<16xi32>], vector<16xf32>, vector<16xi1>
      %add3A_511 = arith.constant 96 : i32
      %add3A_512 = vector.broadcast %add3A_511 : i32 to vector<16xi32>
      %add3A_513 = arith.addi %iota3A, %add3A_512 : vector<16xi32>
      %lt3A_514 = arith.constant 100 : i32
      %lt3A_515 = vector.broadcast %lt3A_514 : i32 to vector<16xi32>
      %lt3A_516 = arith.cmpi slt, %add3A_513, %lt3A_515 : vector<16xi32>
      %lt3A_517 = vector.broadcast %while3A_70#1 : i32 to vector<16xi32>
      %lt3A_518 = arith.cmpi slt, %add3A_513, %lt3A_517 : vector<16xi32>
      %and3A_519 = arith.andi %lt3A_516, %lt3A_518 : vector<16xi1>
      %mul3A_520 = arith.constant 8 : i32
      %mul3A_521 = vector.broadcast %mul3A_520 : i32 to vector<16xi32>
      %mul3A_522 = arith.muli %add3A_513, %mul3A_521 : vector<16xi32>
      %add3A_523 = arith.constant 0 : i32
      %add3A_524 = vector.broadcast %add3A_523 : i32 to vector<16xi32>
      %add3A_525 = arith.addi %mul3A_522, %add3A_524 : vector<16xi32>
      %gather3A_526 = tpu.vector_load_idx %arg7[%add3A_525] masked %and3A_519 : memref<1024xf32, #tpu.memory_space<vmem>>[vector<16xi32>], vector<16xf32>, vector<16xi1>
      %mul3A_527 = arith.constant 5 : i32
      %mul3A_528 = vector.broadcast %mul3A_527 : i32 to vector<16xi32>
      %mul3A_529 = arith.muli %add3A_513, %mul3A_528 : vector<16xi32>
      %add3A_530 = arith.constant 0 : i32
      %add3A_531 = vector.broadcast %add3A_530 : i32 to vector<16xi32>
      %add3A_532 = arith.addi %mul3A_529, %add3A_531 : vector<16xi32>
      tpu.vector_store_idx %arg8[%add3A_532], %gather3A_526 masked %and3A_519 : memref<512xf32, #tpu.memory_space<vmem>>[vector<16xi32>], vector<16xf32>, vector<16xi1>
      %mul3A_533 = arith.constant 8 : i32
      %mul3A_534 = vector.broadcast %mul3A_533 : i32 to vector<16xi32>
      %mul3A_535 = arith.muli %add3A_513, %mul3A_534 : vector<16xi32>
      %add3A_536 = arith.constant 1 : i32
      %add3A_537 = vector.broadcast %add3A_536 : i32 to vector<16xi32>
      %add3A_538 = arith.addi %mul3A_535, %add3A_537 : vector<16xi32>
      %gather3A_539 = tpu.vector_load_idx %arg7[%add3A_538] masked %and3A_519 : memref<1024xf32, #tpu.memory_space<vmem>>[vector<16xi32>], vector<16xf32>, vector<16xi1>
      %mul3A_540 = arith.constant 5 : i32
      %mul3A_541 = vector.broadcast %mul3A_540 : i32 to vector<16xi32>
      %mul3A_542 = arith.muli %add3A_513, %mul3A_541 : vector<16xi32>
      %add3A_543 = arith.constant 1 : i32
      %add3A_544 = vector.broadcast %add3A_543 : i32 to vector<16xi32>
      %add3A_545 = arith.addi %mul3A_542, %add3A_544 : vector<16xi32>
      tpu.vector_store_idx %arg8[%add3A_545], %gather3A_539 masked %and3A_519 : memref<512xf32, #tpu.memory_space<vmem>>[vector<16xi32>], vector<16xf32>, vector<16xi1>
      %mul3A_546 = arith.constant 8 : i32
      %mul3A_547 = vector.broadcast %mul3A_546 : i32 to vector<16xi32>
      %mul3A_548 = arith.muli %add3A_513, %mul3A_547 : vector<16xi32>
      %add3A_549 = arith.constant 2 : i32
      %add3A_550 = vector.broadcast %add3A_549 : i32 to vector<16xi32>
      %add3A_551 = arith.addi %mul3A_548, %add3A_550 : vector<16xi32>
      %gather3A_552 = tpu.vector_load_idx %arg7[%add3A_551] masked %and3A_519 : memref<1024xf32, #tpu.memory_space<vmem>>[vector<16xi32>], vector<16xf32>, vector<16xi1>
      %mul3A_553 = arith.constant 5 : i32
      %mul3A_554 = vector.broadcast %mul3A_553 : i32 to vector<16xi32>
      %mul3A_555 = arith.muli %add3A_513, %mul3A_554 : vector<16xi32>
      %add3A_556 = arith.constant 2 : i32
      %add3A_557 = vector.broadcast %add3A_556 : i32 to vector<16xi32>
      %add3A_558 = arith.addi %mul3A_555, %add3A_557 : vector<16xi32>
      tpu.vector_store_idx %arg8[%add3A_558], %gather3A_552 masked %and3A_519 : memref<512xf32, #tpu.memory_space<vmem>>[vector<16xi32>], vector<16xf32>, vector<16xi1>
      %mul3A_559 = arith.constant 8 : i32
      %mul3A_560 = vector.broadcast %mul3A_559 : i32 to vector<16xi32>
      %mul3A_561 = arith.muli %add3A_513, %mul3A_560 : vector<16xi32>
      %add3A_562 = arith.constant 3 : i32
      %add3A_563 = vector.broadcast %add3A_562 : i32 to vector<16xi32>
      %add3A_564 = arith.addi %mul3A_561, %add3A_563 : vector<16xi32>
      %gather3A_565 = tpu.vector_load_idx %arg7[%add3A_564] masked %and3A_519 : memref<1024xf32, #tpu.memory_space<vmem>>[vector<16xi32>], vector<16xf32>, vector<16xi1>
      %mul3A_566 = arith.constant 5 : i32
      %mul3A_567 = vector.broadcast %mul3A_566 : i32 to vector<16xi32>
      %mul3A_568 = arith.muli %add3A_513, %mul3A_567 : vector<16xi32>
      %add3A_569 = arith.constant 3 : i32
      %add3A_570 = vector.broadcast %add3A_569 : i32 to vector<16xi32>
      %add3A_571 = arith.addi %mul3A_568, %add3A_570 : vector<16xi32>
      tpu.vector_store_idx %arg8[%add3A_571], %gather3A_565 masked %and3A_519 : memref<512xf32, #tpu.memory_space<vmem>>[vector<16xi32>], vector<16xf32>, vector<16xi1>
      %mul3A_572 = arith.constant 8 : i32
      %mul3A_573 = vector.broadcast %mul3A_572 : i32 to vector<16xi32>
      %mul3A_574 = arith.muli %add3A_513, %mul3A_573 : vector<16xi32>
      %add3A_575 = arith.constant 5 : i32
      %add3A_576 = vector.broadcast %add3A_575 : i32 to vector<16xi32>
      %add3A_577 = arith.addi %mul3A_574, %add3A_576 : vector<16xi32>
      %gather3A_578 = tpu.vector_load_idx %arg7[%add3A_577] masked %and3A_519 : memref<1024xf32, #tpu.memory_space<vmem>>[vector<16xi32>], vector<16xf32>, vector<16xi1>
      %mul3A_579 = arith.constant 5 : i32
      %mul3A_580 = vector.broadcast %mul3A_579 : i32 to vector<16xi32>
      %mul3A_581 = arith.muli %add3A_513, %mul3A_580 : vector<16xi32>
      %add3A_582 = arith.constant 4 : i32
      %add3A_583 = vector.broadcast %add3A_582 : i32 to vector<16xi32>
      %add3A_584 = arith.addi %mul3A_581, %add3A_583 : vector<16xi32>
      tpu.vector_store_idx %arg8[%add3A_584], %gather3A_578 masked %and3A_519 : memref<512xf32, #tpu.memory_space<vmem>>[vector<16xi32>], vector<16xf32>, vector<16xi1>
      "tpu.region"() ({
        %run_scoped3A = tpu.sem_alloc : memref<!tpu.dma_semaphore, #tpu.memory_space<semaphore_mem>>
        tpu.enqueue_dma source(%arg8 : memref<512xf32, #tpu.memory_space<vmem>>) target(%arg4 : memref<512xf32, #tpu.memory_space<hbm>>) target_semaphore(%run_scoped3A : memref<!tpu.dma_semaphore, #tpu.memory_space<semaphore_mem>>)
        tpu.wait_dma2 semaphore(%run_scoped3A : memref<!tpu.dma_semaphore, #tpu.memory_space<semaphore_mem>>) src(%arg8 : memref<512xf32, #tpu.memory_space<vmem>>) dst(%arg4 : memref<512xf32, #tpu.memory_space<hbm>>)
        tpu.yield
      }) : () -> ()
    } else {
    }
    return
  }
}

</mosaic_0001>

<sc_bundles>
// kernel: _nms_sc.3.cloned.1.call-start
scs
__scs_entry_jumppad:
0x0: {  	(pc) =	sbr.rel $0x88, $3  }
0x1: {  	(tag) =	ssettag $0x0;
	lr =	simm.s32 $0x1  }
0x2: {  	[smem:$0x3F9F] =	sst lr;
	_ =	strace $0xD0000000  }
0x3: {  	_ = 	snop  }
0x4: {  	_ = 	snop  }
0x5: {  	_ = 	snop  }
0x6: {  	_ = 	snop  }
0x7: {  	_ = 	snop  }
__scs_overlays_trampoline_lowered:
0x8: {  	[smem:$0x3FAE] =	sst s0  }
0x9: {  	[smem:$0x3FAF] =	sst s1  }
0xa: {  	[smem:$0x3FB0] =	sst s2  }
0xb: {  	[smem:$0x3FB1] =	sst s3  }
0xc: {  	[smem:$0x3FB2] =	sst s4  }
0xd: {  	[smem:$0x3FB3] =	sst s5  }
0xe: {  	[smem:$0x3FB4] =	sst s6  }
0xf: {  	[smem:$0x3FB5] =	sst s7  }
0x10: {  	[smem:$0x3FB6] =	sst s8  }
0x11: {  	[smem:$0x3FB7] =	sst s9;
	s0 =	simm.s32 @!p0 $0x0  }
0x12: {  	s1 =	sld [smem:$0x3F9D];
	s0 =	simm.s32 @p0 $0x1  }
0x13: {  	[smem:$0x3FB8] =	sst s0;
	s0 =	simm.s32 @!p1 $0x0  }
0x14: {  	s2 =	sld [smem:$0x3F9C];
	s0 =	simm.s32 @p1 $0x1  }
0x15: {  	[smem:$0x3FB9] =	sst s0;
	s0 =	simm.s32 @!p2 $0x0  }
0x16: {  	s3 =	sld [smem:$0x3FDB];
	s0 =	simm.s32 @p2 $0x1  }
0x17: {  	s4 =	simm.s32 $0x1BF5;
	[smem:$0x3FBB] =	sst s0  }
0x18: {  	s0 =	sld [smem:$0x3F9E];
	_ =	swait.ge [sflag:s4], $0x0  }
0x19: {  	s7 =	sld [smem:$0x3F9F]  }
0x1a: {  	s8 =	sadd.s32 $0xFFFFE003, lr  }
0x1b: {  	s9 =	sadd.s32 $0xFFFFFEF7, lr;
	s5 =	simm.s32 $0xFFFFFFFF;
	p2 =	slt.u32 s8, $0xFFFFF086  }
0x1c: {  	p1 =	slt.u32 s9, $0xF7A;
	s5 =	simm.s32 @!p2 $0x0  }
0x1d: {  	s5 =	simm.s32 @p1 $0x1;
	p0 =	seq.s32 s7, s2  }
0x1e: {  	s7 =	smul.u32 @!p0 $0xF7A, s2;
	p2 =	seq.s32 @!p0 s5, $0x0  }
0x1f: {  	s9 =	smul.u32 $0xF7A, s1;
	s8 =	simm.s32 @!p0 $0x1BF5;
	p2 =	por !p2, p0  }
0x20: {  	[sflag:s8] =	ssyncset.s32 @!p0 $0xFFFFF086;
	s6 =	sadd.s32 @!p0 s3, s7;
	s7 =	simm.s32 @!p0 $0x108  }
0x21: {  	s3 =	sadd.s32 s3, s9;
	s6 =	sadd.s32 @!p0 $0x88, s6;
	s7 =	simm.s32 @p2 $0x1082  }
0x22: {  	[simem:s7], [sflag:s8] =	dma.local @!p0 [hbm:s6], $0xF7A  }
0x23: {  	s9 =	sor.u32 $0xD0000000, s2;
	s6 =	simm.s32 $0x108;
	_ =	swait.ge @!p0 [sflag:s8], $0x0  }
0x24: {  	s3 =	sadd.s32 $0x88, s3;
	s6 =	simm.s32 @!p1 $0x1082;
	[sflag:s4] =	ssyncset.s32 $0xFFFFF086  }
0x25: {  	[simem:s6], [sflag:s4] =	dma.local [hbm:s3], $0xF7A  }
0x26: {  	[smem:$0x3F9F] =	sst s1;
	(tag) =	ssettag s2;
	_ =	strace s9  }
0x27: {  	s1 =	sld [smem:$0x3FAF]  }
0x28: {  	s2 =	sld [smem:$0x3FB0]  }
0x29: {  	s4 =	sld [smem:$0x3FB2]  }
0x2a: {  	p0 =	seq.s32 s5, $0x0;
	s5 =	sld [smem:$0x3FB3]  }
0x2b: {  	s6 =	sld [smem:$0x3FB4]  }
0x2c: {  	s7 =	sld [smem:$0x3FB5]  }
0x2d: {  	s3 =	simm.s32 $0x108;
	s8 =	sld [smem:$0x3FB6]  }
0x2e: {  	s3 =	simm.s32 @!p0 $0x1082;
	s9 =	sld [smem:$0x3FB7]  }
0x2f: {  	lr =	sadd.s32 s0, s3;
	s0 =	sld [smem:$0x3FAE]  }
0x30: {  	s3 =	sld [smem:$0x3FB1]  }
0x31: {  	[smem:$0x3FBA] =	sst s10  }
0x32: {  	s10 =	sld [smem:$0x3FB8];
	_ =	sdelay $0x3  }
0x33: {  	p0 =	seq.s32 s10, $0x1;
	s10 =	sld [smem:$0x3FBA];
	_ =	sdelay $0x3  }
0x34: {  	[smem:$0x3FBA] =	sst s10  }
0x35: {  	s10 =	sld [smem:$0x3FB9];
	_ =	sdelay $0x3  }
0x36: {  	p1 =	seq.s32 s10, $0x1;
	s10 =	sld [smem:$0x3FBA];
	_ =	sdelay $0x3  }
0x37: {  	[smem:$0x3FBA] =	sst s10  }
0x38: {  	s10 =	sld [smem:$0x3FBB]  }
0x39: {  	_ = 	snop;
	(pc) =	sbr.ind lr, $3  }
0x3a: {  	_ = 	snop  }
0x3b: {  	_ = 	snop  }
0x3c: {  	p2 =	seq.s32 s10, $0x1;
	s10 =	sld [smem:$0x3FBA]  }
0x3d: {  	_ =	shalt  }
0x3e: {  	_ =	shalt  }
0x3f: {  	_ =	shalt  }
0x40: {  	_ =	shalt  }
0x41: {  	_ =	shalt  }
0x42: {  	_ =	shalt  }
0x43: {  	_ =	shalt  }
0x44: {  	_ =	shalt  }
0x45: {  	_ =	shalt  }
0x46: {  	_ =	shalt  }
0x47: {  	_ =	shalt  }
0x48: {  	_ =	shalt  }
0x49: {  	_ =	shalt  }
0x4a: {  	_ =	shalt  }
0x4b: {  	_ =	shalt  }
0x4c: {  	_ =	shalt  }
0x4d: {  	_ =	shalt  }
0x4e: {  	_ =	shalt  }
0x4f: {  	_ =	shalt  }
0x50: {  	_ =	shalt  }
0x51: {  	_ =	shalt  }
0x52: {  	_ =	shalt  }
0x53: {  	_ =	shalt  }
0x54: {  	_ =	shalt  }
0x55: {  	_ =	shalt  }
0x56: {  	_ =	shalt  }
0x57: {  	_ =	shalt  }
0x58: {  	_ =	shalt  }
0x59: {  	_ =	shalt  }
0x5a: {  	_ =	shalt  }
0x5b: {  	_ =	shalt  }
0x5c: {  	_ =	shalt  }
0x5d: {  	_ =	shalt  }
0x5e: {  	_ =	shalt  }
0x5f: {  	_ =	shalt  }
0x60: {  	_ =	shalt  }
0x61: {  	_ =	shalt  }
0x62: {  	_ =	shalt  }
0x63: {  	_ =	shalt  }
0x64: {  	_ =	shalt  }
0x65: {  	_ =	shalt  }
0x66: {  	_ =	shalt  }
0x67: {  	_ =	shalt  }
0x68: {  	_ =	shalt  }
0x69: {  	_ =	shalt  }
0x6a: {  	_ =	shalt  }
0x6b: {  	_ =	shalt  }
0x6c: {  	_ =	shalt  }
0x6d: {  	_ =	shalt  }
0x6e: {  	_ =	shalt  }
0x6f: {  	_ =	shalt  }
0x70: {  	_ =	shalt  }
0x71: {  	_ =	shalt  }
0x72: {  	_ =	shalt  }
0x73: {  	_ =	shalt  }
0x74: {  	_ =	shalt  }
0x75: {  	_ =	shalt  }
0x76: {  	_ =	shalt  }
0x77: {  	_ =	shalt  }
0x78: {  	_ =	shalt  }
0x79: {  	_ =	shalt  }
0x7a: {  	_ =	shalt  }
0x7b: {  	_ =	shalt  }
0x7c: {  	_ =	shalt  }
0x7d: {  	_ =	shalt  }
0x7e: {  	_ =	shalt  }
0x7f: {  	_ =	shalt  }
0x80: {  	_ =	shalt  }
0x81: {  	_ =	shalt  }
0x82: {  	_ =	shalt  }
0x83: {  	_ =	shalt  }
0x84: {  	_ =	shalt  }
0x85: {  	_ =	shalt  }
0x86: {  	_ =	shalt  }
0x87: {  	_ =	shalt  }
.Lfunc_end0:
.L_simem_size_0:
called_computation_lowered:
.L_overlay_start_0:
0x88: {  	s0 =	sld [smem:$0x3FD9]  }
0x89: {  	s1 =	sld [smem:$0x3FFE];
	_ =	sdelay $0x3  }
0x8a: {  	s0 =	sadd.s32 s1, s0  }
0x8b: {  	[smem:$0x3FC6] =	sst s0  }
0x8c: {  	_ = 	snop  }
0x8d: {  	s0 =	sld [smem:$0x3FC9]  }
0x8e: {  	s17 =	sld [smem:$0x3FC8]  }
0x8f: {  	s2 =	sld [smem:$0x3FD0];
	(tm) =	ssettm $0x1  }
0x90: {  	s3 =	sld [smem:$0x3FFB];
	_ =	sdelay $0x3  }
0x91: {  	_ =	strace s3  }
0x92: {  	s3 =	sld [smem:$0x3FFC];
	_ =	sdelay $0x3  }
0x93: {  	_ =	strace s3  }
0x94: {  	s3 =	sld [smem:$0x3FFD];
	_ =	sdelay $0x3  }
0x95: {  	_ =	strace s3  }
0x96: {  	_ =	strace $0x8FFFFFFF  }
0x97: {  	s18 =	sld [smem:$0x3FDB];
	_ =	sdelay $0x1  }
0x98: {  	s4 =	simm.s32 $_scs_section_size  }
0x99: {  	s5 =	simm.s32 $_size__tile_overlayer_lowered;
	s6 =	simm.s32 $_tile_overlayer_lowered  }
0x9a: {  	s21 =	simm.s32 $0x1BFF;
	s20 =	sshll.u32 s6, $0x1;
	s3 =	sadd.s32 s4, s18  }
0x9b: {  	s7 =	simm.s32 $0x0;
	s19 =	sshll.u32 s5, $0x1;
	s5 =	sadd.s32 s20, s3  }
0x9c: {  	[timem:s7], [sflag:s21] =	dma.local [hbm:s5], s19  }
0x9d: {  	_ =	swait.ge [sflag:s21], s19  }
0x9e: {  	s4 =	ssub.s32 $0x0, s19;
	[sflag:s21] =	ssyncset.done $0x0  }
0x9f: {  	[sflag:s21] =	ssyncadd.s32 s4;
	_ =	sdelay $0x1  }
0xa0: {  	s22 =	simm.s32 $0x1B8B  }
0xa1: {  	_ =	swait.ge [sflag:s22], $0x1  }
0xa2: {  	[sflag:s22] =	ssyncset.done $0x0  }
0xa3: {  	s23 =	simm.s32 $0x1B8E;
	[sflag:s22] =	ssyncadd.s32 $0xFFFFFFFF  }
0xa4: {  	s24 =	simm.s32 $execute0_lowered;
	[smem:$0x3FD2] =	sst s23  }
0xa5: {  	s4 =	sshll.u32 s24, $0x1;
	_ =	strace $0x80000046;
	[dreg:$0x1] =	wrdreg $0xFFFFFFFF  }
0xa6: {  	s25 =	simm.s32 $_size_execute0_lowered;
	s3 =	sadd.s32 s3, s4;
	[dreg:$0x0] =	wrdreg $0x0  }
0xa7: {  	s4 =	sshll.u32 s25, $0x1;
	[dreg:$0x2] =	wrdreg s3  }
0xa8: {  	[dreg:$0x3] =	wrdreg s4  }
0xa9: {  	[dreg:$0x4] =	wrdreg $0xC0  }
0xaa: {  	_ =	task [dreg:s7], $0x5FFFF  }
0xab: {  	[dreg:$0x1] =	wrdreg $0xFFFFFFFF  }
0xac: {  	[dreg:$0x0] =	wrdreg $0x60  }
0xad: {  	[dreg:$0x2] =	wrdreg s0  }
0xae: {  	[dreg:$0x3] =	wrdreg s17  }
0xaf: {  	[dreg:$0x4] =	wrdreg s2  }
0xb0: {  	[dreg:$0x5] =	wrdreg $0x9  }
0xb1: {  	_ =	task.clear_ibuf [dreg:s7], $0x6FFFF;
	_ =	strace $0x90000046  }
0xb2: {  	s26 =	simm.s32 $0x9;
	_ =	strace $0x80000048  }
0xb3: {  	_ =	swait.ge [sflag:s26], $0x1  }
0xb4: {  	[sflag:s26] =	ssyncadd.s32 $0xFFFFFFFF  }
0xb5: {  	_ =	strace $0x90000048  }
0xb6: {  	_ =	sfence  }
0xb7: {  	s28 =	sld [smem:$0x0];
	_ =	sdelay $0x1  }
0xb8: {  	s29 =	srdreg.scid  }
0xb9: {  	s30 =	sshll.u32 s29, $0xD;
	s31 =	sshrl.u32 s29, $0x2  }
0xba: {  	s1 =	sand.u32 $0x1, s29;
	s2 =	sand.u32 $0x4000, s30;
	s0 =	sadd.s32 s31, s28  }
0xbb: {  	s1 =	sor.u32 s2, s1;
	s0 =	sshll.u32 s0, $0x11  }
0xbc: {  	s0 =	sor.u32 s0, s1  }
0xbd: {  	s0 =	sadd.s32 $0x8F2B, s0  }
0xbe: {  	[sflag:s0] =	ssyncadd.remote.s32 $0x1  }
0xbf: {  	_ =	sfence.sel $0xFFFF  }
0xc0: {  	[dreg:$0x0] =	wrdreg $0xFFFFFFFF;
	(pc) =	sbr.abs _section_cstart, $3  }
0xc1: {  	[dreg:$0x1] =	wrdreg $0xFFFFFFFF  }
0xc2: {  	_ =	task.clear_ibuf [dreg:s7], $0x2FFFF;
	_ =	strace $0x9FFFFFFF  }
0xc3: {  	(tm) =	ssettm $0x7FFFFFFF  }
tec
execute0_lowered:
.L_overlay_start_1:
0x0: {  	(tag) =	ssettag $0x1  }
0x1: {  	s4 =	rddreg [dreg:$0x0]  }
0x2: {  	s3 =	rddreg [dreg:$0x1]  }
0x3: {  	s1 =	rddreg [dreg:$0x2];
	s2 =	stileid.u32  }
0x4: {  	s0 =	rddreg [dreg:$0x3];
	_ =	strace $0x80000047;
	p0 =	sne.s32 s2, $0x0  }
0x5: {  	_ =	sfence.sel @p0 $0x180000  }
0x6: {  	[bflag:$0x0] =	sbarrier.arrive @p0 $0xFFFF  }
0x7: {  	_ =	strace @p0 $0x90000047  }
0x8: {  	[bflag:$0x2] =	sbarrier.arrive @p0 $0xFFFF  }
0x9: {  	_ =	shalt @p0  }
.LBB2_1:
0xa: {  	s2 =	simm.s32 $0x0  }
0xb: {  	[tilespmem:s2], [sflag:$0x1] =	stream.linear.gather [hbm4b:s4+s2], $0xA000, $0x38;
	[tilespmem:$0xBA00] =	vst v63  }
0xc: {  	s29 =	simm.s32 $0xA000  }
0xd: {  	v3 =	vimm.f32 $0.0e+00;
	[tilespmem:s29], [sflag:$0x2] =	stream.linear.gather [hbm4b:s3+s2], $0x1400, $0x38;
	[tilespmem:$0xBA00] =	vst v63  }
0xe: {  	[tilespmem:$0xB800] =	vst v3  }
0xf: {  	[tilespmem:$0xB810] =	vst v3  }
0x10: {  	[tilespmem:$0xB820] =	vst v3  }
0x11: {  	[tilespmem:$0xB830] =	vst v3  }
0x12: {  	[tilespmem:$0xB840] =	vst v3  }
0x13: {  	[tilespmem:$0xB850] =	vst v3  }
0x14: {  	[tilespmem:$0xB860] =	vst v3  }
0x15: {  	[tilespmem:$0xB870] =	vst v3  }
0x16: {  	[tilespmem:$0xB880] =	vst v3  }
0x17: {  	[tilespmem:$0xB890] =	vst v3  }
0x18: {  	[tilespmem:$0xB8A0] =	vst v3  }
0x19: {  	[tilespmem:$0xB8B0] =	vst v3  }
0x1a: {  	[tilespmem:$0xB8C0] =	vst v3  }
0x1b: {  	[tilespmem:$0xB8D0] =	vst v3  }
0x1c: {  	[tilespmem:$0xB8E0] =	vst v3  }
0x1d: {  	[tilespmem:$0xB8F0] =	vst v3  }
0x1e: {  	[tilespmem:$0xB900] =	vst v3  }
0x1f: {  	[tilespmem:$0xB910] =	vst v3  }
0x20: {  	[tilespmem:$0xB920] =	vst v3  }
0x21: {  	[tilespmem:$0xB930] =	vst v3  }
0x22: {  	[tilespmem:$0xB940] =	vst v3  }
0x23: {  	[tilespmem:$0xB950] =	vst v3  }
0x24: {  	[tilespmem:$0xB960] =	vst v3  }
0x25: {  	[tilespmem:$0xB970] =	vst v3  }
0x26: {  	[tilespmem:$0xB980] =	vst v3  }
0x27: {  	[tilespmem:$0xB990] =	vst v3  }
0x28: {  	[tilespmem:$0xB9A0] =	vst v3  }
0x29: {  	[tilespmem:$0xB9B0] =	vst v3  }
0x2a: {  	[tilespmem:$0xB9C0] =	vst v3  }
0x2b: {  	vm4 =	vmxor vm4, vm4;
	[tilespmem:$0xB9D0] =	vst v3  }
0x2c: {  	v0 =	vimm.s32 $0x0;
	v1 =	vimm.s32 $0x1;
	v2 =	vimm.s32 $0x2;
	[tilespmem:$0xB9E0] =	vst v3  }
0x2d: {  	s30 =	simm.s32 $0x1;
	v4 =	vimm.s32 $0x4;
	v5 =	vimm.s32 $0x5;
	v6 =	vimm.s32 $0x6;
	[tilespmem:$0xB9F0] =	vst v3  }
0x2e: {  	vm7 =	vcmask $0x3F1C;
	v7 =	vimm.s32 $0x7;
	vm8 =	vcmask $0x3F20;
	_ =	swait.ge [sflag:s30], $0xA000  }
.Ltmp0:
0x2f: {  	v8 =	vimm.s32 $0x8;
	vm9 =	vcmask $0x3F24;
	v9 =	vimm.s32 $0x9;
	[sflag:s30] =	ssyncset.done $0x0;
	(pc) =	sbr.rel .LBB2_2-.Ltmp0, $4  }
0x30: {  	s31 =	simm.s32 $0x2;
	vm10 =	vcmask $0x3F28;
	v10 =	vimm.s32 $0xA;
	vm11 =	vcmask $0x3F2C;
	[sflag:s30] =	ssyncadd.s32 $0xFFFF6000  }
0x31: {  	v11 =	vimm.s32 $0xB;
	vm12 =	vcmask $0x3F30;
	v12 =	vimm.s32 $0xC;
	_ =	swait.ge [sflag:s31], $0x1400  }
0x32: {  	vm13 =	vcmask $0x3F34;
	v13 =	vimm.s32 $0xD;
	vm14 =	vcmask $0x3F38;
	s5 =	simm.s32 $0x0;
	[sflag:s31] =	ssyncset.done $0x0  }
0x33: {  	v14 =	vimm.s32 $0xE;
	vm15 =	vcmask $0x3F3C;
	s4 =	simm.s32 $0xB400;
	s3 =	simm.s32 $0x0;
	v3 =	vimm.s32 $0x3;
	[sflag:s31] =	ssyncadd.s32 $0xFFFFEC00  }
.LBB2_3:
0x34: {  	vm0 =	vgt.f32 v19, $5.000000070e-02  }
.LBB2_7:
0x35: {  	v21 =	vperm.xlane v18, v0  }
0x36: {  	v22 =	vperm.xlane v16, v0;
	v23 =	vperm.xlane v17, v0  }
0x37: {  	v24 =	vperm.xlane v15, v0;
	v51 =	vperm.xlane v20, v0  }
0x38: {  	v53 =	vperm.xlane v18, v1;
	v54 =	vperm.xlane v16, v1  }
0x39: {  	v25 =	vperm.xlane v17, v1;
	v26 =	vperm.xlane v15, v1  }
0x3a: {  	v57 =	vperm.xlane v20, v1;
	v61 =	vperm.xlane v18, v2  }
0x3b: {  	v62 =	vperm.xlane v16, v2;
	v63 =	vperm.xlane v17, v2  }
0x3c: {  	v27 =	vperm.xlane v15, v2;
	v30 =	vperm.xlane v20, v2  }
0x3d: {  	v33 =	vperm.xlane v18, v3;
	v34 =	vperm.xlane v16, v3  }
0x3e: {  	v35 =	vperm.xlane v17, v3;
	v36 =	vperm.xlane v15, v3  }
0x3f: {  	v37 =	vperm.xlane v20, v3;
	v40 =	vperm.xlane v18, v4  }
0x40: {  	v41 =	vperm.xlane v16, v4;
	v42 =	vperm.xlane v17, v4  }
0x41: {  	v43 =	vperm.xlane v15, v4;
	v44 =	vperm.xlane v20, v4  }
0x42: {  	v56 =	vsel vm0, $0x1, v0;
	v47 =	vperm.xlane v18, v5;
	v48 =	vperm.xlane v16, v5  }
0x43: {  	v49 =	vperm.xlane v17, v5;
	v58 =	vperm.xlane v56, v0  }
0x44: {  	v22 =	vmin.f32 v16, v22;
	v21 =	vmax.f32 v18, v21;
	v24 =	vmin.f32 v15, v24  }
0x45: {  	v23 =	vmax.f32 v17, v23;
	v52 =	vadd.f32 v51, v20;
	v26 =	vmin.f32 v15, v26  }
0x46: {  	v25 =	vmax.f32 v17, v25;
	v60 =	vadd.f32 v57, v20;
	v27 =	vmin.f32 v15, v27  }
0x47: {  	v32 =	vadd.f32 v30, v20;
	v39 =	vadd.f32 v37, v20;
	v51 =	vperm.xlane v20, v5  }
0x48: {  	v46 =	vadd.f32 v44, v20;
	v57 =	vperm.xlane v15, v6;
	v30 =	vperm.xlane v15, v7  }
0x49: {  	v37 =	vperm.xlane v15, v8;
	v44 =	vperm.xlane v15, v9;
	v21 =	vsub.f32 v22, v21  }
0x4a: {  	v50 =	vsub.f32 v24, v23;
	v24 =	vmin.f32 v16, v54;
	v23 =	vmax.f32 v18, v53  }
0x4b: {  	v55 =	vsub.f32 v26, v25;
	vm1 =	vne.s32 v58, $0x0;
	v54 =	vperm.xlane v18, v6  }
0x4c: {  	v26 =	vmin.f32 v16, v62;
	v58 =	vperm.xlane v20, v6;
	v62 =	vperm.xlane v16, v7  }
0x4d: {  	v23 =	vsub.f32 v24, v23;
	v21 =	vmax.f32 v21, $0.0e+00;
	v22 =	vmax.f32 v50, $0.0e+00  }
0x4e: {  	v53 =	vadd.f32 v51, v20;
	v51 =	vperm.xlane v15, v10;
	v21 =	vmul.f32 v22, v21  }
0x4f: {  	v24 =	vmax.f32 v55, $0.0e+00;
	v50 =	vperm.xlane v15, v5;
	v23 =	vmax.f32 v23, $0.0e+00  }
0x50: {  	v59 =	vmul.f32 v24, v23;
	v24 =	vmax.f32 v18, v61;
	v22 =	vsub.f32 v52, v21  }
0x51: {  	v55 =	vperm.xlane v16, v6;
	v61 =	vperm.xlane v18, v7;
	v24 =	vsub.f32 v26, v24  }
0x52: {  	v26 =	vmin.f32 v16, v34;
	v23 =	vsub.f32 v60, v59;
	v22 =	vmul.f32 $5.000000000e-01, v22  }
0x53: {  	v34 =	vperm.xlane v18, v8;
	v60 =	vadd.f32 v58, v20;
	v58 =	vperm.xlane v15, v11  }
0x54: {  	v24 =	vmax.f32 v24, $0.0e+00;
	v23 =	vmul.f32 $5.000000000e-01, v23;
	vm0 =	vgt.f32 v21, v22  }
0x55: {  	v21 =	vmax.f32 v17, v63;
	v22 =	vmax.f32 v17, v35;
	v63 =	vperm.xlane v17, v7  }
0x56: {  	v35 =	vperm.xlane v16, v8;
	vm0 =	vmand vm0, vm1;
	vm1 =	vcmask $0x3F04  }
0x57: {  	v21 =	vsub.f32 v27, v21;
	v27 =	vmin.f32 v15, v36;
	v36 =	vperm.xlane v17, v8  }
0x58: {  	vm0 =	vmand vm0, vm1;
	v22 =	vsub.f32 v27, v22;
	v27 =	vmin.f32 v15, v43  }
0x59: {  	v43 =	vperm.xlane v17, v9;
	v25 =	vsel vm0, $0x0, v56;
	v21 =	vmax.f32 v21, $0.0e+00  }
0x5a: {  	vm0 =	vgt.f32 v59, v23;
	v56 =	vperm.xlane v17, v6;
	v31 =	vperm.xlane v25, v1  }
0x5b: {  	v21 =	vmul.f32 v21, v24;
	v24 =	vmax.f32 v18, v33;
	v22 =	vmax.f32 v22, $0.0e+00  }
0x5c: {  	v24 =	vsub.f32 v26, v24;
	v26 =	vmin.f32 v16, v41;
	v41 =	vperm.xlane v18, v9  }
0x5d: {  	vm1 =	vne.s32 v31, $0x0;
	v23 =	vsub.f32 v32, v21;
	v31 =	vperm.xlane v20, v7  }
0x5e: {  	vm0 =	vmand vm0, vm1;
	vm1 =	vcmask $0x3F08;
	v24 =	vmax.f32 v24, $0.0e+00  }
0x5f: {  	vm0 =	vmand vm0, vm1;
	v23 =	vmul.f32 $5.000000000e-01, v23;
	v22 =	vmul.f32 v22, v24  }
0x60: {  	v24 =	vmax.f32 v18, v40;
	v33 =	vadd.f32 v31, v20;
	v31 =	vperm.xlane v15, v12  }
0x61: {  	v25 =	vsel vm0, $0x0, v25;
	v24 =	vsub.f32 v26, v24;
	v26 =	vmin.f32 v16, v48  }
0x62: {  	v48 =	vperm.xlane v18, v10;
	vm0 =	vgt.f32 v21, v23;
	v38 =	vperm.xlane v25, v2  }
0x63: {  	v23 =	vsub.f32 v39, v22;
	v21 =	vmax.f32 v17, v42;
	v42 =	vperm.xlane v16, v9  }
0x64: {  	v21 =	vsub.f32 v27, v21;
	v24 =	vmax.f32 v24, $0.0e+00;
	v27 =	vmin.f32 v15, v50  }
0x65: {  	v50 =	vperm.xlane v17, v10;
	vm1 =	vne.s32 v38, $0x0;
	v38 =	vperm.xlane v20, v8  }
0x66: {  	vm0 =	vmand vm0, vm1;
	vm1 =	vcmask $0x3F0C;
	v21 =	vmax.f32 v21, $0.0e+00  }
0x67: {  	v23 =	vmul.f32 $5.000000000e-01, v23;
	vm0 =	vmand vm0, vm1;
	v21 =	vmul.f32 v21, v24  }
0x68: {  	v24 =	vmax.f32 v18, v47;
	v40 =	vadd.f32 v38, v20;
	v38 =	vperm.xlane v17, v13  }
0x69: {  	v25 =	vsel vm0, $0x0, v25;
	vm0 =	vgt.f32 v22, v23;
	v22 =	vmax.f32 v17, v49  }
0x6a: {  	v24 =	vsub.f32 v26, v24;
	v26 =	vmin.f32 v16, v55;
	v49 =	vperm.xlane v16, v10  }
0x6b: {  	v55 =	vperm.xlane v18, v11;
	v45 =	vperm.xlane v25, v3;
	v23 =	vsub.f32 v46, v21  }
0x6c: {  	v22 =	vsub.f32 v27, v22;
	v27 =	vmin.f32 v15, v57;
	v57 =	vperm.xlane v17, v11  }
0x6d: {  	v24 =	vmax.f32 v24, $0.0e+00;
	vm1 =	vne.s32 v45, $0x0;
	v23 =	vmul.f32 $5.000000000e-01, v23  }
0x6e: {  	v22 =	vmax.f32 v22, $0.0e+00;
	v45 =	vperm.xlane v20, v9;
	vm0 =	vmand vm0, vm1  }
0x6f: {  	vm1 =	vcmask $0x3F10;
	v22 =	vmul.f32 v22, v24;
	v24 =	vmax.f32 v18, v54  }
0x70: {  	vm0 =	vmand vm0, vm1;
	v24 =	vsub.f32 v26, v24;
	v26 =	vmin.f32 v16, v62  }
0x71: {  	v47 =	vadd.f32 v45, v20;
	v62 =	vperm.xlane v18, v12;
	v45 =	vperm.xlane v16, v14  }
0x72: {  	v25 =	vsel vm0, $0x0, v25;
	vm0 =	vgt.f32 v21, v23;
	v21 =	vmax.f32 v17, v56  }
0x73: {  	v23 =	vsub.f32 v53, v22;
	v52 =	vperm.xlane v25, v4;
	v21 =	vsub.f32 v27, v21  }
0x74: {  	v56 =	vperm.xlane v16, v11;
	v24 =	vmax.f32 v24, $0.0e+00;
	v27 =	vmin.f32 v15, v30  }
0x75: {  	v30 =	vperm.xlane v17, v12;
	vm1 =	vne.s32 v52, $0x0;
	v21 =	vmax.f32 v21, $0.0e+00  }
0x76: {  	v52 =	vperm.xlane v20, v10;
	vm0 =	vmand vm0, vm1;
	vm1 =	vcmask $0x3F14  }
0x77: {  	v21 =	vmul.f32 v21, v24;
	v24 =	vmax.f32 v18, v61;
	vm0 =	vmand vm0, vm1  }
0x78: {  	v23 =	vmul.f32 $5.000000000e-01, v23;
	v24 =	vsub.f32 v26, v24;
	v25 =	vsel vm0, $0x0, v25  }
0x79: {  	v26 =	vmin.f32 v16, v35;
	v54 =	vadd.f32 v52, v20;
	v59 =	vperm.xlane v25, v5  }
0x7a: {  	vm0 =	vgt.f32 v22, v23;
	v23 =	vsub.f32 v60, v21;
	v22 =	vmax.f32 v17, v63  }
0x7b: {  	v63 =	vperm.xlane v16, v12;
	v22 =	vsub.f32 v27, v22;
	vm1 =	vne.s32 v59, $0x0  }
0x7c: {  	v24 =	vmax.f32 v24, $0.0e+00;
	vm0 =	vmand vm0, vm1;
	vm1 =	vcmask $0x3F18  }
0x7d: {  	v27 =	vmin.f32 v15, v37;
	v37 =	vperm.xlane v16, v13;
	vm0 =	vmand vm0, vm1  }
0x7e: {  	v23 =	vmul.f32 $5.000000000e-01, v23;
	v22 =	vmax.f32 v22, $0.0e+00;
	v25 =	vsel vm0, $0x0, v25  }
0x7f: {  	v22 =	vmul.f32 v22, v24;
	v24 =	vmax.f32 v18, v34;
	v32 =	vperm.xlane v25, v6  }
0x80: {  	v59 =	vperm.xlane v20, v11;
	v24 =	vsub.f32 v26, v24;
	v26 =	vmin.f32 v16, v42  }
0x81: {  	vm0 =	vgt.f32 v21, v23;
	v23 =	vsub.f32 v33, v22;
	vm1 =	vne.s32 v32, $0x0  }
0x82: {  	v21 =	vmax.f32 v17, v36;
	v36 =	vperm.xlane v18, v13;
	vm0 =	vmand vm0, vm1  }
0x83: {  	v21 =	vsub.f32 v27, v21;
	v24 =	vmax.f32 v24, $0.0e+00;
	vm0 =	vmand vm0, vm7  }
0x84: {  	v27 =	vmin.f32 v15, v44;
	v44 =	vperm.xlane v18, v14;
	v25 =	vsel vm0, $0x0, v25  }
0x85: {  	v23 =	vmul.f32 $5.000000000e-01, v23;
	v21 =	vmax.f32 v21, $0.0e+00;
	v39 =	vperm.xlane v25, v7  }
0x86: {  	v61 =	vadd.f32 v59, v20;
	v32 =	vperm.xlane v20, v12;
	v21 =	vmul.f32 v21, v24  }
0x87: {  	v24 =	vmax.f32 v18, v41;
	vm0 =	vgt.f32 v22, v23;
	vm1 =	vne.s32 v39, $0x0  }
0x88: {  	v24 =	vsub.f32 v26, v24;
	v22 =	vmax.f32 v17, v43;
	vm0 =	vmand vm0, vm1  }
0x89: {  	v23 =	vsub.f32 v40, v21;
	v22 =	vsub.f32 v27, v22;
	vm0 =	vmand vm0, vm8  }
0x8a: {  	v41 =	vperm.xlane v20, v13;
	v24 =	vmax.f32 v24, $0.0e+00;
	v25 =	vsel vm0, $0x0, v25  }
0x8b: {  	v23 =	vmul.f32 $5.000000000e-01, v23;
	v22 =	vmax.f32 v22, $0.0e+00;
	v46 =	vperm.xlane v25, v8  }
0x8c: {  	v26 =	vmin.f32 v16, v49;
	v27 =	vmin.f32 v15, v51;
	v22 =	vmul.f32 v22, v24  }
0x8d: {  	v24 =	vmax.f32 v18, v48;
	vm0 =	vgt.f32 v21, v23;
	vm1 =	vne.s32 v46, $0x0  }
0x8e: {  	v24 =	vsub.f32 v26, v24;
	v21 =	vmax.f32 v17, v50;
	vm0 =	vmand vm0, vm1  }
0x8f: {  	v23 =	vsub.f32 v47, v22;
	v21 =	vsub.f32 v27, v21;
	vm0 =	vmand vm0, vm9  }
0x90: {  	v34 =	vadd.f32 v32, v20;
	v24 =	vmax.f32 v24, $0.0e+00;
	v25 =	vsel vm0, $0x0, v25  }
0x91: {  	v23 =	vmul.f32 $5.000000000e-01, v23;
	v21 =	vmax.f32 v21, $0.0e+00;
	v53 =	vperm.xlane v25, v9  }
0x92: {  	v26 =	vmin.f32 v16, v56;
	v27 =	vmin.f32 v15, v58;
	v21 =	vmul.f32 v21, v24  }
0x93: {  	v24 =	vmax.f32 v18, v55;
	vm0 =	vgt.f32 v22, v23;
	vm1 =	vne.s32 v53, $0x0  }
0x94: {  	v24 =	vsub.f32 v26, v24;
	v22 =	vmax.f32 v17, v57;
	vm0 =	vmand vm0, vm1  }
0x95: {  	v23 =	vsub.f32 v54, v21;
	v22 =	vsub.f32 v27, v22;
	vm0 =	vmand vm0, vm10  }
0x96: {  	v39 =	vperm.xlane v15, v13;
	v24 =	vmax.f32 v24, $0.0e+00;
	v25 =	vsel vm0, $0x0, v25  }
0x97: {  	v23 =	vmul.f32 $5.000000000e-01, v23;
	v22 =	vmax.f32 v22, $0.0e+00;
	v60 =	vperm.xlane v25, v10  }
0x98: {  	v26 =	vmin.f32 v16, v63;
	v27 =	vmin.f32 v15, v31;
	v22 =	vmul.f32 v22, v24  }
0x99: {  	v24 =	vmax.f32 v18, v62;
	vm0 =	vgt.f32 v21, v23;
	vm1 =	vne.s32 v60, $0x0  }
0x9a: {  	v24 =	vsub.f32 v26, v24;
	v21 =	vmax.f32 v17, v30;
	vm0 =	vmand vm0, vm1  }
0x9b: {  	v23 =	vsub.f32 v61, v22;
	v21 =	vsub.f32 v27, v21;
	vm0 =	vmand vm0, vm11  }
0x9c: {  	v47 =	vperm.xlane v15, v14;
	v24 =	vmax.f32 v24, $0.0e+00;
	v25 =	vsel vm0, $0x0, v25  }
0x9d: {  	v23 =	vmul.f32 $5.000000000e-01, v23;
	v21 =	vmax.f32 v21, $0.0e+00;
	v33 =	vperm.xlane v25, v11  }
0x9e: {  	v50 =	vperm.xlane v20, v14;
	v26 =	vmax.f32 v17, v38;
	v21 =	vmul.f32 v21, v24  }
0x9f: {  	v27 =	vmin.f32 v15, v39;
	vm0 =	vgt.f32 v22, v23;
	vm1 =	vne.s32 v33, $0x0  }
0xa0: {  	v40 =	vsub.f32 v27, v26;
	v35 =	vsub.f32 v34, v21;
	vm0 =	vmand vm0, vm1  }
0xa1: {  	v24 =	vmin.f32 v16, v37;
	v23 =	vmax.f32 v18, v36;
	vm0 =	vmand vm0, vm12  }
0xa2: {  	v23 =	vsub.f32 v24, v23;
	v22 =	vmul.f32 $5.000000000e-01, v35;
	v25 =	vsel vm0, $0x0, v25  }
0xa3: {  	v46 =	vperm.xlane v17, v14;
	v27 =	vmin.f32 v15, v47;
	v28 =	vperm.xlane v25, v12  }
0xa4: {  	v43 =	vmax.f32 v40, $0.0e+00;
	v42 =	vmax.f32 v23, $0.0e+00;
	vm0 =	vgt.f32 v21, v22  }
0xa5: {  	v22 =	vmul.f32 v43, v42;
	v21 =	vadd.f32 v41, v20;
	vm1 =	vne.s32 v28, $0x0  }
0xa6: {  	v26 =	vmax.f32 v17, v46;
	v24 =	vmin.f32 v16, v45;
	vm0 =	vmand vm0, vm1  }
0xa7: {  	v23 =	vmax.f32 v18, v44;
	v21 =	vsub.f32 v21, v22;
	vm0 =	vmand vm0, vm13  }
0xa8: {  	v48 =	vsub.f32 v27, v26;
	v23 =	vsub.f32 v24, v23;
	v25 =	vsel vm0, $0x0, v25  }
0xa9: {  	v21 =	vmul.f32 $5.000000000e-01, v21;
	v49 =	vperm.xlane v25, v13  }
0xaa: {  	v53 =	vadd.f32 v50, v20;
	v52 =	vmax.f32 v48, $0.0e+00;
	v51 =	vmax.f32 v23, $0.0e+00  }
0xab: {  	vm0 =	vgt.f32 v22, v21;
	v21 =	vmul.f32 v52, v51;
	vm1 =	vne.s32 v49, $0x0  }
0xac: {  	vm0 =	vmand vm0, vm1  }
0xad: {  	v22 =	vsub.f32 v53, v21;
	vm0 =	vmand vm0, vm14  }
0xae: {  	v54 =	vsel vm0, $0x0, v25  }
0xaf: {  	v22 =	vmul.f32 $5.000000000e-01, v22;
	v55 =	vperm.xlane v54, v14;
	_ =	sdelay $0x1  }
0xb0: {  	vm0 =	vgt.f32 v21, v22;
	vm1 =	vne.s32 v55, $0x0  }
0xb1: {  	vm0 =	vmand vm0, vm1  }
0xb2: {  	vm0 =	vmand vm0, vm15  }
0xb3: {  	v56 =	vsel vm0, $0x0, v54  }
0xb4: {  	vm0 =	vne.s32 v56, $0x0  }
0xb5: {  	v57 =	vmpcnt.ones.xlane vm0;
	_ =	sdelay $0x1  }
0xb6: {  	(v2sf) =	vpush v57, $0x0  }
0xb7: {  	(v2sf) =	vpush v19, $0xF;
	_ =	sdelay $0x6  }
0xb8: {  	(xrf0) =	vadd.scan.msk.s32 $0xffff, v56;
	_ =	sdelay $0x5  }
0xb9: {  	v21, _, _ =	vpop (xrf0)  }
0xba: {  	v21 =	vadd.s32 s3, v21;
	s6 =	spop (v2sf)  }
0xbb: {  	v21 =	vshll.u32 v21, $0x3;
	s7 =	spop (v2sf)  }
0xbc: {  	v58 =	vadd.s32 $0xFFFFFFF8, v21;
	p0 =	sgt.f32 s7, $5.000000070e-02  }
0xbd: {  	v59 =	vadd.s32 $0xFFFFFFF9, v21  }
0xbe: {  	v60 =	vadd.s32 $0xFFFFFFFA, v21;
	p1 =	sgt.u32 @p0 s5, $0x137  }
0xbf: {  	v61 =	vadd.s32 $0xFFFFFFFB, v21;
	s3 =	sadd.s32 s3, s6;
	p0 =	por !p0, p1  }
0xc0: {  	v62 =	vadd.s32 $0xFFFFFFFC, v21;
	p1 =	slt.s32 @!p0 s3, $0x64  }
0xc1: {  	v63 =	vadd.s32 $0xFFFFFFFD, v21;
	[tilespmem:v58+s4+$0x0] =	vst.idx.msk vm0, v18;
	p0 =	por p0, !p1  }
.Ltmp1:
0xc2: {  	[tilespmem:v59+s4+$0x0] =	vst.idx.msk vm0, v17;
	(pc) =	sbr.rel @p0 .LBB2_8-.Ltmp1, $4  }
0xc3: {  	[tilespmem:v60+s4+$0x0] =	vst.idx.msk vm0, v16  }
0xc4: {  	[tilespmem:v61+s4+$0x0] =	vst.idx.msk vm0, v15  }
0xc5: {  	[tilespmem:v62+s4+$0x0] =	vst.idx.msk vm0, v20  }
0xc6: {  	[tilespmem:v63+s4+$0x0] =	vst.idx.msk vm0, v19;
	s5 =	sadd.s32 $0x1, s5  }
.LBB2_2:
0xc7: {  	s6 =	sshll.u32 s5, $0x4  }
0xc8: {  	s6 =	sand.u32 $0x3FFFFFF0, s6  }
0xc9: {  	v15 =	vld [tilespmem:s6+$0xA000];
	_ =	sdelay $0x4  }
0xca: {  	v16 =	vshll.u32 v15, $0x3  }
0xcb: {  	v15 =	vand.u32 $0x7F, v15;
	v16 =	vand.u32 $0xFFFFFC00, v16  }
0xcc: {  	v19 =	vor.u32 v15, v16  }
0xcd: {  	v15 =	vor.u32 $0x80, v19  }
0xce: {  	v16 =	vor.u32 $0x100, v19  }
0xcf: {  	s30 =	sadd.s32 $0x3, s3;
	v20 =	vor.u32 $0x180, v19  }
0xd0: {  	s7 =	sand.u32 $0x3, s30  }
0xd1: {  	p1 =	slt.s32 s3, $0xFFFFFFFE;
	s31 =	sshra.s32 s30, $0x1F;
	p0 =	sne.s32 s7, $0x0;
	v18 =	vld.idx.msk [tilespmem:v19+s2+$0x0], $0xffff  }
0xd2: {  	s7 =	sshrl.u32 s31, $0x1E;
	p0 =	por !p1, !p0;
	v19 =	vor.u32 $0x200, v19;
	v17 =	vld.idx.msk [tilespmem:v15+s2+$0x0], $0xffff  }
0xd3: {  	s6 =	sadd.s32 s7, s30;
	s7 =	simm.s32 $0x1;
	p0 =	por !p0, !p0;
	v16 =	vld.idx.msk [tilespmem:v16+s2+$0x0], $0xffff  }
0xd4: {  	s6 =	sshra.s32 s6, $0x2;
	s7 =	simm.s32 @!p0 $0x0;
	v15 =	vld.idx.msk [tilespmem:v20+s2+$0x0], $0xffff  }
0xd5: {  	s7 =	ssub.s32 s6, s7  }
0xd6: {  	p0 =	slt.s32 s7, $0x1  }
.Ltmp2:
0xd7: {  	v19 =	vld.idx.msk [tilespmem:v19+s2+$0x0], $0xffff;
	(pc) =	sbr.rel @p0 .LBB2_3-.Ltmp2, $3  }
0xd8: {  	_ = 	snop  }
0xd9: {  	v20 =	vsub.f32 v16, v18;
	v21 =	vsub.f32 v15, v17;
	_ =	sdelay $0x1  }
0xda: {  	v20 =	vmul.f32 v21, v20  }
0xdb: {  	s6 =	simm.s32 $0xB410  }
0xdc: {  	v21 =	vld [tilespmem:s6+$0x0]  }
0xdd: {  	v23 =	vld [tilespmem:s6+$0xFFFFFFF0];
	_ =	sdelay $0x3  }
0xde: {  	v25 =	vbroadcast v21, $0x2  }
0xdf: {  	v22 =	vbroadcast v21, $0x8;
	v26 =	vbroadcast v23, $0xA  }
0xe0: {  	v24 =	vbroadcast v21, $0x4;
	v27 =	vbroadcast v23, $0xB  }
0xe1: {  	v28 =	vbroadcast v23, $0x2;
	v29 =	vbroadcast v23, $0x3  }
0xe2: {  	v30 =	vbroadcast v23, $0x1;
	v31 =	vbroadcast v23, $0x0  }
0xe3: {  	v32 =	vbroadcast v21, $0x9;
	v33 =	vbroadcast v23, $0x4  }
0xe4: {  	v61 =	vbroadcast v21, $0x0;
	v34 =	vbroadcast v23, $0x9  }
0xe5: {  	v62 =	vbroadcast v21, $0xA;
	v25 =	vmin.f32 v16, v25;
	v28 =	vmin.f32 v16, v28  }
0xe6: {  	v29 =	vmin.f32 v15, v29;
	v30 =	vmax.f32 v17, v30;
	v31 =	vmax.f32 v18, v31  }
0xe7: {  	v26 =	vmin.f32 v16, v26;
	v29 =	vsub.f32 v29, v30;
	v28 =	vsub.f32 v28, v31  }
0xe8: {  	v33 =	vadd.f32 v33, v20;
	v36 =	vmin.f32 v15, v27;
	v31 =	vbroadcast v21, $0xB  }
0xe9: {  	v34 =	vmax.f32 v17, v34;
	v29 =	vmax.f32 v29, $0.0e+00;
	v28 =	vmax.f32 v28, $0.0e+00  }
0xea: {  	v30 =	vmax.f32 v17, v32;
	v31 =	vmin.f32 v15, v31;
	v35 =	vmul.f32 v29, v28  }
0xeb: {  	p2 =	sne.s32 s7, $0x1;
	v27 =	vsub.f32 v31, v30;
	v28 =	vmax.f32 v18, v61;
	v31 =	vbroadcast v21, $0x3  }
.Ltmp3:
0xec: {  	v30 =	vbroadcast v23, $0xC;
	v25 =	vsub.f32 v25, v28;
	v29 =	vsub.f32 v33, v35;
	(pc) =	sbr.rel @!p2 .LBB2_6-.Ltmp3, $4  }
0xed: {  	v28 =	vbroadcast v21, $0x1;
	v27 =	vmax.f32 v27, $0.0e+00;
	v63 =	vmin.f32 v15, v31  }
0xee: {  	p1 =	sgt.s32 s3, $0x3;
	v31 =	vsub.f32 v36, v34;
	v33 =	vmul.f32 $5.000000000e-01, v29;
	v29 =	vmax.f32 v25, $0.0e+00  }
0xef: {  	p0 =	sgt.s32 s3, $0x2;
	s7 =	sadd.s32 $0xFFFFFFFF, s7;
	s8 =	simm.s32 $0x7;
	v25 =	vmax.f32 v17, v28;
	v28 =	vadd.f32 v30, v20;
	v30 =	vmin.f32 v16, v62  }
0xf0: {  	s9 =	simm.s32 $0xB430;
	s6 =	simm.s32 $0x3;
	p1 =	por p1, p1;
	v32 =	vsub.f32 v63, v25;
	v25 =	vimm.s32 $0x0;
	vm1 =	vgt.f32 v35, v33  }
.LBB2_5:
0xf1: {  	v33 =	vbroadcast v23, $0x8;
	v34 =	vbroadcast v21, $0xC  }
0xf2: {  	s10 =	sadd.s32 $0xFFFFFFFF, s8;
	p3 =	slt.s32 s8, s3;
	p2 =	sne.s32 s7, $0x1;
	v21 =	vld [tilespmem:s9+$0x0];
	vm2 =	vmmov vm4;
	vm0 =	vmmov vm4;
	v24 =	vadd.f32 v24, v20  }
0xf3: {  	s7 =	sadd.s32 $0xFFFFFFFF, s7;
	s6 =	sadd.s32 $0xFFFFFFFE, s6;
	v23 =	vld [tilespmem:s9+$0xFFFFFFF0];
	v32 =	vmax.f32 v32, $0.0e+00;
	vm2 =	vmneg @p0 vm2;
	p0 =	slt.s32 s10, s3;
	vm0 =	vmneg @p1 vm0  }
0xf4: {  	vm3 =	vmmov vm4;
	p4 =	slt.s32 s6, s3;
	s6 =	smov.u32 s8;
	p1 =	por p3, p3;
	v33 =	vmax.f32 v18, v33;
	v29 =	vmul.f32 v32, v29  }
0xf5: {  	v32 =	vadd.f32 v34, v20;
	vm3 =	vmneg @p4 vm3;
	v26 =	vsub.f32 v26, v33  }
0xf6: {  	v31 =	vmax.f32 v31, $0.0e+00;
	v33 =	vsub.f32 v24, v29;
	v24 =	vmax.f32 v18, v22  }
0xf7: {  	v34 =	vbroadcast v21, $0x2;
	v22 =	vbroadcast v21, $0x8;
	v30 =	vsub.f32 v30, v24  }
0xf8: {  	v24 =	vbroadcast v21, $0x4;
	v26 =	vmax.f32 v26, $0.0e+00;
	v35 =	vbroadcast v23, $0xA  }
0xf9: {  	v36 =	vbroadcast v23, $0xB;
	v31 =	vmul.f32 v31, v26;
	v34 =	vmin.f32 v16, v34  }
0xfa: {  	v38 =	vbroadcast v21, $0x9;
	v37 =	vbroadcast v23, $0x2;
	v30 =	vmax.f32 v30, $0.0e+00  }
0xfb: {  	v26 =	vmin.f32 v16, v35;
	v35 =	vmin.f32 v15, v36;
	v27 =	vmul.f32 v27, v30  }
0xfc: {  	v30 =	vmin.f32 v16, v37;
	v36 =	vbroadcast v23, $0x3;
	v28 =	vsub.f32 v28, v31  }
0xfd: {  	v39 =	vbroadcast v23, $0x4;
	v38 =	vmax.f32 v17, v38;
	v37 =	vbroadcast v23, $0x1  }
0xfe: {  	v40 =	vbroadcast v21, $0xB;
	v36 =	vmin.f32 v15, v36;
	v32 =	vsub.f32 v32, v27  }
0xff: {  	v41 =	vbroadcast v23, $0x0;
	v37 =	vmax.f32 v17, v37;
	v28 =	vmul.f32 $5.000000000e-01, v28  }
0x100: {  	v36 =	vsub.f32 v36, v37;
	v37 =	vbroadcast v21, $0x0;
	v32 =	vmul.f32 $5.000000000e-01, v32  }
0x101: {  	v42 =	vbroadcast v23, $0x9;
	v40 =	vmin.f32 v15, v40;
	vm5 =	vgt.f32 v31, v28  }
0x102: {  	v28 =	vmax.f32 v18, v41;
	v31 =	vmax.f32 v36, $0.0e+00;
	vm6 =	vgt.f32 v27, v32  }
0x103: {  	v27 =	vsub.f32 v30, v28;
	v32 =	vmax.f32 v17, v42;
	v28 =	vmul.f32 $5.000000000e-01, v33  }
0x104: {  	vm3 =	vmand vm3, vm5;
	v30 =	vadd.f32 v39, v20;
	v33 =	vsub.f32 v40, v38  }
0x105: {  	v36 =	vmax.f32 v18, v37;
	v27 =	vmax.f32 v27, $0.0e+00;
	vm5 =	vgt.f32 v29, v28  }
0x106: {  	v37 =	vbroadcast v21, $0x3;
	v31 =	vmul.f32 v31, v27;
	v27 =	vmax.f32 v33, $0.0e+00  }
0x107: {  	v28 =	vsub.f32 v34, v36;
	v33 =	vbroadcast v21, $0xA;
	vm2 =	vmand vm2, vm5  }
0x108: {  	vm0 =	vmand vm0, vm6;
	v34 =	vbroadcast v21, $0x1;
	v30 =	vsub.f32 v30, v31  }
.Ltmp4:
0x109: {  	vm1 =	vmor vm1, vm3;
	v36 =	vbroadcast v23, $0xC;
	v29 =	vmax.f32 v28, $0.0e+00;
	(pc) =	sbr.rel @p2 .LBB2_5-.Ltmp4, $4  }
0x10a: {  	v34 =	vmax.f32 v17, v34;
	vm1 =	vmor vm1, vm2;
	v38 =	vmul.f32 $5.000000000e-01, v30  }
0x10b: {  	v28 =	vadd.f32 v36, v20;
	vm0 =	vmor vm0, vm1;
	v30 =	vmin.f32 v16, v33  }
0x10c: {  	v36 =	vsel vm0, $0x1, v0;
	v33 =	vmin.f32 v15, v37;
	vm1 =	vgt.f32 v31, v38  }
0x10d: {  	s8 =	sadd.s32 $0x4, s8;
	s9 =	sadd.s32 $0x20, s9;
	v25 =	vor.u32 v36, v25;
	v31 =	vsub.f32 v35, v32;
	v32 =	vsub.f32 v33, v34  }
.LBB2_6:
0x10e: {  	v23 =	vbroadcast v23, $0x8;
	_ =	sdelay $0x1  }
0x10f: {  	v23 =	vmax.f32 v18, v23  }
0x110: {  	v23 =	vsub.f32 v26, v23  }
0x111: {  	v22 =	vmax.f32 v18, v22  }
0x112: {  	v60 =	vmax.f32 v31, $0.0e+00;
	v22 =	vsub.f32 v30, v22;
	v23 =	vmax.f32 v23, $0.0e+00  }
0x113: {  	v21 =	vbroadcast v21, $0xC;
	v61 =	vmax.f32 v32, $0.0e+00;
	v23 =	vmul.f32 v60, v23  }
0x114: {  	v24 =	vadd.f32 v24, v20;
	v62 =	vmul.f32 v61, v29;
	v22 =	vmax.f32 v22, $0.0e+00  }
0x115: {  	v21 =	vadd.f32 v21, v20;
	v22 =	vmul.f32 v27, v22;
	v63 =	vsub.f32 v28, v23  }
0x116: {  	vm0 =	vmmov vm4;
	v24 =	vsub.f32 v24, v62  }
0x117: {  	s6 =	sadd.s32 $0xFFFFFFFE, s6;
	vm2 =	vmmov vm4;
	v21 =	vsub.f32 v21, v22;
	v27 =	vmul.f32 $5.000000000e-01, v63  }
0x118: {  	vm3 =	vmmov vm4;
	vm0 =	vmneg @p0 vm0;
	p0 =	slt.s32 s6, s3;
	v24 =	vmul.f32 $5.000000000e-01, v24  }
0x119: {  	vm2 =	vmneg @p0 vm2;
	v21 =	vmul.f32 $5.000000000e-01, v21;
	vm5 =	vgt.f32 v23, v27  }
0x11a: {  	vm3 =	vmneg @p1 vm3;
	vm2 =	vmand vm2, vm5;
	vm5 =	vgt.f32 v62, v24  }
0x11b: {  	vm6 =	vgt.f32 v22, v21;
	vm0 =	vmand vm0, vm5;
	vm1 =	vmor vm1, vm2  }
0x11c: {  	vm2 =	vmand vm3, vm6;
	vm0 =	vmor vm1, vm0  }
.Ltmp5:
0x11d: {  	vm0 =	vmor vm2, vm0;
	(pc) =	sbr.rel .LBB2_7-.Ltmp5, $4  }
0x11e: {  	v21 =	vsel vm0, $0x1, v0  }
0x11f: {  	v21 =	vor.u32 v21, v25  }
0x120: {  	vm0 =	vgt.f32 v19, $5.000000070e-02;
	vm1 =	veq.s32 v21, $0x0  }
0x121: {  	vm0 =	vmand vm0, vm1  }
.LBB2_8:
0x122: {  	v2 =	vmov s3;
	v3 =	vlaneseq.u32  }
0x123: {  	vm0 =	vgt.s32 v2, v3;
	v1 =	vmul.u32 $0x8, v3;
	_ =	sdelay $0x4  }
0x124: {  	s2 =	simm.s32 $0xB400;
	v0 =	vmul.u32 $0x5, v3  }
0x125: {  	v4 =	vld.idx.msk [tilespmem:v1+s2+$0x0], vm0  }
0x126: {  	v5 =	vor.u32 $0x1, v1;
	_ =	sdelay $0x2  }
0x127: {  	s29 =	simm.s32 $0xB800  }
0x128: {  	[tilespmem:v0+s29+$0x0] =	vst.idx.msk vm0, v4  }
0x129: {  	v49 =	vadd.s32 $0x1, v0;
	v4 =	vld.idx.msk [tilespmem:v5+s2+$0x0], vm0  }
0x12a: {  	v6 =	vor.u32 $0x2, v1;
	_ =	sdelay $0x3  }
0x12b: {  	[tilespmem:v49+s29+$0x0] =	vst.idx.msk vm0, v4  }
0x12c: {  	v50 =	vadd.s32 $0x2, v0;
	v4 =	vld.idx.msk [tilespmem:v6+s2+$0x0], vm0  }
0x12d: {  	v51 =	vor.u32 $0x3, v1;
	_ =	sdelay $0x3  }
0x12e: {  	[tilespmem:v50+s29+$0x0] =	vst.idx.msk vm0, v4  }
0x12f: {  	v52 =	vadd.s32 $0x3, v0;
	v4 =	vld.idx.msk [tilespmem:v51+s2+$0x0], vm0  }
0x130: {  	v53 =	vor.u32 $0x5, v1;
	_ =	sdelay $0x3  }
0x131: {  	v54 =	vor.u32 $0x10, v3;
	[tilespmem:v52+s29+$0x0] =	vst.idx.msk vm0, v4  }
0x132: {  	vm1 =	vgt.s32 v2, v54;
	v55 =	vadd.s32 $0x4, v0;
	v5 =	vld.idx.msk [tilespmem:v53+s2+$0x0], vm0  }
0x133: {  	v56 =	vor.u32 $0x80, v1;
	_ =	sdelay $0x3  }
0x134: {  	[tilespmem:v55+s29+$0x0] =	vst.idx.msk vm0, v5  }
0x135: {  	v57 =	vadd.s32 $0x50, v0;
	v4 =	vld.idx.msk [tilespmem:v56+s2+$0x0], vm1  }
0x136: {  	v58 =	vor.u32 $0x81, v1;
	_ =	sdelay $0x3  }
0x137: {  	[tilespmem:v57+s29+$0x0] =	vst.idx.msk vm1, v4  }
0x138: {  	v59 =	vadd.s32 $0x51, v0;
	v4 =	vld.idx.msk [tilespmem:v58+s2+$0x0], vm1  }
0x139: {  	v60 =	vor.u32 $0x82, v1;
	_ =	sdelay $0x3  }
0x13a: {  	[tilespmem:v59+s29+$0x0] =	vst.idx.msk vm1, v4  }
0x13b: {  	v61 =	vadd.s32 $0x52, v0;
	v4 =	vld.idx.msk [tilespmem:v60+s2+$0x0], vm1  }
0x13c: {  	v62 =	vor.u32 $0x83, v1;
	_ =	sdelay $0x3  }
0x13d: {  	[tilespmem:v61+s29+$0x0] =	vst.idx.msk vm1, v4  }
0x13e: {  	v63 =	vadd.s32 $0x53, v0;
	v4 =	vld.idx.msk [tilespmem:v62+s2+$0x0], vm1  }
0x13f: {  	v9 =	vor.u32 $0x85, v1;
	_ =	sdelay $0x3  }
0x140: {  	v10 =	vor.u32 $0x20, v3;
	[tilespmem:v63+s29+$0x0] =	vst.idx.msk vm1, v4  }
0x141: {  	vm11 =	vgt.s32 v2, v10;
	v11 =	vadd.s32 $0x54, v0;
	v5 =	vld.idx.msk [tilespmem:v9+s2+$0x0], vm1  }
0x142: {  	v12 =	vor.u32 $0x100, v1;
	_ =	sdelay $0x3  }
0x143: {  	[tilespmem:v11+s29+$0x0] =	vst.idx.msk vm1, v5  }
0x144: {  	v13 =	vadd.s32 $0xA0, v0;
	v4 =	vld.idx.msk [tilespmem:v12+s2+$0x0], vm11  }
0x145: {  	v14 =	vor.u32 $0x101, v1;
	_ =	sdelay $0x3  }
0x146: {  	[tilespmem:v13+s29+$0x0] =	vst.idx.msk vm11, v4  }
0x147: {  	v15 =	vadd.s32 $0xA1, v0;
	v4 =	vld.idx.msk [tilespmem:v14+s2+$0x0], vm11  }
0x148: {  	v16 =	vor.u32 $0x102, v1;
	_ =	sdelay $0x3  }
0x149: {  	[tilespmem:v15+s29+$0x0] =	vst.idx.msk vm11, v4  }
0x14a: {  	v17 =	vadd.s32 $0xA2, v0;
	v4 =	vld.idx.msk [tilespmem:v16+s2+$0x0], vm11  }
0x14b: {  	v18 =	vor.u32 $0x103, v1;
	_ =	sdelay $0x3  }
0x14c: {  	[tilespmem:v17+s29+$0x0] =	vst.idx.msk vm11, v4  }
0x14d: {  	v19 =	vadd.s32 $0xA3, v0;
	v4 =	vld.idx.msk [tilespmem:v18+s2+$0x0], vm11  }
0x14e: {  	v20 =	vor.u32 $0x105, v1;
	_ =	sdelay $0x3  }
0x14f: {  	v21 =	vor.u32 $0x30, v3;
	[tilespmem:v19+s29+$0x0] =	vst.idx.msk vm11, v4  }
0x150: {  	vm12 =	vgt.s32 v2, v21;
	v22 =	vadd.s32 $0xA4, v0;
	v5 =	vld.idx.msk [tilespmem:v20+s2+$0x0], vm11  }
0x151: {  	v23 =	vor.u32 $0x180, v1;
	_ =	sdelay $0x3  }
0x152: {  	[tilespmem:v22+s29+$0x0] =	vst.idx.msk vm11, v5  }
0x153: {  	v24 =	vadd.s32 $0xF0, v0;
	v4 =	vld.idx.msk [tilespmem:v23+s2+$0x0], vm12  }
0x154: {  	v25 =	vor.u32 $0x181, v1;
	_ =	sdelay $0x3  }
0x155: {  	[tilespmem:v24+s29+$0x0] =	vst.idx.msk vm12, v4  }
0x156: {  	v26 =	vadd.s32 $0xF1, v0;
	v4 =	vld.idx.msk [tilespmem:v25+s2+$0x0], vm12  }
0x157: {  	v27 =	vor.u32 $0x182, v1;
	_ =	sdelay $0x3  }
0x158: {  	[tilespmem:v26+s29+$0x0] =	vst.idx.msk vm12, v4  }
0x159: {  	v28 =	vadd.s32 $0xF2, v0;
	v4 =	vld.idx.msk [tilespmem:v27+s2+$0x0], vm12  }
0x15a: {  	v29 =	vor.u32 $0x183, v1;
	_ =	sdelay $0x3  }
0x15b: {  	[tilespmem:v28+s29+$0x0] =	vst.idx.msk vm12, v4  }
0x15c: {  	v30 =	vadd.s32 $0xF3, v0;
	v4 =	vld.idx.msk [tilespmem:v29+s2+$0x0], vm12  }
0x15d: {  	v31 =	vor.u32 $0x185, v1;
	_ =	sdelay $0x3  }
0x15e: {  	v32 =	vor.u32 $0x40, v3;
	[tilespmem:v30+s29+$0x0] =	vst.idx.msk vm12, v4  }
0x15f: {  	vm13 =	vgt.s32 v2, v32;
	v33 =	vadd.s32 $0xF4, v0;
	v5 =	vld.idx.msk [tilespmem:v31+s2+$0x0], vm12  }
0x160: {  	v34 =	vor.u32 $0x200, v1;
	_ =	sdelay $0x3  }
0x161: {  	[tilespmem:v33+s29+$0x0] =	vst.idx.msk vm12, v5  }
0x162: {  	v35 =	vadd.s32 $0x140, v0;
	v4 =	vld.idx.msk [tilespmem:v34+s2+$0x0], vm13  }
0x163: {  	v36 =	vor.u32 $0x201, v1;
	_ =	sdelay $0x3  }
0x164: {  	[tilespmem:v35+s29+$0x0] =	vst.idx.msk vm13, v4  }
0x165: {  	v37 =	vadd.s32 $0x141, v0;
	v4 =	vld.idx.msk [tilespmem:v36+s2+$0x0], vm13  }
0x166: {  	v38 =	vor.u32 $0x202, v1;
	_ =	sdelay $0x3  }
0x167: {  	[tilespmem:v37+s29+$0x0] =	vst.idx.msk vm13, v4  }
0x168: {  	v39 =	vadd.s32 $0x142, v0;
	v4 =	vld.idx.msk [tilespmem:v38+s2+$0x0], vm13  }
0x169: {  	v40 =	vor.u32 $0x203, v1;
	_ =	sdelay $0x3  }
0x16a: {  	[tilespmem:v39+s29+$0x0] =	vst.idx.msk vm13, v4  }
0x16b: {  	v41 =	vadd.s32 $0x143, v0;
	v4 =	vld.idx.msk [tilespmem:v40+s2+$0x0], vm13  }
0x16c: {  	v42 =	vor.u32 $0x205, v1;
	_ =	sdelay $0x3  }
0x16d: {  	v43 =	vor.u32 $0x50, v3;
	[tilespmem:v41+s29+$0x0] =	vst.idx.msk vm13, v4  }
0x16e: {  	vm14 =	vgt.s32 v2, v43;
	v44 =	vadd.s32 $0x144, v0;
	v5 =	vld.idx.msk [tilespmem:v42+s2+$0x0], vm13  }
0x16f: {  	v45 =	vor.u32 $0x280, v1;
	_ =	sdelay $0x3  }
0x170: {  	[tilespmem:v44+s29+$0x0] =	vst.idx.msk vm13, v5  }
0x171: {  	v46 =	vadd.s32 $0x190, v0;
	v4 =	vld.idx.msk [tilespmem:v45+s2+$0x0], vm14  }
0x172: {  	v47 =	vor.u32 $0x281, v1;
	_ =	sdelay $0x3  }
0x173: {  	[tilespmem:v46+s29+$0x0] =	vst.idx.msk vm14, v4  }
0x174: {  	v48 =	vadd.s32 $0x191, v0;
	v4 =	vld.idx.msk [tilespmem:v47+s2+$0x0], vm14  }
0x175: {  	v49 =	vor.u32 $0x282, v1;
	_ =	sdelay $0x3  }
0x176: {  	[tilespmem:v48+s29+$0x0] =	vst.idx.msk vm14, v4  }
0x177: {  	v50 =	vadd.s32 $0x192, v0;
	v4 =	vld.idx.msk [tilespmem:v49+s2+$0x0], vm14  }
0x178: {  	v51 =	vor.u32 $0x283, v1;
	_ =	sdelay $0x3  }
0x179: {  	[tilespmem:v50+s29+$0x0] =	vst.idx.msk vm14, v4  }
0x17a: {  	v52 =	vadd.s32 $0x193, v0;
	v4 =	vld.idx.msk [tilespmem:v51+s2+$0x0], vm14  }
0x17b: {  	v53 =	vor.u32 $0x285, v1;
	_ =	sdelay $0x2  }
0x17c: {  	v3 =	vor.u32 $0x60, v3  }
0x17d: {  	vm2 =	vmmov $0xf;
	vm15 =	vgt.s32 v2, v3;
	[tilespmem:v52+s29+$0x0] =	vst.idx.msk vm14, v4  }
0x17e: {  	vm0 =	vmand vm15, vm2;
	v55 =	vadd.s32 $0x194, v0;
	v54 =	vld.idx.msk [tilespmem:v53+s2+$0x0], vm14  }
0x17f: {  	v56 =	vor.u32 $0x300, v1;
	_ =	sdelay $0x3  }
0x180: {  	[tilespmem:v55+s29+$0x0] =	vst.idx.msk vm14, v54  }
0x181: {  	v57 =	vadd.s32 $0x1E0, v0;
	v2 =	vld.idx.msk [tilespmem:v56+s2+$0x0], vm0  }
0x182: {  	v58 =	vor.u32 $0x301, v1;
	_ =	sdelay $0x3  }
0x183: {  	[tilespmem:v57+s29+$0x0] =	vst.idx.msk vm0, v2  }
0x184: {  	v59 =	vadd.s32 $0x1E1, v0;
	v2 =	vld.idx.msk [tilespmem:v58+s2+$0x0], vm0  }
0x185: {  	v60 =	vor.u32 $0x302, v1;
	_ =	sdelay $0x3  }
0x186: {  	[tilespmem:v59+s29+$0x0] =	vst.idx.msk vm0, v2  }
0x187: {  	v61 =	vadd.s32 $0x1E2, v0;
	v2 =	vld.idx.msk [tilespmem:v60+s2+$0x0], vm0  }
0x188: {  	v62 =	vor.u32 $0x303, v1;
	_ =	sdelay $0x3  }
0x189: {  	[tilespmem:v61+s29+$0x0] =	vst.idx.msk vm0, v2  }
0x18a: {  	v63 =	vadd.s32 $0x1E3, v0;
	v2 =	vld.idx.msk [tilespmem:v62+s2+$0x0], vm0  }
0x18b: {  	v1 =	vor.u32 $0x305, v1;
	_ =	sdelay $0x3  }
0x18c: {  	[tilespmem:v63+s29+$0x0] =	vst.idx.msk vm0, v2  }
0x18d: {  	v0 =	vadd.s32 $0x1E4, v0;
	v1 =	vld.idx.msk [tilespmem:v1+s2+$0x0], vm0;
	_ =	sdelay $0x4  }
0x18e: {  	s30 =	simm.s32 $0x0;
	s31 =	simm.s32 $0x3;
	[tilespmem:v0+s29+$0x0] =	vst.idx.msk vm0, v1  }
0x18f: {  	[hbm4b:s1+s30] =	stream.linear.scatter [tilespmem:s29], [sflag:$0x3], $0x200, $0x38;
	[tilespmem:$0xBA00] =	vst v63  }
0x190: {  	_ =	swait.ge [sflag:s31], $0x200  }
0x191: {  	[sflag:s31] =	ssyncset.done $0x0  }
0x192: {  	[sflag:s31] =	ssyncadd.s32 $0xFFFFFE00  }
0x193: {  	_ =	sfence.sel $0x180000  }
0x194: {  	[bflag:$0x0] =	sbarrier.arrive $0xFFFF  }
0x195: {  	_ =	strace $0x90000047  }
0x196: {  	s0 =	sadd.s32 $0x100000, s0;
	[bflag:$0x2] =	sbarrier.arrive $0xFFFF  }
0x197: {  	[sflag:s0] =	ssyncadd.tile.s32 $0x1;
	_ =	shalt  }
.Lfunc_end2:
_tile_overlayer_lowered:
.L_overlay_start_2:
0x198: {  	(tag) =	ssettag $0x2  }
0x199: {  	s0 =	rddreg [dreg:$0x0];
	s2 =	stileid.u32  }
0x19a: {  	s1 =	rddreg [dreg:$0x1];
	p0 =	sne.s32 s2, $0x0  }
0x19b: {  	s3 =	rddreg [dreg:$0x2];
	[bflag:$0x3] =	sbarrier.arrive $0xFFFF;
	s2 =	simm.s32 @!p0 $0x1C03  }
0x19c: {  	[timem:s3], [sflag:s2] =	dma.local @!p0 [hbm:s0], s1  }
0x19d: {  	s0 =	simm.s32 @!p0 $0x3  }
0x19e: {  	_ =	swait.ge @!p0 [sflag:s0], s1  }
0x19f: {  	s1 =	ssub.s32 @!p0 $0x0, s1;
	[sflag:s0] =	ssyncset.done @!p0 $0x0  }
0x1a0: {  	[sflag:s0] =	ssyncadd.s32 @!p0 s1  }
0x1a1: {  	[bflag:$0x3] =	sbarrier.arrive $0xFFFF  }
0x1a2: {  	_ =	shalt  }

</sc_bundles>
